<compile_context>
chip_gen: v7x
topology: tpu7x:2x2x1
jax: 0.10.2.dev20260603
libtpu: 0.0.44.dev20260713+nightly
codegen_flags: <defaults>
</compile_context>

<pallas_src>
import dataclasses
import functools

import jax
import jax.numpy as jnp
from jax import lax
from jax.experimental import pallas as pl
from jax.experimental.pallas import tpu as pltpu
from jax.experimental.pallas import tpu_sc as plsc

N = 10000
E = 320000
VOCAB = 3000
FEAT = 127

NPAD = 10240
NC, NS = 2, 16
NW = NC * NS
ROWS_PER_SUB = NPAD // NS

EPW = 10240
EPAD = NW * EPW
ECHUNK = 128
NCHUNK = EPW // ECHUNK
NPHASE = 2
CPP = NCHUNK // NPHASE
HCH = EPW // 16
HR = NPAD // 128

IPW = NPAD // NW
ICHUNK = 64
NICHUNK = IPW // ICHUNK

BLK = 512

_mesh = plsc.VectorSubcoreMesh(core_axis_name="c", subcore_axis_name="s")

_cp = pltpu.CompilerParams()
if "needs_layout_passes" in pltpu.CompilerParams.__dataclass_fields__:
    _cp = dataclasses.replace(_cp, needs_layout_passes=False)



@functools.partial(
    pl.kernel,
    mesh=_mesh,
    out_type=jax.ShapeDtypeStruct((NC, HR, 128), jnp.float32),
    compiler_params=_cp,
    scratch_types=[
        pltpu.VMEM((HCH, 16), jnp.int32),
        pltpu.VMEM((HR, 128), jnp.float32),
        pltpu.VMEM((1, HR), jnp.int32),
        pltpu.VMEM_SHARED((HR, 128), jnp.float32),
    ],
)
def _deg_kernel(dst_hbm, out_hbm, dst_v, hist_l, idv, hist_s):
    c = lax.axis_index("c")
    s = lax.axis_index("s")
    wid = s * NC + c
    pltpu.sync_copy(dst_hbm.at[wid], dst_v)

    @pl.loop(0, HR)
    def _(r):
        @pl.loop(0, 8)
        def _(k):
            hist_l[r, pl.ds(pl.multiple_of(k * 16, 16), 16)] = (
                jnp.zeros((16,), jnp.float32))

    @pl.loop(0, HR // 16)
    def _(k):
        idv[0, pl.ds(pl.multiple_of(k * 16, 16), 16)] = (
            lax.iota(jnp.int32, 16) + k * 16)

    @pl.when(s == 0)
    def _():
        pltpu.sync_copy(hist_l, hist_s)

    plsc.subcore_barrier()
    ones = jnp.full((16,), 1.0, jnp.float32)

    @pl.loop(0, HCH)
    def _(i):
        d = dst_v[i]
        plsc.addupdate_scatter(hist_l, [d >> 7, d & 127], ones)

    pltpu.sync_copy(hist_l, hist_s.at[idv.at[0]], add=True)
    plsc.subcore_barrier()

    @pl.when(s < HR // 8)
    def _():
        r0 = pl.multiple_of(s * 8, 8)
        pltpu.sync_copy(hist_s.at[pl.ds(r0, 8)], out_hbm.at[c, pl.ds(r0, 8)])


@functools.partial(
    pl.kernel,
    mesh=_mesh,
    out_type=jax.ShapeDtypeStruct((NPAD, 128), jnp.float32),
    scratch_types=[
        pltpu.VMEM((NICHUNK, ICHUNK), jnp.int32),
        pltpu.VMEM((ICHUNK, 128), jnp.float32),
        pltpu.SemaphoreType.DMA,
    ],
)
def _gather_kernel(table_hbm, idx_hbm, out_hbm, idx_v, buf_v, sem):
    c = lax.axis_index("c")
    s = lax.axis_index("s")
    wid = s * NC + c
    pltpu.sync_copy(idx_hbm.at[wid], idx_v)

    @pl.loop(0, NICHUNK)
    def _(j):
        pltpu.async_copy(table_hbm.at[idx_v.at[j]], buf_v, sem).wait()
        pltpu.sync_copy(buf_v, out_hbm.at[pl.ds(wid * IPW + j * ICHUNK, ICHUNK)])


@functools.partial(
    pl.kernel,
    mesh=_mesh,
    out_type=jax.ShapeDtypeStruct((NC, NPAD, 128), jnp.float32),
    scratch_types=[
        pltpu.VMEM((CPP, ECHUNK), jnp.int32),
        pltpu.VMEM((CPP, ECHUNK), jnp.int32),
        pltpu.VMEM((ECHUNK, 128), jnp.float32),
        pltpu.VMEM((ECHUNK, 128), jnp.float32),
        pltpu.VMEM_SHARED((NPAD, 128), jnp.float32),
        pltpu.SemaphoreType.DMA,
        pltpu.SemaphoreType.DMA,
    ],
)
def _msg_kernel(hws_hbm, src_hbm, dst_hbm, zeros_hbm, out_hbm,
                src_v, dst_v, buf_a, buf_b, acc, sem_a, sem_b):
    c = lax.axis_index("c")
    s = lax.axis_index("s")
    wid = s * NC + c
    r0 = s * ROWS_PER_SUB
    pltpu.sync_copy(zeros_hbm.at[pl.ds(r0, ROWS_PER_SUB)],
                    acc.at[pl.ds(r0, ROWS_PER_SUB)])
    plsc.subcore_barrier()

    @pl.loop(0, NPHASE)
    def _(p):
        pltpu.sync_copy(src_hbm.at[wid, pl.ds(p * CPP, CPP)], src_v)
        pltpu.sync_copy(dst_hbm.at[wid, pl.ds(p * CPP, CPP)], dst_v)
        pltpu.async_copy(hws_hbm.at[src_v.at[0]], buf_a, sem_a)

        @pl.loop(0, CPP, step=2)
        def _(j):
            pltpu.make_async_copy(hws_hbm.at[src_v.at[j]], buf_a, sem_a).wait()
            pltpu.async_copy(hws_hbm.at[src_v.at[j + 1]], buf_b, sem_b)
            pltpu.sync_copy(buf_a, acc.at[dst_v.at[j]], add=True)
            pltpu.make_async_copy(hws_hbm.at[src_v.at[j + 1]], buf_b,
                                  sem_b).wait()

            @pl.when(j + 2 < CPP)
            def _():
                pltpu.async_copy(hws_hbm.at[src_v.at[j + 2]], buf_a, sem_a)

            pltpu.sync_copy(buf_b, acc.at[dst_v.at[j + 1]], add=True)

    plsc.subcore_barrier()
    pltpu.sync_copy(acc.at[pl.ds(r0, ROWS_PER_SUB)],
                    out_hbm.at[c, pl.ds(r0, ROWS_PER_SUB)])



def _embw_body(emb_ref, w_ref, out_ref):
    out_ref[...] = jnp.dot(emb_ref[...], w_ref[...],
                           preferred_element_type=jnp.float32)


def _dinv_body(hist_ref, out_ref):
    out_ref[...] = lax.rsqrt(hist_ref[0] + hist_ref[1] + 1.0)


def _layer0_body(x_ref, g_ref, dv_ref, w_ref, out_ref):
    dv = dv_ref[...]
    hw = jnp.dot(x_ref[...], w_ref[...],
                 preferred_element_type=jnp.float32) + g_ref[...]
    out_ref[...] = hw * dv


def _layer_body(p_ref, hws_ref, dv_ref, b_ref, w_ref, out_ref):
    dv = dv_ref[...]
    tot = p_ref[0] + p_ref[1] + hws_ref[...]
    h = jnp.maximum(tot * dv + b_ref[...], 0.0)
    out_ref[...] = jnp.dot(h, w_ref[...],
                           preferred_element_type=jnp.float32) * dv


def _final_body(p_ref, hws_ref, dv_ref, b_ref, out_ref):
    dv = dv_ref[...]
    tot = p_ref[0] + p_ref[1] + hws_ref[...]
    out_ref[...] = tot * dv + b_ref[...]


_row_spec = pl.BlockSpec((BLK, 128), lambda i: (i, 0))
_dv_spec = pl.BlockSpec((BLK, 1), lambda i: (i, 0))
_p_spec = pl.BlockSpec((2, BLK, 128), lambda i: (0, i, 0))
_w_spec = pl.BlockSpec((128, 128), lambda i: (0, 0))
_b_spec = pl.BlockSpec((1, 128), lambda i: (0, 0))
_grid = (NPAD // BLK,)


def _embw(emb, w0r):
    return pl.pallas_call(
        _embw_body,
        out_shape=jax.ShapeDtypeStruct((VOCAB, 128), jnp.float32),
    )(emb, w0r)


def _dinv_tc(hist):
    return pl.pallas_call(
        _dinv_body,
        out_shape=jax.ShapeDtypeStruct((HR, 128), jnp.float32),
    )(hist)


def _layer0(x_p, g, dv, w0l):
    return pl.pallas_call(
        _layer0_body,
        grid=_grid,
        in_specs=[_row_spec, _row_spec, _dv_spec, _w_spec],
        out_specs=_row_spec,
        out_shape=jax.ShapeDtypeStruct((NPAD, 128), jnp.float32),
    )(x_p, g, dv, w0l)


def _layer(p, hws, dv, b, w):
    return pl.pallas_call(
        _layer_body,
        grid=_grid,
        in_specs=[_p_spec, _row_spec, _dv_spec, _b_spec, _w_spec],
        out_specs=_row_spec,
        out_shape=jax.ShapeDtypeStruct((NPAD, 128), jnp.float32),
    )(p, hws, dv, b, w)


def _final(p, hws, dv, b):
    return pl.pallas_call(
        _final_body,
        grid=_grid,
        in_specs=[_p_spec, _row_spec, _dv_spec, _b_spec],
        out_specs=_row_spec,
        out_shape=jax.ShapeDtypeStruct((NPAD, 128), jnp.float32),
    )(p, hws, dv, b)



def kernel(x, edge_index, emb, W0, b0, W1, b1, W2, b2, W3, b3):
    src, dst = edge_index[0], edge_index[1]
    pad_iota = jnp.arange(EPAD - E, dtype=jnp.int32)
    src_pad = pad_iota % N
    dst_pad = N + pad_iota % (NPAD - N)
    src3 = jnp.concatenate([src, src_pad]).reshape(NW, NCHUNK, ECHUNK)
    dst_p = jnp.concatenate([dst, dst_pad])
    dst3 = dst_p.reshape(NW, NCHUNK, ECHUNK)
    dst16 = dst_p.reshape(NW, HCH, 16)

    idx = x[:, -1].astype(jnp.int32)
    idx3 = jnp.concatenate(
        [idx, jnp.zeros((NPAD - N,), jnp.int32)]).reshape(NW, NICHUNK, ICHUNK)

    x_p = jnp.concatenate([x, jnp.zeros((NPAD - N, 128), jnp.float32)])
    zeros128 = jnp.zeros((NPAD, 128), jnp.float32)

    w0l = jnp.concatenate([W0[:FEAT], jnp.zeros((1, 128), jnp.float32)])
    w0r = W0[FEAT:]

    hist = _deg_kernel(dst16)
    dv = _dinv_tc(hist).reshape(NPAD, 1)

    embw = _embw(emb, w0r)
    g = _gather_kernel(embw, idx3)

    hws = _layer0(x_p, g, dv, w0l)
    for b, w in ((b0, W1), (b1, W2), (b2, W3)):
        p = _msg_kernel(hws, src3, dst3, zeros128)
        hws = _layer(p, hws, dv, b.reshape(1, 128), w)
    p = _msg_kernel(hws, src3, dst3, zeros128)
    out = _final(p, hws, dv, b3.reshape(1, 128))
    return out[:N]

# --- scband reference (transcript-rebuilt; emitter-appended) ---
"""Pipeline reference for scband-encoder-23605140259289 (READ-ONLY COPY).

The authoritative reference and input builder live on the scoring server;
editing this copy changes nothing except your own understanding.
"""

import jax, jax.numpy as jnp
import numpy as np

N = 10000
E = 320000
IN = 128
HID = 128
OUT = 128
EMB = 192
VOCAB = 3000


def _gcn(h, src, dst, W, b, n):
    # GCNConv (PyG default): add self-loops, symmetric normalization, linear transform, scatter-add
    loop = jnp.arange(n, dtype=src.dtype)
    s = jnp.concatenate([src, loop])
    d = jnp.concatenate([dst, loop])
    deg = jax.ops.segment_sum(jnp.ones(s.shape, dtype=h.dtype), d, num_segments=n)
    dinv = jnp.where(deg > 0, jax.lax.rsqrt(jnp.maximum(deg, 1e-12)), 0.0)
    norm = dinv[s] * dinv[d]
    hw = h @ W
    msg = hw[s] * norm[:, None]
    out = jax.ops.segment_sum(msg, d, num_segments=n)
    return out + b


def setup_inputs(seed: int = 0) -> dict:
    key = jax.random.key(seed)
    ks = jax.random.split(key, 16)
    feat = jax.random.normal(ks[0], (N, IN - 1), dtype=jnp.float32)
    idx = jax.random.randint(ks[1], (N,), 0, VOCAB)
    x = jnp.concatenate([feat, idx.astype(jnp.float32)[:, None]], axis=1)
    edge_index = jax.random.randint(ks[2], (2, E), 0, N, dtype=jnp.int32)
    emb = jax.random.normal(ks[3], (VOCAB, EMB), dtype=jnp.float32)
    emb = emb.at[0].set(0.0)  # padding_idx=0
    in_feat = IN + EMB - 1  # 319
    dims = [(in_feat, HID), (HID, HID), (HID, HID), (HID, OUT)]
    inp = {"x": x, "edge_index": edge_index, "emb": emb}
    for i, (di, do) in enumerate(dims):
        inp["W%d" % i] = jax.random.normal(ks[4 + i], (di, do), dtype=jnp.float32) / np.sqrt(di)
        inp["b%d" % i] = jnp.zeros((do,), dtype=jnp.float32)
    return inp


def reference(x, edge_index, emb, W0, b0, W1, b1, W2, b2, W3, b3):
    src, dst = edge_index[0], edge_index[1]
    indices = x[:, -1].astype(jnp.int32)
    one_hot = x[:, :-1]
    embedded = jnp.take(emb, indices, axis=0)
    h = jnp.concatenate([one_hot, embedded], axis=1)
    params = [(W0, b0), (W1, b1), (W2, b2), (W3, b3)]
    for i in range(3):
        h = jax.nn.relu(_gcn(h, src, dst, params[i][0], params[i][1], N))
    return _gcn(h, src, dst, W3, b3, N)

if __name__ == "__main__":
    import jax
    _d = setup_inputs()
    print(jax.jit(kernel)(*tuple(_d.values())))

</pallas_src>

<mosaic_0001>
#map = affine_map<(d0, d1) -> (0, 0)>
#map1 = affine_map<(d0, d1) -> (0, 0, 0)>
module attributes {stable_mosaic.version = 14 : i64} {
  func.func @_msg_kernel(%arg0: i32, %arg1: i32, %arg2: memref<10240x128xf32, #tpu.memory_space<hbm>>, %arg3: memref<32x80x128xi32, #tpu.memory_space<hbm>>, %arg4: memref<32x80x128xi32, #tpu.memory_space<hbm>>, %arg5: memref<10240x128xf32, #tpu.memory_space<hbm>>, %arg6: memref<2x10240x128xf32, #tpu.memory_space<hbm>>, %arg7: memref<40x128xi32, #tpu.memory_space<vmem>>, %arg8: memref<40x128xi32, #tpu.memory_space<vmem>>, %arg9: memref<128x128xf32, #tpu.memory_space<vmem>>, %arg10: memref<128x128xf32, #tpu.memory_space<vmem>>, %arg11: memref<10240x128xf32, #tpu.memory_space<vmem_shared>>, %arg12: memref<!tpu.dma_semaphore, #tpu.memory_space<semaphore_mem>>, %arg13: memref<!tpu.dma_semaphore, #tpu.memory_space<semaphore_mem>>) attributes {dimension_semantics = [#tpu.dimension_semantics<core_parallel>, #tpu.dimension_semantics<subcore_parallel>], iteration_bounds = array<i64: 2, 16>, scalar_prefetch = 0 : i64, scratch_operands = 7 : i64, tpu.core_type = #tpu.core_type<sc_vector_subcore>, window_params = [{transform_indices = #map}, {transform_indices = #map1}, {transform_indices = #map1}, {transform_indices = #map}, {transform_indices = #map1}]} {
    %mul3A = arith.constant 2 : i32
    %mul3A_0 = arith.muli %arg1, %mul3A : i32
    %add3A = arith.addi %mul3A_0, %arg0 : i32
    %mul3A_1 = arith.constant 640 : i32
    %mul3A_2 = arith.muli %arg1, %mul3A_1 : i32
    "tpu.region"() ({
      %run_scoped3A = tpu.sem_alloc : memref<!tpu.dma_semaphore, #tpu.memory_space<semaphore_mem>>
      %dma_start3A = arith.constant 0 : i32
      %dma_start3A_8 = tpu.memref_slice %arg11[%mul3A_2, %dma_start3A] : memref<10240x128xf32, #tpu.memory_space<vmem_shared>> -> memref<640x128xf32, #tpu.memory_space<vmem_shared>>
      %dma_start3A_9 = arith.constant 0 : i32
      %dma_start3A_10 = tpu.memref_slice %arg5[%mul3A_2, %dma_start3A_9] : memref<10240x128xf32, #tpu.memory_space<hbm>> -> memref<640x128xf32, #tpu.memory_space<hbm>>
      tpu.enqueue_dma source(%dma_start3A_10 : memref<640x128xf32, #tpu.memory_space<hbm>>) target(%dma_start3A_8 : memref<640x128xf32, #tpu.memory_space<vmem_shared>>) target_semaphore(%run_scoped3A : memref<!tpu.dma_semaphore, #tpu.memory_space<semaphore_mem>>)
      %dma_wait3A = arith.constant 0 : i32
      %dma_wait3A_11 = tpu.memref_slice %arg11[%mul3A_2, %dma_wait3A] : memref<10240x128xf32, #tpu.memory_space<vmem_shared>> -> memref<640x128xf32, #tpu.memory_space<vmem_shared>>
      %dma_wait3A_12 = arith.constant 0 : i32
      %dma_wait3A_13 = tpu.memref_slice %arg5[%mul3A_2, %dma_wait3A_12] : memref<10240x128xf32, #tpu.memory_space<hbm>> -> memref<640x128xf32, #tpu.memory_space<hbm>>
      tpu.wait_dma2 semaphore(%run_scoped3A : memref<!tpu.dma_semaphore, #tpu.memory_space<semaphore_mem>>) src(%dma_wait3A_13 : memref<640x128xf32, #tpu.memory_space<hbm>>) dst(%dma_wait3A_11 : memref<640x128xf32, #tpu.memory_space<vmem_shared>>)
      tpu.yield
    }) : () -> ()
    %barrier3A = arith.constant 0 : index
    tpu.barrier barrier_id(%barrier3A)
    %scan3A = arith.constant 0 : i32
    %scan3A_3 = arith.constant 2 : i32
    %scan3A_4 = arith.addi %scan3A, %scan3A_3 : i32
    %scan3A_5 = arith.constant 1 : i32
    scf.for %scan3A_8 = %scan3A to %scan3A_4 step %scan3A_5  : i32 {
      %mul3A_9 = arith.constant 1 : i32
      %mul3A_10 = arith.muli %scan3A_8, %mul3A_9 : i32
      %add3A_11 = arith.constant 0 : i32
      %add3A_12 = arith.addi %add3A_11, %mul3A_10 : i32
      %mul3A_13 = arith.constant 40 : i32
      %mul3A_14 = arith.muli %add3A_12, %mul3A_13 : i32
      "tpu.region"() ({
        %run_scoped3A = tpu.sem_alloc : memref<!tpu.dma_semaphore, #tpu.memory_space<semaphore_mem>>
        %dma_start3A_28 = arith.constant 0 : i32
        %dma_start3A_29 = tpu.memref_slice %arg3[%add3A, %mul3A_14, %dma_start3A_28] : memref<32x80x128xi32, #tpu.memory_space<hbm>> -> memref<1x40x128xi32, #tpu.memory_space<hbm>>
        %dma_start3A_30 = tpu.memref_squeeze %dma_start3A_29 : memref<1x40x128xi32, #tpu.memory_space<hbm>> -> memref<40x128xi32, #tpu.memory_space<hbm>>
        %dma_start3A_31 = arith.constant 0 : i32
        %dma_start3A_32 = tpu.memref_slice %arg3[%add3A, %mul3A_14, %dma_start3A_31] : memref<32x80x128xi32, #tpu.memory_space<hbm>> -> memref<1x40x128xi32, #tpu.memory_space<hbm>>
        %dma_start3A_33 = tpu.memref_squeeze %dma_start3A_32 : memref<1x40x128xi32, #tpu.memory_space<hbm>> -> memref<40x128xi32, #tpu.memory_space<hbm>>
        tpu.enqueue_dma source(%dma_start3A_33 : memref<40x128xi32, #tpu.memory_space<hbm>>) target(%arg7 : memref<40x128xi32, #tpu.memory_space<vmem>>) target_semaphore(%run_scoped3A : memref<!tpu.dma_semaphore, #tpu.memory_space<semaphore_mem>>)
        %dma_wait3A = arith.constant 0 : i32
        %dma_wait3A_34 = tpu.memref_slice %arg3[%add3A, %mul3A_14, %dma_wait3A] : memref<32x80x128xi32, #tpu.memory_space<hbm>> -> memref<1x40x128xi32, #tpu.memory_space<hbm>>
        %dma_wait3A_35 = tpu.memref_squeeze %dma_wait3A_34 : memref<1x40x128xi32, #tpu.memory_space<hbm>> -> memref<40x128xi32, #tpu.memory_space<hbm>>
        %dma_wait3A_36 = arith.constant 0 : i32
        %dma_wait3A_37 = tpu.memref_slice %arg3[%add3A, %mul3A_14, %dma_wait3A_36] : memref<32x80x128xi32, #tpu.memory_space<hbm>> -> memref<1x40x128xi32, #tpu.memory_space<hbm>>
        %dma_wait3A_38 = tpu.memref_squeeze %dma_wait3A_37 : memref<1x40x128xi32, #tpu.memory_space<hbm>> -> memref<40x128xi32, #tpu.memory_space<hbm>>
        tpu.wait_dma2 semaphore(%run_scoped3A : memref<!tpu.dma_semaphore, #tpu.memory_space<semaphore_mem>>) src(%dma_wait3A_38 : memref<40x128xi32, #tpu.memory_space<hbm>>) dst(%arg7 : memref<40x128xi32, #tpu.memory_space<vmem>>)
        tpu.yield
      }) : () -> ()
      %mul3A_15 = arith.constant 40 : i32
      %mul3A_16 = arith.muli %add3A_12, %mul3A_15 : i32
      "tpu.region"() ({
        %run_scoped3A = tpu.sem_alloc : memref<!tpu.dma_semaphore, #tpu.memory_space<semaphore_mem>>
        %dma_start3A_28 = arith.constant 0 : i32
        %dma_start3A_29 = tpu.memref_slice %arg4[%add3A, %mul3A_16, %dma_start3A_28] : memref<32x80x128xi32, #tpu.memory_space<hbm>> -> memref<1x40x128xi32, #tpu.memory_space<hbm>>
        %dma_start3A_30 = tpu.memref_squeeze %dma_start3A_29 : memref<1x40x128xi32, #tpu.memory_space<hbm>> -> memref<40x128xi32, #tpu.memory_space<hbm>>
        %dma_start3A_31 = arith.constant 0 : i32
        %dma_start3A_32 = tpu.memref_slice %arg4[%add3A, %mul3A_16, %dma_start3A_31] : memref<32x80x128xi32, #tpu.memory_space<hbm>> -> memref<1x40x128xi32, #tpu.memory_space<hbm>>
        %dma_start3A_33 = tpu.memref_squeeze %dma_start3A_32 : memref<1x40x128xi32, #tpu.memory_space<hbm>> -> memref<40x128xi32, #tpu.memory_space<hbm>>
        tpu.enqueue_dma source(%dma_start3A_33 : memref<40x128xi32, #tpu.memory_space<hbm>>) target(%arg8 : memref<40x128xi32, #tpu.memory_space<vmem>>) target_semaphore(%run_scoped3A : memref<!tpu.dma_semaphore, #tpu.memory_space<semaphore_mem>>)
        %dma_wait3A = arith.constant 0 : i32
        %dma_wait3A_34 = tpu.memref_slice %arg4[%add3A, %mul3A_16, %dma_wait3A] : memref<32x80x128xi32, #tpu.memory_space<hbm>> -> memref<1x40x128xi32, #tpu.memory_space<hbm>>
        %dma_wait3A_35 = tpu.memref_squeeze %dma_wait3A_34 : memref<1x40x128xi32, #tpu.memory_space<hbm>> -> memref<40x128xi32, #tpu.memory_space<hbm>>
        %dma_wait3A_36 = arith.constant 0 : i32
        %dma_wait3A_37 = tpu.memref_slice %arg4[%add3A, %mul3A_16, %dma_wait3A_36] : memref<32x80x128xi32, #tpu.memory_space<hbm>> -> memref<1x40x128xi32, #tpu.memory_space<hbm>>
        %dma_wait3A_38 = tpu.memref_squeeze %dma_wait3A_37 : memref<1x40x128xi32, #tpu.memory_space<hbm>> -> memref<40x128xi32, #tpu.memory_space<hbm>>
        tpu.wait_dma2 semaphore(%run_scoped3A : memref<!tpu.dma_semaphore, #tpu.memory_space<semaphore_mem>>) src(%dma_wait3A_38 : memref<40x128xi32, #tpu.memory_space<hbm>>) dst(%arg8 : memref<40x128xi32, #tpu.memory_space<vmem>>)
        tpu.yield
      }) : () -> ()
      %dma_start3A = arith.constant 0 : i32
      %dma_start3A_17 = arith.constant 0 : i32
      %dma_start3A_18 = tpu.memref_slice %arg7[%dma_start3A, %dma_start3A_17] : memref<40x128xi32, #tpu.memory_space<vmem>> -> memref<1x128xi32, #tpu.memory_space<vmem>>
      %dma_start3A_19 = tpu.memref_squeeze %dma_start3A_18 : memref<1x128xi32, #tpu.memory_space<vmem>> -> memref<128xi32, #tpu.memory_space<vmem>>
      %dma_start3A_20 = arith.constant 0 : i32
      %dma_start3A_21 = arith.constant 0 : i32
      %dma_start3A_22 = tpu.memref_slice %arg2[%dma_start3A_20, %dma_start3A_21] : memref<10240x128xf32, #tpu.memory_space<hbm>> -> memref<10240x128xf32, #tpu.memory_space<hbm>>
      tpu.enqueue_indirect_dma source(%dma_start3A_22 : memref<10240x128xf32, #tpu.memory_space<hbm>>) target(%arg9 : memref<128x128xf32, #tpu.memory_space<vmem>>) offsets(%dma_start3A_19 : memref<128xi32, #tpu.memory_space<vmem>>) semaphore(%arg12 : memref<!tpu.dma_semaphore, #tpu.memory_space<semaphore_mem>>)
      %scan3A_23 = arith.constant 0 : i32
      %scan3A_24 = arith.constant 20 : i32
      %scan3A_25 = arith.addi %scan3A_23, %scan3A_24 : i32
      %scan3A_26 = arith.constant 1 : i32
      scf.for %scan3A_28 = %scan3A_23 to %scan3A_25 step %scan3A_26  : i32 {
        %mul3A_29 = arith.constant 2 : i32
        %mul3A_30 = arith.muli %scan3A_28, %mul3A_29 : i32
        %add3A_31 = arith.constant 0 : i32
        %add3A_32 = arith.addi %add3A_31, %mul3A_30 : i32
        %dma_wait3A = arith.constant 0 : i32
        %dma_wait3A_33 = tpu.memref_slice %arg7[%add3A_32, %dma_wait3A] : memref<40x128xi32, #tpu.memory_space<vmem>> -> memref<1x128xi32, #tpu.memory_space<vmem>>
        %dma_wait3A_34 = tpu.memref_squeeze %dma_wait3A_33 : memref<1x128xi32, #tpu.memory_space<vmem>> -> memref<128xi32, #tpu.memory_space<vmem>>
        %dma_wait3A_35 = arith.constant 0 : i32
        %dma_wait3A_36 = arith.constant 0 : i32
        %dma_wait3A_37 = tpu.memref_slice %arg2[%dma_wait3A_35, %dma_wait3A_36] : memref<10240x128xf32, #tpu.memory_space<hbm>> -> memref<10240x128xf32, #tpu.memory_space<hbm>>
        tpu.wait_indirect_dma semaphore(%arg12 : memref<!tpu.dma_semaphore, #tpu.memory_space<semaphore_mem>>) src(%dma_wait3A_37 : memref<10240x128xf32, #tpu.memory_space<hbm>>) dst(%arg9 : memref<128x128xf32, #tpu.memory_space<vmem>>)
        %add3A_38 = arith.constant 1 : i32
        %add3A_39 = arith.addi %add3A_32, %add3A_38 : i32
        %dma_start3A_40 = arith.constant 0 : i32
        %dma_start3A_41 = tpu.memref_slice %arg7[%add3A_39, %dma_start3A_40] : memref<40x128xi32, #tpu.memory_space<vmem>> -> memref<1x128xi32, #tpu.memory_space<vmem>>
        %dma_start3A_42 = tpu.memref_squeeze %dma_start3A_41 : memref<1x128xi32, #tpu.memory_space<vmem>> -> memref<128xi32, #tpu.memory_space<vmem>>
        %dma_start3A_43 = arith.constant 0 : i32
        %dma_start3A_44 = arith.constant 0 : i32
        %dma_start3A_45 = tpu.memref_slice %arg2[%dma_start3A_43, %dma_start3A_44] : memref<10240x128xf32, #tpu.memory_space<hbm>> -> memref<10240x128xf32, #tpu.memory_space<hbm>>
        tpu.enqueue_indirect_dma source(%dma_start3A_45 : memref<10240x128xf32, #tpu.memory_space<hbm>>) target(%arg10 : memref<128x128xf32, #tpu.memory_space<vmem>>) offsets(%dma_start3A_42 : memref<128xi32, #tpu.memory_space<vmem>>) semaphore(%arg13 : memref<!tpu.dma_semaphore, #tpu.memory_space<semaphore_mem>>)
        "tpu.region"() ({
          %run_scoped3A = tpu.sem_alloc : memref<!tpu.dma_semaphore, #tpu.memory_space<semaphore_mem>>
          %dma_start3A_60 = arith.constant 0 : i32
          %dma_start3A_61 = tpu.memref_slice %arg8[%add3A_32, %dma_start3A_60] : memref<40x128xi32, #tpu.memory_space<vmem>> -> memref<1x128xi32, #tpu.memory_space<vmem>>
          %dma_start3A_62 = tpu.memref_squeeze %dma_start3A_61 : memref<1x128xi32, #tpu.memory_space<vmem>> -> memref<128xi32, #tpu.memory_space<vmem>>
          %dma_start3A_63 = arith.constant 0 : i32
          %dma_start3A_64 = arith.constant 0 : i32
          %dma_start3A_65 = tpu.memref_slice %arg11[%dma_start3A_63, %dma_start3A_64] : memref<10240x128xf32, #tpu.memory_space<vmem_shared>> -> memref<10240x128xf32, #tpu.memory_space<vmem_shared>>
          tpu.enqueue_indirect_dma source(%arg9 : memref<128x128xf32, #tpu.memory_space<vmem>>) target(%dma_start3A_65 : memref<10240x128xf32, #tpu.memory_space<vmem_shared>>) offsets(%dma_start3A_62 : memref<128xi32, #tpu.memory_space<vmem>>) semaphore(%run_scoped3A : memref<!tpu.dma_semaphore, #tpu.memory_space<semaphore_mem>>) {add = true}
          %dma_wait3A_66 = arith.constant 0 : i32
          %dma_wait3A_67 = tpu.memref_slice %arg8[%add3A_32, %dma_wait3A_66] : memref<40x128xi32, #tpu.memory_space<vmem>> -> memref<1x128xi32, #tpu.memory_space<vmem>>
          %dma_wait3A_68 = tpu.memref_squeeze %dma_wait3A_67 : memref<1x128xi32, #tpu.memory_space<vmem>> -> memref<128xi32, #tpu.memory_space<vmem>>
          %dma_wait3A_69 = arith.constant 0 : i32
          %dma_wait3A_70 = arith.constant 0 : i32
          %dma_wait3A_71 = tpu.memref_slice %arg11[%dma_wait3A_69, %dma_wait3A_70] : memref<10240x128xf32, #tpu.memory_space<vmem_shared>> -> memref<10240x128xf32, #tpu.memory_space<vmem_shared>>
          tpu.wait_indirect_dma semaphore(%run_scoped3A : memref<!tpu.dma_semaphore, #tpu.memory_space<semaphore_mem>>) src(%arg9 : memref<128x128xf32, #tpu.memory_space<vmem>>) dst(%dma_wait3A_71 : memref<10240x128xf32, #tpu.memory_space<vmem_shared>>)
          tpu.yield
        }) : () -> ()
        %add3A_46 = arith.constant 1 : i32
        %add3A_47 = arith.addi %add3A_32, %add3A_46 : i32
        %dma_wait3A_48 = arith.constant 0 : i32
        %dma_wait3A_49 = tpu.memref_slice %arg7[%add3A_47, %dma_wait3A_48] : memref<40x128xi32, #tpu.memory_space<vmem>> -> memref<1x128xi32, #tpu.memory_space<vmem>>
        %dma_wait3A_50 = tpu.memref_squeeze %dma_wait3A_49 : memref<1x128xi32, #tpu.memory_space<vmem>> -> memref<128xi32, #tpu.memory_space<vmem>>
        %dma_wait3A_51 = arith.constant 0 : i32
        %dma_wait3A_52 = arith.constant 0 : i32
        %dma_wait3A_53 = tpu.memref_slice %arg2[%dma_wait3A_51, %dma_wait3A_52] : memref<10240x128xf32, #tpu.memory_space<hbm>> -> memref<10240x128xf32, #tpu.memory_space<hbm>>
        tpu.wait_indirect_dma semaphore(%arg13 : memref<!tpu.dma_semaphore, #tpu.memory_space<semaphore_mem>>) src(%dma_wait3A_53 : memref<10240x128xf32, #tpu.memory_space<hbm>>) dst(%arg10 : memref<128x128xf32, #tpu.memory_space<vmem>>)
        %add3A_54 = arith.constant 2 : i32
        %add3A_55 = arith.addi %add3A_32, %add3A_54 : i32
        %lt3A = arith.constant 40 : i32
        %lt3A_56 = arith.cmpi slt, %add3A_55, %lt3A : i32
        %convert_element_type3A = arith.extui %lt3A_56 : i1 to i32
        %cond3A = arith.constant 0 : i32
        %cond3A_57 = arith.cmpi ne, %convert_element_type3A, %cond3A : i32
        scf.if %cond3A_57 {
          %add3A_60 = arith.constant 2 : i32
          %add3A_61 = arith.addi %add3A_32, %add3A_60 : i32
          %dma_start3A_62 = arith.constant 0 : i32
          %dma_start3A_63 = tpu.memref_slice %arg7[%add3A_61, %dma_start3A_62] : memref<40x128xi32, #tpu.memory_space<vmem>> -> memref<1x128xi32, #tpu.memory_space<vmem>>
          %dma_start3A_64 = tpu.memref_squeeze %dma_start3A_63 : memref<1x128xi32, #tpu.memory_space<vmem>> -> memref<128xi32, #tpu.memory_space<vmem>>
          %dma_start3A_65 = arith.constant 0 : i32
          %dma_start3A_66 = arith.constant 0 : i32
          %dma_start3A_67 = tpu.memref_slice %arg2[%dma_start3A_65, %dma_start3A_66] : memref<10240x128xf32, #tpu.memory_space<hbm>> -> memref<10240x128xf32, #tpu.memory_space<hbm>>
          tpu.enqueue_indirect_dma source(%dma_start3A_67 : memref<10240x128xf32, #tpu.memory_space<hbm>>) target(%arg9 : memref<128x128xf32, #tpu.memory_space<vmem>>) offsets(%dma_start3A_64 : memref<128xi32, #tpu.memory_space<vmem>>) semaphore(%arg12 : memref<!tpu.dma_semaphore, #tpu.memory_space<semaphore_mem>>)
        } else {
        }
        %add3A_58 = arith.constant 1 : i32
        %add3A_59 = arith.addi %add3A_32, %add3A_58 : i32
        "tpu.region"() ({
          %run_scoped3A = tpu.sem_alloc : memref<!tpu.dma_semaphore, #tpu.memory_space<semaphore_mem>>
          %dma_start3A_60 = arith.constant 0 : i32
          %dma_start3A_61 = tpu.memref_slice %arg8[%add3A_59, %dma_start3A_60] : memref<40x128xi32, #tpu.memory_space<vmem>> -> memref<1x128xi32, #tpu.memory_space<vmem>>
          %dma_start3A_62 = tpu.memref_squeeze %dma_start3A_61 : memref<1x128xi32, #tpu.memory_space<vmem>> -> memref<128xi32, #tpu.memory_space<vmem>>
          %dma_start3A_63 = arith.constant 0 : i32
          %dma_start3A_64 = arith.constant 0 : i32
          %dma_start3A_65 = tpu.memref_slice %arg11[%dma_start3A_63, %dma_start3A_64] : memref<10240x128xf32, #tpu.memory_space<vmem_shared>> -> memref<10240x128xf32, #tpu.memory_space<vmem_shared>>
          tpu.enqueue_indirect_dma source(%arg10 : memref<128x128xf32, #tpu.memory_space<vmem>>) target(%dma_start3A_65 : memref<10240x128xf32, #tpu.memory_space<vmem_shared>>) offsets(%dma_start3A_62 : memref<128xi32, #tpu.memory_space<vmem>>) semaphore(%run_scoped3A : memref<!tpu.dma_semaphore, #tpu.memory_space<semaphore_mem>>) {add = true}
          %dma_wait3A_66 = arith.constant 0 : i32
          %dma_wait3A_67 = tpu.memref_slice %arg8[%add3A_59, %dma_wait3A_66] : memref<40x128xi32, #tpu.memory_space<vmem>> -> memref<1x128xi32, #tpu.memory_space<vmem>>
          %dma_wait3A_68 = tpu.memref_squeeze %dma_wait3A_67 : memref<1x128xi32, #tpu.memory_space<vmem>> -> memref<128xi32, #tpu.memory_space<vmem>>
          %dma_wait3A_69 = arith.constant 0 : i32
          %dma_wait3A_70 = arith.constant 0 : i32
          %dma_wait3A_71 = tpu.memref_slice %arg11[%dma_wait3A_69, %dma_wait3A_70] : memref<10240x128xf32, #tpu.memory_space<vmem_shared>> -> memref<10240x128xf32, #tpu.memory_space<vmem_shared>>
          tpu.wait_indirect_dma semaphore(%run_scoped3A : memref<!tpu.dma_semaphore, #tpu.memory_space<semaphore_mem>>) src(%arg10 : memref<128x128xf32, #tpu.memory_space<vmem>>) dst(%dma_wait3A_71 : memref<10240x128xf32, #tpu.memory_space<vmem_shared>>)
          tpu.yield
        }) : () -> ()
      }
      %scan3A_27 = arith.constant 20 : i32
    }
    %scan3A_6 = arith.constant 2 : i32
    %barrier3A_7 = arith.constant 0 : index
    tpu.barrier barrier_id(%barrier3A_7)
    "tpu.region"() ({
      %run_scoped3A = tpu.sem_alloc : memref<!tpu.dma_semaphore, #tpu.memory_space<semaphore_mem>>
      %dma_start3A = arith.constant 0 : i32
      %dma_start3A_8 = tpu.memref_slice %arg6[%arg0, %mul3A_2, %dma_start3A] : memref<2x10240x128xf32, #tpu.memory_space<hbm>> -> memref<1x640x128xf32, #tpu.memory_space<hbm>>
      %dma_start3A_9 = tpu.memref_squeeze %dma_start3A_8 : memref<1x640x128xf32, #tpu.memory_space<hbm>> -> memref<640x128xf32, #tpu.memory_space<hbm>>
      %dma_start3A_10 = arith.constant 0 : i32
      %dma_start3A_11 = tpu.memref_slice %arg11[%mul3A_2, %dma_start3A_10] : memref<10240x128xf32, #tpu.memory_space<vmem_shared>> -> memref<640x128xf32, #tpu.memory_space<vmem_shared>>
      tpu.enqueue_dma source(%dma_start3A_11 : memref<640x128xf32, #tpu.memory_space<vmem_shared>>) target(%dma_start3A_9 : memref<640x128xf32, #tpu.memory_space<hbm>>) target_semaphore(%run_scoped3A : memref<!tpu.dma_semaphore, #tpu.memory_space<semaphore_mem>>)
      %dma_wait3A = arith.constant 0 : i32
      %dma_wait3A_12 = tpu.memref_slice %arg6[%arg0, %mul3A_2, %dma_wait3A] : memref<2x10240x128xf32, #tpu.memory_space<hbm>> -> memref<1x640x128xf32, #tpu.memory_space<hbm>>
      %dma_wait3A_13 = tpu.memref_squeeze %dma_wait3A_12 : memref<1x640x128xf32, #tpu.memory_space<hbm>> -> memref<640x128xf32, #tpu.memory_space<hbm>>
      %dma_wait3A_14 = arith.constant 0 : i32
      %dma_wait3A_15 = tpu.memref_slice %arg11[%mul3A_2, %dma_wait3A_14] : memref<10240x128xf32, #tpu.memory_space<vmem_shared>> -> memref<640x128xf32, #tpu.memory_space<vmem_shared>>
      tpu.wait_dma2 semaphore(%run_scoped3A : memref<!tpu.dma_semaphore, #tpu.memory_space<semaphore_mem>>) src(%dma_wait3A_15 : memref<640x128xf32, #tpu.memory_space<vmem_shared>>) dst(%dma_wait3A_13 : memref<640x128xf32, #tpu.memory_space<hbm>>)
      tpu.yield
    }) : () -> ()
    return
  }
}

#map = affine_map<(d0, d1) -> (0, 0, 0)>
module attributes {stable_mosaic.version = 14 : i64} {
  func.func @_deg_kernel(%arg0: i32, %arg1: i32, %arg2: memref<32x640x16xi32, #tpu.memory_space<hbm>>, %arg3: memref<2x80x128xf32, #tpu.memory_space<hbm>>, %arg4: memref<640x16xi32, #tpu.memory_space<vmem>>, %arg5: memref<80x128xf32, #tpu.memory_space<vmem>>, %arg6: memref<1x80xi32, #tpu.memory_space<vmem>>, %arg7: memref<80x128xf32, #tpu.memory_space<vmem_shared>>) attributes {dimension_semantics = [#tpu.dimension_semantics<core_parallel>, #tpu.dimension_semantics<subcore_parallel>], iteration_bounds = array<i64: 2, 16>, scalar_prefetch = 0 : i64, scratch_operands = 4 : i64, tpu.core_type = #tpu.core_type<sc_vector_subcore>, window_params = [{transform_indices = #map}, {transform_indices = #map}]} {
    %mul3A = arith.constant 2 : i32
    %mul3A_0 = arith.muli %arg1, %mul3A : i32
    %add3A = arith.addi %mul3A_0, %arg0 : i32
    "tpu.region"() ({
      %run_scoped3A_23 = tpu.sem_alloc : memref<!tpu.dma_semaphore, #tpu.memory_space<semaphore_mem>>
      %dma_start3A = arith.constant 0 : i32
      %dma_start3A_24 = arith.constant 0 : i32
      %dma_start3A_25 = tpu.memref_slice %arg2[%add3A, %dma_start3A, %dma_start3A_24] : memref<32x640x16xi32, #tpu.memory_space<hbm>> -> memref<1x640x16xi32, #tpu.memory_space<hbm>>
      %dma_start3A_26 = tpu.memref_squeeze %dma_start3A_25 : memref<1x640x16xi32, #tpu.memory_space<hbm>> -> memref<640x16xi32, #tpu.memory_space<hbm>>
      %dma_start3A_27 = arith.constant 0 : i32
      %dma_start3A_28 = arith.constant 0 : i32
      %dma_start3A_29 = tpu.memref_slice %arg2[%add3A, %dma_start3A_27, %dma_start3A_28] : memref<32x640x16xi32, #tpu.memory_space<hbm>> -> memref<1x640x16xi32, #tpu.memory_space<hbm>>
      %dma_start3A_30 = tpu.memref_squeeze %dma_start3A_29 : memref<1x640x16xi32, #tpu.memory_space<hbm>> -> memref<640x16xi32, #tpu.memory_space<hbm>>
      tpu.enqueue_dma source(%dma_start3A_30 : memref<640x16xi32, #tpu.memory_space<hbm>>) target(%arg4 : memref<640x16xi32, #tpu.memory_space<vmem>>) target_semaphore(%run_scoped3A_23 : memref<!tpu.dma_semaphore, #tpu.memory_space<semaphore_mem>>)
      %dma_wait3A = arith.constant 0 : i32
      %dma_wait3A_31 = arith.constant 0 : i32
      %dma_wait3A_32 = tpu.memref_slice %arg2[%add3A, %dma_wait3A, %dma_wait3A_31] : memref<32x640x16xi32, #tpu.memory_space<hbm>> -> memref<1x640x16xi32, #tpu.memory_space<hbm>>
      %dma_wait3A_33 = tpu.memref_squeeze %dma_wait3A_32 : memref<1x640x16xi32, #tpu.memory_space<hbm>> -> memref<640x16xi32, #tpu.memory_space<hbm>>
      %dma_wait3A_34 = arith.constant 0 : i32
      %dma_wait3A_35 = arith.constant 0 : i32
      %dma_wait3A_36 = tpu.memref_slice %arg2[%add3A, %dma_wait3A_34, %dma_wait3A_35] : memref<32x640x16xi32, #tpu.memory_space<hbm>> -> memref<1x640x16xi32, #tpu.memory_space<hbm>>
      %dma_wait3A_37 = tpu.memref_squeeze %dma_wait3A_36 : memref<1x640x16xi32, #tpu.memory_space<hbm>> -> memref<640x16xi32, #tpu.memory_space<hbm>>
      tpu.wait_dma2 semaphore(%run_scoped3A_23 : memref<!tpu.dma_semaphore, #tpu.memory_space<semaphore_mem>>) src(%dma_wait3A_37 : memref<640x16xi32, #tpu.memory_space<hbm>>) dst(%arg4 : memref<640x16xi32, #tpu.memory_space<vmem>>)
      tpu.yield
    }) : () -> ()
    %scan3A = arith.constant 0 : i32
    %scan3A_1 = arith.constant 80 : i32
    %scan3A_2 = arith.addi %scan3A, %scan3A_1 : i32
    %scan3A_3 = arith.constant 1 : i32
    scf.for %scan3A_23 = %scan3A to %scan3A_2 step %scan3A_3  : i32 {
      %mul3A_24 = arith.constant 1 : i32
      %mul3A_25 = arith.muli %scan3A_23, %mul3A_24 : i32
      %add3A_26 = arith.constant 0 : i32
      %add3A_27 = arith.addi %add3A_26, %mul3A_25 : i32
      %scan3A_28 = arith.constant 0 : i32
      %scan3A_29 = arith.constant 8 : i32
      %scan3A_30 = arith.addi %scan3A_28, %scan3A_29 : i32
      %scan3A_31 = arith.constant 1 : i32
      scf.for %scan3A_33 = %scan3A_28 to %scan3A_30 step %scan3A_31  : i32 {
        %mul3A_34 = arith.constant 1 : i32
        %mul3A_35 = arith.muli %scan3A_33, %mul3A_34 : i32
        %add3A_36 = arith.constant 0 : i32
        %add3A_37 = arith.addi %add3A_36, %mul3A_35 : i32
        %broadcast_in_dim3A_38 = arith.constant 0.000000e+00 : f32
        %broadcast_in_dim3A_39 = vector.broadcast %broadcast_in_dim3A_38 : f32 to vector<16xf32>
        %mul3A_40 = arith.constant 16 : i32
        %mul3A_41 = arith.muli %add3A_37, %mul3A_40 : i32
        %multiple_of3A = tpu.assume_multiple %mul3A_41, 16 : i32
        %swap3A = arith.index_cast %add3A_27 : i32 to index
        %swap3A_42 = arith.index_cast %multiple_of3A : i32 to index
        %swap3A_43 = tpu.vector_load %arg5[%swap3A, %swap3A_42] {strides = array<i32>} : memref<80x128xf32, #tpu.memory_space<vmem>>, vector<16xf32>,
        tpu.vector_store %arg5[%swap3A, %swap3A_42], %broadcast_in_dim3A_39 {strides = array<i32>} : memref<80x128xf32, #tpu.memory_space<vmem>>, vector<16xf32>,
      }
      %scan3A_32 = arith.constant 8 : i32
    }
    %scan3A_4 = arith.constant 80 : i32
    %scan3A_5 = arith.constant 0 : i32
    %scan3A_6 = arith.constant 5 : i32
    %scan3A_7 = arith.addi %scan3A_5, %scan3A_6 : i32
    %scan3A_8 = arith.constant 1 : i32
    scf.for %scan3A_23 = %scan3A_5 to %scan3A_7 step %scan3A_8  : i32 {
      %mul3A_24 = arith.constant 1 : i32
      %mul3A_25 = arith.muli %scan3A_23, %mul3A_24 : i32
      %add3A_26 = arith.constant 0 : i32
      %add3A_27 = arith.addi %add3A_26, %mul3A_25 : i32
      %iota3A = tpu.iota {dimensions = array<i32: 0>} : vector<16xi32>
      %mul3A_28 = arith.constant 16 : i32
      %mul3A_29 = arith.muli %add3A_27, %mul3A_28 : i32
      %add3A_30 = vector.broadcast %mul3A_29 : i32 to vector<16xi32>
      %add3A_31 = arith.addi %iota3A, %add3A_30 : vector<16xi32>
      %mul3A_32 = arith.constant 16 : i32
      %mul3A_33 = arith.muli %add3A_27, %mul3A_32 : i32
      %multiple_of3A = tpu.assume_multiple %mul3A_33, 16 : i32
      %swap3A = arith.constant 0 : i32
      %swap3A_34 = arith.index_cast %swap3A : i32 to index
      %swap3A_35 = arith.index_cast %multiple_of3A : i32 to index
      %swap3A_36 = tpu.vector_load %arg6[%swap3A_34, %swap3A_35] {strides = array<i32>} : memref<1x80xi32, #tpu.memory_space<vmem>>, vector<16xi32>,
      tpu.vector_store %arg6[%swap3A_34, %swap3A_35], %add3A_31 {strides = array<i32>} : memref<1x80xi32, #tpu.memory_space<vmem>>, vector<16xi32>,
    }
    %scan3A_9 = arith.constant 5 : i32
    %eq3A = arith.constant 0 : i32
    %eq3A_10 = arith.cmpi eq, %arg1, %eq3A : i32
    %convert_element_type3A = arith.extui %eq3A_10 : i1 to i32
    %cond3A = arith.constant 0 : i32
    %cond3A_11 = arith.cmpi ne, %convert_element_type3A, %cond3A : i32
    scf.if %cond3A_11 {
      "tpu.region"() ({
        %run_scoped3A_23 = tpu.sem_alloc : memref<!tpu.dma_semaphore, #tpu.memory_space<semaphore_mem>>
        tpu.enqueue_dma source(%arg5 : memref<80x128xf32, #tpu.memory_space<vmem>>) target(%arg7 : memref<80x128xf32, #tpu.memory_space<vmem_shared>>) target_semaphore(%run_scoped3A_23 : memref<!tpu.dma_semaphore, #tpu.memory_space<semaphore_mem>>)
        tpu.wait_dma2 semaphore(%run_scoped3A_23 : memref<!tpu.dma_semaphore, #tpu.memory_space<semaphore_mem>>) src(%arg5 : memref<80x128xf32, #tpu.memory_space<vmem>>) dst(%arg7 : memref<80x128xf32, #tpu.memory_space<vmem_shared>>)
        tpu.yield
      }) : () -> ()
    } else {
    }
    %barrier3A = arith.constant 0 : index
    tpu.barrier barrier_id(%barrier3A)
    %broadcast_in_dim3A = arith.constant 1.000000e+00 : f32
    %broadcast_in_dim3A_12 = vector.broadcast %broadcast_in_dim3A : f32 to vector<16xf32>
    %scan3A_13 = arith.constant 0 : i32
    %scan3A_14 = arith.constant 640 : i32
    %scan3A_15 = arith.addi %scan3A_13, %scan3A_14 : i32
    %scan3A_16 = arith.constant 1 : i32
    scf.for %scan3A_23 = %scan3A_13 to %scan3A_15 step %scan3A_16  : i32 {
      %mul3A_24 = arith.constant 1 : i32
      %mul3A_25 = arith.muli %scan3A_23, %mul3A_24 : i32
      %add3A_26 = arith.constant 0 : i32
      %add3A_27 = arith.addi %add3A_26, %mul3A_25 : i32
      %get3A = arith.index_cast %add3A_27 : i32 to index
      %get3A_28 = arith.constant 0 : index
      %get3A_29 = tpu.vector_load %arg4[%get3A, %get3A_28] {strides = array<i32>} : memref<640x16xi32, #tpu.memory_space<vmem>>, vector<16xi32>,
      %shift_right_arithmetic3A = arith.constant 7 : i32
      %shift_right_arithmetic3A_30 = vector.broadcast %shift_right_arithmetic3A : i32 to vector<16xi32>
      %shift_right_arithmetic3A_31 = arith.shrsi %get3A_29, %shift_right_arithmetic3A_30 : vector<16xi32>
      %and3A = arith.constant 127 : i32
      %and3A_32 = vector.broadcast %and3A : i32 to vector<16xi32>
      %and3A_33 = arith.andi %get3A_29, %and3A_32 : vector<16xi32>
      tpu.vector_store_idx %arg5[%shift_right_arithmetic3A_31, %and3A_33], %broadcast_in_dim3A_12 {add = true} : memref<80x128xf32, #tpu.memory_space<vmem>>[vector<16xi32>, vector<16xi32>], vector<16xf32>,
    }
    %scan3A_17 = arith.constant 640 : i32
    %run_scoped3A = arith.constant 0 : i32
    "tpu.region"() ({
      %run_scoped3A_23 = tpu.sem_alloc : memref<!tpu.dma_semaphore, #tpu.memory_space<semaphore_mem>>
      %dma_start3A = arith.constant 0 : i32
      %dma_start3A_24 = tpu.memref_slice %arg6[%run_scoped3A, %dma_start3A] : memref<1x80xi32, #tpu.memory_space<vmem>> -> memref<1x80xi32, #tpu.memory_space<vmem>>
      %dma_start3A_25 = tpu.memref_squeeze %dma_start3A_24 : memref<1x80xi32, #tpu.memory_space<vmem>> -> memref<80xi32, #tpu.memory_space<vmem>>
      %dma_start3A_26 = arith.constant 0 : i32
      %dma_start3A_27 = arith.constant 0 : i32
      %dma_start3A_28 = tpu.memref_slice %arg7[%dma_start3A_26, %dma_start3A_27] : memref<80x128xf32, #tpu.memory_space<vmem_shared>> -> memref<80x128xf32, #tpu.memory_space<vmem_shared>>
      tpu.enqueue_indirect_dma source(%arg5 : memref<80x128xf32, #tpu.memory_space<vmem>>) target(%dma_start3A_28 : memref<80x128xf32, #tpu.memory_space<vmem_shared>>) offsets(%dma_start3A_25 : memref<80xi32, #tpu.memory_space<vmem>>) semaphore(%run_scoped3A_23 : memref<!tpu.dma_semaphore, #tpu.memory_space<semaphore_mem>>) {add = true}
      %dma_wait3A = arith.constant 0 : i32
      %dma_wait3A_29 = tpu.memref_slice %arg6[%run_scoped3A, %dma_wait3A] : memref<1x80xi32, #tpu.memory_space<vmem>> -> memref<1x80xi32, #tpu.memory_space<vmem>>
      %dma_wait3A_30 = tpu.memref_squeeze %dma_wait3A_29 : memref<1x80xi32, #tpu.memory_space<vmem>> -> memref<80xi32, #tpu.memory_space<vmem>>
      %dma_wait3A_31 = arith.constant 0 : i32
      %dma_wait3A_32 = arith.constant 0 : i32
      %dma_wait3A_33 = tpu.memref_slice %arg7[%dma_wait3A_31, %dma_wait3A_32] : memref<80x128xf32, #tpu.memory_space<vmem_shared>> -> memref<80x128xf32, #tpu.memory_space<vmem_shared>>
      tpu.wait_indirect_dma semaphore(%run_scoped3A_23 : memref<!tpu.dma_semaphore, #tpu.memory_space<semaphore_mem>>) src(%arg5 : memref<80x128xf32, #tpu.memory_space<vmem>>) dst(%dma_wait3A_33 : memref<80x128xf32, #tpu.memory_space<vmem_shared>>)
      tpu.yield
    }) : () -> ()
    %barrier3A_18 = arith.constant 0 : index
    tpu.barrier barrier_id(%barrier3A_18)
    %lt3A = arith.constant 10 : i32
    %lt3A_19 = arith.cmpi slt, %arg1, %lt3A : i32
    %convert_element_type3A_20 = arith.extui %lt3A_19 : i1 to i32
    %cond3A_21 = arith.constant 0 : i32
    %cond3A_22 = arith.cmpi ne, %convert_element_type3A_20, %cond3A_21 : i32
    scf.if %cond3A_22 {
      %mul3A_23 = arith.constant 8 : i32
      %mul3A_24 = arith.muli %arg1, %mul3A_23 : i32
      %multiple_of3A = tpu.assume_multiple %mul3A_24, 8 : i32
      "tpu.region"() ({
        %run_scoped3A_25 = tpu.sem_alloc : memref<!tpu.dma_semaphore, #tpu.memory_space<semaphore_mem>>
        %dma_start3A = arith.constant 0 : i32
        %dma_start3A_26 = tpu.memref_slice %arg3[%arg0, %multiple_of3A, %dma_start3A] : memref<2x80x128xf32, #tpu.memory_space<hbm>> -> memref<1x8x128xf32, #tpu.memory_space<hbm>>
        %dma_start3A_27 = tpu.memref_squeeze %dma_start3A_26 : memref<1x8x128xf32, #tpu.memory_space<hbm>> -> memref<8x128xf32, #tpu.memory_space<hbm>>
        %dma_start3A_28 = arith.constant 0 : i32
        %dma_start3A_29 = tpu.memref_slice %arg7[%multiple_of3A, %dma_start3A_28] : memref<80x128xf32, #tpu.memory_space<vmem_shared>> -> memref<8x128xf32, #tpu.memory_space<vmem_shared>>
        tpu.enqueue_dma source(%dma_start3A_29 : memref<8x128xf32, #tpu.memory_space<vmem_shared>>) target(%dma_start3A_27 : memref<8x128xf32, #tpu.memory_space<hbm>>) target_semaphore(%run_scoped3A_25 : memref<!tpu.dma_semaphore, #tpu.memory_space<semaphore_mem>>)
        %dma_wait3A = arith.constant 0 : i32
        %dma_wait3A_30 = tpu.memref_slice %arg3[%arg0, %multiple_of3A, %dma_wait3A] : memref<2x80x128xf32, #tpu.memory_space<hbm>> -> memref<1x8x128xf32, #tpu.memory_space<hbm>>
        %dma_wait3A_31 = tpu.memref_squeeze %dma_wait3A_30 : memref<1x8x128xf32, #tpu.memory_space<hbm>> -> memref<8x128xf32, #tpu.memory_space<hbm>>
        %dma_wait3A_32 = arith.constant 0 : i32
        %dma_wait3A_33 = tpu.memref_slice %arg7[%multiple_of3A, %dma_wait3A_32] : memref<80x128xf32, #tpu.memory_space<vmem_shared>> -> memref<8x128xf32, #tpu.memory_space<vmem_shared>>
        tpu.wait_dma2 semaphore(%run_scoped3A_25 : memref<!tpu.dma_semaphore, #tpu.memory_space<semaphore_mem>>) src(%dma_wait3A_33 : memref<8x128xf32, #tpu.memory_space<vmem_shared>>) dst(%dma_wait3A_31 : memref<8x128xf32, #tpu.memory_space<hbm>>)
        tpu.yield
      }) : () -> ()
    } else {
    }
    return
  }
}

#map = affine_map<(d0, d1) -> (0, 0)>
#map1 = affine_map<(d0, d1) -> (0, 0, 0)>
module attributes {stable_mosaic.version = 14 : i64} {
  func.func @_msg_kernel(%arg0: i32, %arg1: i32, %arg2: memref<10240x128xf32, #tpu.memory_space<hbm>>, %arg3: memref<32x80x128xi32, #tpu.memory_space<hbm>>, %arg4: memref<32x80x128xi32, #tpu.memory_space<hbm>>, %arg5: memref<10240x128xf32, #tpu.memory_space<hbm>>, %arg6: memref<2x10240x128xf32, #tpu.memory_space<hbm>>, %arg7: memref<40x128xi32, #tpu.memory_space<vmem>>, %arg8: memref<40x128xi32, #tpu.memory_space<vmem>>, %arg9: memref<128x128xf32, #tpu.memory_space<vmem>>, %arg10: memref<128x128xf32, #tpu.memory_space<vmem>>, %arg11: memref<10240x128xf32, #tpu.memory_space<vmem_shared>>, %arg12: memref<!tpu.dma_semaphore, #tpu.memory_space<semaphore_mem>>, %arg13: memref<!tpu.dma_semaphore, #tpu.memory_space<semaphore_mem>>) attributes {dimension_semantics = [#tpu.dimension_semantics<core_parallel>, #tpu.dimension_semantics<subcore_parallel>], iteration_bounds = array<i64: 2, 16>, scalar_prefetch = 0 : i64, scratch_operands = 7 : i64, tpu.core_type = #tpu.core_type<sc_vector_subcore>, window_params = [{transform_indices = #map}, {transform_indices = #map1}, {transform_indices = #map1}, {transform_indices = #map}, {transform_indices = #map1}]} {
    %mul3A = arith.constant 2 : i32
    %mul3A_0 = arith.muli %arg1, %mul3A : i32
    %add3A = arith.addi %mul3A_0, %arg0 : i32
    %mul3A_1 = arith.constant 640 : i32
    %mul3A_2 = arith.muli %arg1, %mul3A_1 : i32
    "tpu.region"() ({
      %run_scoped3A = tpu.sem_alloc : memref<!tpu.dma_semaphore, #tpu.memory_space<semaphore_mem>>
      %dma_start3A = arith.constant 0 : i32
      %dma_start3A_8 = tpu.memref_slice %arg11[%mul3A_2, %dma_start3A] : memref<10240x128xf32, #tpu.memory_space<vmem_shared>> -> memref<640x128xf32, #tpu.memory_space<vmem_shared>>
      %dma_start3A_9 = arith.constant 0 : i32
      %dma_start3A_10 = tpu.memref_slice %arg5[%mul3A_2, %dma_start3A_9] : memref<10240x128xf32, #tpu.memory_space<hbm>> -> memref<640x128xf32, #tpu.memory_space<hbm>>
      tpu.enqueue_dma source(%dma_start3A_10 : memref<640x128xf32, #tpu.memory_space<hbm>>) target(%dma_start3A_8 : memref<640x128xf32, #tpu.memory_space<vmem_shared>>) target_semaphore(%run_scoped3A : memref<!tpu.dma_semaphore, #tpu.memory_space<semaphore_mem>>)
      %dma_wait3A = arith.constant 0 : i32
      %dma_wait3A_11 = tpu.memref_slice %arg11[%mul3A_2, %dma_wait3A] : memref<10240x128xf32, #tpu.memory_space<vmem_shared>> -> memref<640x128xf32, #tpu.memory_space<vmem_shared>>
      %dma_wait3A_12 = arith.constant 0 : i32
      %dma_wait3A_13 = tpu.memref_slice %arg5[%mul3A_2, %dma_wait3A_12] : memref<10240x128xf32, #tpu.memory_space<hbm>> -> memref<640x128xf32, #tpu.memory_space<hbm>>
      tpu.wait_dma2 semaphore(%run_scoped3A : memref<!tpu.dma_semaphore, #tpu.memory_space<semaphore_mem>>) src(%dma_wait3A_13 : memref<640x128xf32, #tpu.memory_space<hbm>>) dst(%dma_wait3A_11 : memref<640x128xf32, #tpu.memory_space<vmem_shared>>)
      tpu.yield
    }) : () -> ()
    %barrier3A = arith.constant 0 : index
    tpu.barrier barrier_id(%barrier3A)
    %scan3A = arith.constant 0 : i32
    %scan3A_3 = arith.constant 2 : i32
    %scan3A_4 = arith.addi %scan3A, %scan3A_3 : i32
    %scan3A_5 = arith.constant 1 : i32
    scf.for %scan3A_8 = %scan3A to %scan3A_4 step %scan3A_5  : i32 {
      %mul3A_9 = arith.constant 1 : i32
      %mul3A_10 = arith.muli %scan3A_8, %mul3A_9 : i32
      %add3A_11 = arith.constant 0 : i32
      %add3A_12 = arith.addi %add3A_11, %mul3A_10 : i32
      %mul3A_13 = arith.constant 40 : i32
      %mul3A_14 = arith.muli %add3A_12, %mul3A_13 : i32
      "tpu.region"() ({
        %run_scoped3A = tpu.sem_alloc : memref<!tpu.dma_semaphore, #tpu.memory_space<semaphore_mem>>
        %dma_start3A_28 = arith.constant 0 : i32
        %dma_start3A_29 = tpu.memref_slice %arg3[%add3A, %mul3A_14, %dma_start3A_28] : memref<32x80x128xi32, #tpu.memory_space<hbm>> -> memref<1x40x128xi32, #tpu.memory_space<hbm>>
        %dma_start3A_30 = tpu.memref_squeeze %dma_start3A_29 : memref<1x40x128xi32, #tpu.memory_space<hbm>> -> memref<40x128xi32, #tpu.memory_space<hbm>>
        %dma_start3A_31 = arith.constant 0 : i32
        %dma_start3A_32 = tpu.memref_slice %arg3[%add3A, %mul3A_14, %dma_start3A_31] : memref<32x80x128xi32, #tpu.memory_space<hbm>> -> memref<1x40x128xi32, #tpu.memory_space<hbm>>
        %dma_start3A_33 = tpu.memref_squeeze %dma_start3A_32 : memref<1x40x128xi32, #tpu.memory_space<hbm>> -> memref<40x128xi32, #tpu.memory_space<hbm>>
        tpu.enqueue_dma source(%dma_start3A_33 : memref<40x128xi32, #tpu.memory_space<hbm>>) target(%arg7 : memref<40x128xi32, #tpu.memory_space<vmem>>) target_semaphore(%run_scoped3A : memref<!tpu.dma_semaphore, #tpu.memory_space<semaphore_mem>>)
        %dma_wait3A = arith.constant 0 : i32
        %dma_wait3A_34 = tpu.memref_slice %arg3[%add3A, %mul3A_14, %dma_wait3A] : memref<32x80x128xi32, #tpu.memory_space<hbm>> -> memref<1x40x128xi32, #tpu.memory_space<hbm>>
        %dma_wait3A_35 = tpu.memref_squeeze %dma_wait3A_34 : memref<1x40x128xi32, #tpu.memory_space<hbm>> -> memref<40x128xi32, #tpu.memory_space<hbm>>
        %dma_wait3A_36 = arith.constant 0 : i32
        %dma_wait3A_37 = tpu.memref_slice %arg3[%add3A, %mul3A_14, %dma_wait3A_36] : memref<32x80x128xi32, #tpu.memory_space<hbm>> -> memref<1x40x128xi32, #tpu.memory_space<hbm>>
        %dma_wait3A_38 = tpu.memref_squeeze %dma_wait3A_37 : memref<1x40x128xi32, #tpu.memory_space<hbm>> -> memref<40x128xi32, #tpu.memory_space<hbm>>
        tpu.wait_dma2 semaphore(%run_scoped3A : memref<!tpu.dma_semaphore, #tpu.memory_space<semaphore_mem>>) src(%dma_wait3A_38 : memref<40x128xi32, #tpu.memory_space<hbm>>) dst(%arg7 : memref<40x128xi32, #tpu.memory_space<vmem>>)
        tpu.yield
      }) : () -> ()
      %mul3A_15 = arith.constant 40 : i32
      %mul3A_16 = arith.muli %add3A_12, %mul3A_15 : i32
      "tpu.region"() ({
        %run_scoped3A = tpu.sem_alloc : memref<!tpu.dma_semaphore, #tpu.memory_space<semaphore_mem>>
        %dma_start3A_28 = arith.constant 0 : i32
        %dma_start3A_29 = tpu.memref_slice %arg4[%add3A, %mul3A_16, %dma_start3A_28] : memref<32x80x128xi32, #tpu.memory_space<hbm>> -> memref<1x40x128xi32, #tpu.memory_space<hbm>>
        %dma_start3A_30 = tpu.memref_squeeze %dma_start3A_29 : memref<1x40x128xi32, #tpu.memory_space<hbm>> -> memref<40x128xi32, #tpu.memory_space<hbm>>
        %dma_start3A_31 = arith.constant 0 : i32
        %dma_start3A_32 = tpu.memref_slice %arg4[%add3A, %mul3A_16, %dma_start3A_31] : memref<32x80x128xi32, #tpu.memory_space<hbm>> -> memref<1x40x128xi32, #tpu.memory_space<hbm>>
        %dma_start3A_33 = tpu.memref_squeeze %dma_start3A_32 : memref<1x40x128xi32, #tpu.memory_space<hbm>> -> memref<40x128xi32, #tpu.memory_space<hbm>>
        tpu.enqueue_dma source(%dma_start3A_33 : memref<40x128xi32, #tpu.memory_space<hbm>>) target(%arg8 : memref<40x128xi32, #tpu.memory_space<vmem>>) target_semaphore(%run_scoped3A : memref<!tpu.dma_semaphore, #tpu.memory_space<semaphore_mem>>)
        %dma_wait3A = arith.constant 0 : i32
        %dma_wait3A_34 = tpu.memref_slice %arg4[%add3A, %mul3A_16, %dma_wait3A] : memref<32x80x128xi32, #tpu.memory_space<hbm>> -> memref<1x40x128xi32, #tpu.memory_space<hbm>>
        %dma_wait3A_35 = tpu.memref_squeeze %dma_wait3A_34 : memref<1x40x128xi32, #tpu.memory_space<hbm>> -> memref<40x128xi32, #tpu.memory_space<hbm>>
        %dma_wait3A_36 = arith.constant 0 : i32
        %dma_wait3A_37 = tpu.memref_slice %arg4[%add3A, %mul3A_16, %dma_wait3A_36] : memref<32x80x128xi32, #tpu.memory_space<hbm>> -> memref<1x40x128xi32, #tpu.memory_space<hbm>>
        %dma_wait3A_38 = tpu.memref_squeeze %dma_wait3A_37 : memref<1x40x128xi32, #tpu.memory_space<hbm>> -> memref<40x128xi32, #tpu.memory_space<hbm>>
        tpu.wait_dma2 semaphore(%run_scoped3A : memref<!tpu.dma_semaphore, #tpu.memory_space<semaphore_mem>>) src(%dma_wait3A_38 : memref<40x128xi32, #tpu.memory_space<hbm>>) dst(%arg8 : memref<40x128xi32, #tpu.memory_space<vmem>>)
        tpu.yield
      }) : () -> ()
      %dma_start3A = arith.constant 0 : i32
      %dma_start3A_17 = arith.constant 0 : i32
      %dma_start3A_18 = tpu.memref_slice %arg7[%dma_start3A, %dma_start3A_17] : memref<40x128xi32, #tpu.memory_space<vmem>> -> memref<1x128xi32, #tpu.memory_space<vmem>>
      %dma_start3A_19 = tpu.memref_squeeze %dma_start3A_18 : memref<1x128xi32, #tpu.memory_space<vmem>> -> memref<128xi32, #tpu.memory_space<vmem>>
      %dma_start3A_20 = arith.constant 0 : i32
      %dma_start3A_21 = arith.constant 0 : i32
      %dma_start3A_22 = tpu.memref_slice %arg2[%dma_start3A_20, %dma_start3A_21] : memref<10240x128xf32, #tpu.memory_space<hbm>> -> memref<10240x128xf32, #tpu.memory_space<hbm>>
      tpu.enqueue_indirect_dma source(%dma_start3A_22 : memref<10240x128xf32, #tpu.memory_space<hbm>>) target(%arg9 : memref<128x128xf32, #tpu.memory_space<vmem>>) offsets(%dma_start3A_19 : memref<128xi32, #tpu.memory_space<vmem>>) semaphore(%arg12 : memref<!tpu.dma_semaphore, #tpu.memory_space<semaphore_mem>>)
      %scan3A_23 = arith.constant 0 : i32
      %scan3A_24 = arith.constant 20 : i32
      %scan3A_25 = arith.addi %scan3A_23, %scan3A_24 : i32
      %scan3A_26 = arith.constant 1 : i32
      scf.for %scan3A_28 = %scan3A_23 to %scan3A_25 step %scan3A_26  : i32 {
        %mul3A_29 = arith.constant 2 : i32
        %mul3A_30 = arith.muli %scan3A_28, %mul3A_29 : i32
        %add3A_31 = arith.constant 0 : i32
        %add3A_32 = arith.addi %add3A_31, %mul3A_30 : i32
        %dma_wait3A = arith.constant 0 : i32
        %dma_wait3A_33 = tpu.memref_slice %arg7[%add3A_32, %dma_wait3A] : memref<40x128xi32, #tpu.memory_space<vmem>> -> memref<1x128xi32, #tpu.memory_space<vmem>>
        %dma_wait3A_34 = tpu.memref_squeeze %dma_wait3A_33 : memref<1x128xi32, #tpu.memory_space<vmem>> -> memref<128xi32, #tpu.memory_space<vmem>>
        %dma_wait3A_35 = arith.constant 0 : i32
        %dma_wait3A_36 = arith.constant 0 : i32
        %dma_wait3A_37 = tpu.memref_slice %arg2[%dma_wait3A_35, %dma_wait3A_36] : memref<10240x128xf32, #tpu.memory_space<hbm>> -> memref<10240x128xf32, #tpu.memory_space<hbm>>
        tpu.wait_indirect_dma semaphore(%arg12 : memref<!tpu.dma_semaphore, #tpu.memory_space<semaphore_mem>>) src(%dma_wait3A_37 : memref<10240x128xf32, #tpu.memory_space<hbm>>) dst(%arg9 : memref<128x128xf32, #tpu.memory_space<vmem>>)
        %add3A_38 = arith.constant 1 : i32
        %add3A_39 = arith.addi %add3A_32, %add3A_38 : i32
        %dma_start3A_40 = arith.constant 0 : i32
        %dma_start3A_41 = tpu.memref_slice %arg7[%add3A_39, %dma_start3A_40] : memref<40x128xi32, #tpu.memory_space<vmem>> -> memref<1x128xi32, #tpu.memory_space<vmem>>
        %dma_start3A_42 = tpu.memref_squeeze %dma_start3A_41 : memref<1x128xi32, #tpu.memory_space<vmem>> -> memref<128xi32, #tpu.memory_space<vmem>>
        %dma_start3A_43 = arith.constant 0 : i32
        %dma_start3A_44 = arith.constant 0 : i32
        %dma_start3A_45 = tpu.memref_slice %arg2[%dma_start3A_43, %dma_start3A_44] : memref<10240x128xf32, #tpu.memory_space<hbm>> -> memref<10240x128xf32, #tpu.memory_space<hbm>>
        tpu.enqueue_indirect_dma source(%dma_start3A_45 : memref<10240x128xf32, #tpu.memory_space<hbm>>) target(%arg10 : memref<128x128xf32, #tpu.memory_space<vmem>>) offsets(%dma_start3A_42 : memref<128xi32, #tpu.memory_space<vmem>>) semaphore(%arg13 : memref<!tpu.dma_semaphore, #tpu.memory_space<semaphore_mem>>)
        "tpu.region"() ({
          %run_scoped3A = tpu.sem_alloc : memref<!tpu.dma_semaphore, #tpu.memory_space<semaphore_mem>>
          %dma_start3A_60 = arith.constant 0 : i32
          %dma_start3A_61 = tpu.memref_slice %arg8[%add3A_32, %dma_start3A_60] : memref<40x128xi32, #tpu.memory_space<vmem>> -> memref<1x128xi32, #tpu.memory_space<vmem>>
          %dma_start3A_62 = tpu.memref_squeeze %dma_start3A_61 : memref<1x128xi32, #tpu.memory_space<vmem>> -> memref<128xi32, #tpu.memory_space<vmem>>
          %dma_start3A_63 = arith.constant 0 : i32
          %dma_start3A_64 = arith.constant 0 : i32
          %dma_start3A_65 = tpu.memref_slice %arg11[%dma_start3A_63, %dma_start3A_64] : memref<10240x128xf32, #tpu.memory_space<vmem_shared>> -> memref<10240x128xf32, #tpu.memory_space<vmem_shared>>
          tpu.enqueue_indirect_dma source(%arg9 : memref<128x128xf32, #tpu.memory_space<vmem>>) target(%dma_start3A_65 : memref<10240x128xf32, #tpu.memory_space<vmem_shared>>) offsets(%dma_start3A_62 : memref<128xi32, #tpu.memory_space<vmem>>) semaphore(%run_scoped3A : memref<!tpu.dma_semaphore, #tpu.memory_space<semaphore_mem>>) {add = true}
          %dma_wait3A_66 = arith.constant 0 : i32
          %dma_wait3A_67 = tpu.memref_slice %arg8[%add3A_32, %dma_wait3A_66] : memref<40x128xi32, #tpu.memory_space<vmem>> -> memref<1x128xi32, #tpu.memory_space<vmem>>
          %dma_wait3A_68 = tpu.memref_squeeze %dma_wait3A_67 : memref<1x128xi32, #tpu.memory_space<vmem>> -> memref<128xi32, #tpu.memory_space<vmem>>
          %dma_wait3A_69 = arith.constant 0 : i32
          %dma_wait3A_70 = arith.constant 0 : i32
          %dma_wait3A_71 = tpu.memref_slice %arg11[%dma_wait3A_69, %dma_wait3A_70] : memref<10240x128xf32, #tpu.memory_space<vmem_shared>> -> memref<10240x128xf32, #tpu.memory_space<vmem_shared>>
          tpu.wait_indirect_dma semaphore(%run_scoped3A : memref<!tpu.dma_semaphore, #tpu.memory_space<semaphore_mem>>) src(%arg9 : memref<128x128xf32, #tpu.memory_space<vmem>>) dst(%dma_wait3A_71 : memref<10240x128xf32, #tpu.memory_space<vmem_shared>>)
          tpu.yield
        }) : () -> ()
        %add3A_46 = arith.constant 1 : i32
        %add3A_47 = arith.addi %add3A_32, %add3A_46 : i32
        %dma_wait3A_48 = arith.constant 0 : i32
        %dma_wait3A_49 = tpu.memref_slice %arg7[%add3A_47, %dma_wait3A_48] : memref<40x128xi32, #tpu.memory_space<vmem>> -> memref<1x128xi32, #tpu.memory_space<vmem>>
        %dma_wait3A_50 = tpu.memref_squeeze %dma_wait3A_49 : memref<1x128xi32, #tpu.memory_space<vmem>> -> memref<128xi32, #tpu.memory_space<vmem>>
        %dma_wait3A_51 = arith.constant 0 : i32
        %dma_wait3A_52 = arith.constant 0 : i32
        %dma_wait3A_53 = tpu.memref_slice %arg2[%dma_wait3A_51, %dma_wait3A_52] : memref<10240x128xf32, #tpu.memory_space<hbm>> -> memref<10240x128xf32, #tpu.memory_space<hbm>>
        tpu.wait_indirect_dma semaphore(%arg13 : memref<!tpu.dma_semaphore, #tpu.memory_space<semaphore_mem>>) src(%dma_wait3A_53 : memref<10240x128xf32, #tpu.memory_space<hbm>>) dst(%arg10 : memref<128x128xf32, #tpu.memory_space<vmem>>)
        %add3A_54 = arith.constant 2 : i32
        %add3A_55 = arith.addi %add3A_32, %add3A_54 : i32
        %lt3A = arith.constant 40 : i32
        %lt3A_56 = arith.cmpi slt, %add3A_55, %lt3A : i32
        %convert_element_type3A = arith.extui %lt3A_56 : i1 to i32
        %cond3A = arith.constant 0 : i32
        %cond3A_57 = arith.cmpi ne, %convert_element_type3A, %cond3A : i32
        scf.if %cond3A_57 {
          %add3A_60 = arith.constant 2 : i32
          %add3A_61 = arith.addi %add3A_32, %add3A_60 : i32
          %dma_start3A_62 = arith.constant 0 : i32
          %dma_start3A_63 = tpu.memref_slice %arg7[%add3A_61, %dma_start3A_62] : memref<40x128xi32, #tpu.memory_space<vmem>> -> memref<1x128xi32, #tpu.memory_space<vmem>>
          %dma_start3A_64 = tpu.memref_squeeze %dma_start3A_63 : memref<1x128xi32, #tpu.memory_space<vmem>> -> memref<128xi32, #tpu.memory_space<vmem>>
          %dma_start3A_65 = arith.constant 0 : i32
          %dma_start3A_66 = arith.constant 0 : i32
          %dma_start3A_67 = tpu.memref_slice %arg2[%dma_start3A_65, %dma_start3A_66] : memref<10240x128xf32, #tpu.memory_space<hbm>> -> memref<10240x128xf32, #tpu.memory_space<hbm>>
          tpu.enqueue_indirect_dma source(%dma_start3A_67 : memref<10240x128xf32, #tpu.memory_space<hbm>>) target(%arg9 : memref<128x128xf32, #tpu.memory_space<vmem>>) offsets(%dma_start3A_64 : memref<128xi32, #tpu.memory_space<vmem>>) semaphore(%arg12 : memref<!tpu.dma_semaphore, #tpu.memory_space<semaphore_mem>>)
        } else {
        }
        %add3A_58 = arith.constant 1 : i32
        %add3A_59 = arith.addi %add3A_32, %add3A_58 : i32
        "tpu.region"() ({
          %run_scoped3A = tpu.sem_alloc : memref<!tpu.dma_semaphore, #tpu.memory_space<semaphore_mem>>
          %dma_start3A_60 = arith.constant 0 : i32
          %dma_start3A_61 = tpu.memref_slice %arg8[%add3A_59, %dma_start3A_60] : memref<40x128xi32, #tpu.memory_space<vmem>> -> memref<1x128xi32, #tpu.memory_space<vmem>>
          %dma_start3A_62 = tpu.memref_squeeze %dma_start3A_61 : memref<1x128xi32, #tpu.memory_space<vmem>> -> memref<128xi32, #tpu.memory_space<vmem>>
          %dma_start3A_63 = arith.constant 0 : i32
          %dma_start3A_64 = arith.constant 0 : i32
          %dma_start3A_65 = tpu.memref_slice %arg11[%dma_start3A_63, %dma_start3A_64] : memref<10240x128xf32, #tpu.memory_space<vmem_shared>> -> memref<10240x128xf32, #tpu.memory_space<vmem_shared>>
          tpu.enqueue_indirect_dma source(%arg10 : memref<128x128xf32, #tpu.memory_space<vmem>>) target(%dma_start3A_65 : memref<10240x128xf32, #tpu.memory_space<vmem_shared>>) offsets(%dma_start3A_62 : memref<128xi32, #tpu.memory_space<vmem>>) semaphore(%run_scoped3A : memref<!tpu.dma_semaphore, #tpu.memory_space<semaphore_mem>>) {add = true}
          %dma_wait3A_66 = arith.constant 0 : i32
          %dma_wait3A_67 = tpu.memref_slice %arg8[%add3A_59, %dma_wait3A_66] : memref<40x128xi32, #tpu.memory_space<vmem>> -> memref<1x128xi32, #tpu.memory_space<vmem>>
          %dma_wait3A_68 = tpu.memref_squeeze %dma_wait3A_67 : memref<1x128xi32, #tpu.memory_space<vmem>> -> memref<128xi32, #tpu.memory_space<vmem>>
          %dma_wait3A_69 = arith.constant 0 : i32
          %dma_wait3A_70 = arith.constant 0 : i32
          %dma_wait3A_71 = tpu.memref_slice %arg11[%dma_wait3A_69, %dma_wait3A_70] : memref<10240x128xf32, #tpu.memory_space<vmem_shared>> -> memref<10240x128xf32, #tpu.memory_space<vmem_shared>>
          tpu.wait_indirect_dma semaphore(%run_scoped3A : memref<!tpu.dma_semaphore, #tpu.memory_space<semaphore_mem>>) src(%arg10 : memref<128x128xf32, #tpu.memory_space<vmem>>) dst(%dma_wait3A_71 : memref<10240x128xf32, #tpu.memory_space<vmem_shared>>)
          tpu.yield
        }) : () -> ()
      }
      %scan3A_27 = arith.constant 20 : i32
    }
    %scan3A_6 = arith.constant 2 : i32
    %barrier3A_7 = arith.constant 0 : index
    tpu.barrier barrier_id(%barrier3A_7)
    "tpu.region"() ({
      %run_scoped3A = tpu.sem_alloc : memref<!tpu.dma_semaphore, #tpu.memory_space<semaphore_mem>>
      %dma_start3A = arith.constant 0 : i32
      %dma_start3A_8 = tpu.memref_slice %arg6[%arg0, %mul3A_2, %dma_start3A] : memref<2x10240x128xf32, #tpu.memory_space<hbm>> -> memref<1x640x128xf32, #tpu.memory_space<hbm>>
      %dma_start3A_9 = tpu.memref_squeeze %dma_start3A_8 : memref<1x640x128xf32, #tpu.memory_space<hbm>> -> memref<640x128xf32, #tpu.memory_space<hbm>>
      %dma_start3A_10 = arith.constant 0 : i32
      %dma_start3A_11 = tpu.memref_slice %arg11[%mul3A_2, %dma_start3A_10] : memref<10240x128xf32, #tpu.memory_space<vmem_shared>> -> memref<640x128xf32, #tpu.memory_space<vmem_shared>>
      tpu.enqueue_dma source(%dma_start3A_11 : memref<640x128xf32, #tpu.memory_space<vmem_shared>>) target(%dma_start3A_9 : memref<640x128xf32, #tpu.memory_space<hbm>>) target_semaphore(%run_scoped3A : memref<!tpu.dma_semaphore, #tpu.memory_space<semaphore_mem>>)
      %dma_wait3A = arith.constant 0 : i32
      %dma_wait3A_12 = tpu.memref_slice %arg6[%arg0, %mul3A_2, %dma_wait3A] : memref<2x10240x128xf32, #tpu.memory_space<hbm>> -> memref<1x640x128xf32, #tpu.memory_space<hbm>>
      %dma_wait3A_13 = tpu.memref_squeeze %dma_wait3A_12 : memref<1x640x128xf32, #tpu.memory_space<hbm>> -> memref<640x128xf32, #tpu.memory_space<hbm>>
      %dma_wait3A_14 = arith.constant 0 : i32
      %dma_wait3A_15 = tpu.memref_slice %arg11[%mul3A_2, %dma_wait3A_14] : memref<10240x128xf32, #tpu.memory_space<vmem_shared>> -> memref<640x128xf32, #tpu.memory_space<vmem_shared>>
      tpu.wait_dma2 semaphore(%run_scoped3A : memref<!tpu.dma_semaphore, #tpu.memory_space<semaphore_mem>>) src(%dma_wait3A_15 : memref<640x128xf32, #tpu.memory_space<vmem_shared>>) dst(%dma_wait3A_13 : memref<640x128xf32, #tpu.memory_space<hbm>>)
      tpu.yield
    }) : () -> ()
    return
  }
}

#map = affine_map<(d0, d1) -> (0, 0)>
#map1 = affine_map<(d0, d1) -> (0, 0, 0)>
module attributes {stable_mosaic.version = 14 : i64} {
  func.func @_gather_kernel(%arg0: i32, %arg1: i32, %arg2: memref<3000x128xf32, #tpu.memory_space<hbm>>, %arg3: memref<32x5x64xi32, #tpu.memory_space<hbm>>, %arg4: memref<10240x128xf32, #tpu.memory_space<hbm>>, %arg5: memref<5x64xi32, #tpu.memory_space<vmem>>, %arg6: memref<64x128xf32, #tpu.memory_space<vmem>>, %arg7: memref<!tpu.dma_semaphore, #tpu.memory_space<semaphore_mem>>) attributes {dimension_semantics = [#tpu.dimension_semantics<core_parallel>, #tpu.dimension_semantics<subcore_parallel>], iteration_bounds = array<i64: 2, 16>, scalar_prefetch = 0 : i64, scratch_operands = 3 : i64, tpu.core_type = #tpu.core_type<sc_vector_subcore>, window_params = [{transform_indices = #map}, {transform_indices = #map1}, {transform_indices = #map}]} {
    %mul3A = arith.constant 2 : i32
    %mul3A_0 = arith.muli %arg1, %mul3A : i32
    %add3A = arith.addi %mul3A_0, %arg0 : i32
    "tpu.region"() ({
      %run_scoped3A = tpu.sem_alloc : memref<!tpu.dma_semaphore, #tpu.memory_space<semaphore_mem>>
      %dma_start3A = arith.constant 0 : i32
      %dma_start3A_5 = arith.constant 0 : i32
      %dma_start3A_6 = tpu.memref_slice %arg3[%add3A, %dma_start3A, %dma_start3A_5] : memref<32x5x64xi32, #tpu.memory_space<hbm>> -> memref<1x5x64xi32, #tpu.memory_space<hbm>>
      %dma_start3A_7 = tpu.memref_squeeze %dma_start3A_6 : memref<1x5x64xi32, #tpu.memory_space<hbm>> -> memref<5x64xi32, #tpu.memory_space<hbm>>
      %dma_start3A_8 = arith.constant 0 : i32
      %dma_start3A_9 = arith.constant 0 : i32
      %dma_start3A_10 = tpu.memref_slice %arg3[%add3A, %dma_start3A_8, %dma_start3A_9] : memref<32x5x64xi32, #tpu.memory_space<hbm>> -> memref<1x5x64xi32, #tpu.memory_space<hbm>>
      %dma_start3A_11 = tpu.memref_squeeze %dma_start3A_10 : memref<1x5x64xi32, #tpu.memory_space<hbm>> -> memref<5x64xi32, #tpu.memory_space<hbm>>
      tpu.enqueue_dma source(%dma_start3A_11 : memref<5x64xi32, #tpu.memory_space<hbm>>) target(%arg5 : memref<5x64xi32, #tpu.memory_space<vmem>>) target_semaphore(%run_scoped3A : memref<!tpu.dma_semaphore, #tpu.memory_space<semaphore_mem>>)
      %dma_wait3A = arith.constant 0 : i32
      %dma_wait3A_12 = arith.constant 0 : i32
      %dma_wait3A_13 = tpu.memref_slice %arg3[%add3A, %dma_wait3A, %dma_wait3A_12] : memref<32x5x64xi32, #tpu.memory_space<hbm>> -> memref<1x5x64xi32, #tpu.memory_space<hbm>>
      %dma_wait3A_14 = tpu.memref_squeeze %dma_wait3A_13 : memref<1x5x64xi32, #tpu.memory_space<hbm>> -> memref<5x64xi32, #tpu.memory_space<hbm>>
      %dma_wait3A_15 = arith.constant 0 : i32
      %dma_wait3A_16 = arith.constant 0 : i32
      %dma_wait3A_17 = tpu.memref_slice %arg3[%add3A, %dma_wait3A_15, %dma_wait3A_16] : memref<32x5x64xi32, #tpu.memory_space<hbm>> -> memref<1x5x64xi32, #tpu.memory_space<hbm>>
      %dma_wait3A_18 = tpu.memref_squeeze %dma_wait3A_17 : memref<1x5x64xi32, #tpu.memory_space<hbm>> -> memref<5x64xi32, #tpu.memory_space<hbm>>
      tpu.wait_dma2 semaphore(%run_scoped3A : memref<!tpu.dma_semaphore, #tpu.memory_space<semaphore_mem>>) src(%dma_wait3A_18 : memref<5x64xi32, #tpu.memory_space<hbm>>) dst(%arg5 : memref<5x64xi32, #tpu.memory_space<vmem>>)
      tpu.yield
    }) : () -> ()
    %scan3A = arith.constant 0 : i32
    %scan3A_1 = arith.constant 5 : i32
    %scan3A_2 = arith.addi %scan3A, %scan3A_1 : i32
    %scan3A_3 = arith.constant 1 : i32
    scf.for %scan3A_5 = %scan3A to %scan3A_2 step %scan3A_3  : i32 {
      %mul3A_6 = arith.constant 1 : i32
      %mul3A_7 = arith.muli %scan3A_5, %mul3A_6 : i32
      %add3A_8 = arith.constant 0 : i32
      %add3A_9 = arith.addi %add3A_8, %mul3A_7 : i32
      %dma_start3A = arith.constant 0 : i32
      %dma_start3A_10 = tpu.memref_slice %arg5[%add3A_9, %dma_start3A] : memref<5x64xi32, #tpu.memory_space<vmem>> -> memref<1x64xi32, #tpu.memory_space<vmem>>
      %dma_start3A_11 = tpu.memref_squeeze %dma_start3A_10 : memref<1x64xi32, #tpu.memory_space<vmem>> -> memref<64xi32, #tpu.memory_space<vmem>>
      %dma_start3A_12 = arith.constant 0 : i32
      %dma_start3A_13 = arith.constant 0 : i32
      %dma_start3A_14 = tpu.memref_slice %arg2[%dma_start3A_12, %dma_start3A_13] : memref<3000x128xf32, #tpu.memory_space<hbm>> -> memref<3000x128xf32, #tpu.memory_space<hbm>>
      tpu.enqueue_indirect_dma source(%dma_start3A_14 : memref<3000x128xf32, #tpu.memory_space<hbm>>) target(%arg6 : memref<64x128xf32, #tpu.memory_space<vmem>>) offsets(%dma_start3A_11 : memref<64xi32, #tpu.memory_space<vmem>>) semaphore(%arg7 : memref<!tpu.dma_semaphore, #tpu.memory_space<semaphore_mem>>)
      %dma_wait3A = arith.constant 0 : i32
      %dma_wait3A_15 = tpu.memref_slice %arg5[%add3A_9, %dma_wait3A] : memref<5x64xi32, #tpu.memory_space<vmem>> -> memref<1x64xi32, #tpu.memory_space<vmem>>
      %dma_wait3A_16 = tpu.memref_squeeze %dma_wait3A_15 : memref<1x64xi32, #tpu.memory_space<vmem>> -> memref<64xi32, #tpu.memory_space<vmem>>
      %dma_wait3A_17 = arith.constant 0 : i32
      %dma_wait3A_18 = arith.constant 0 : i32
      %dma_wait3A_19 = tpu.memref_slice %arg2[%dma_wait3A_17, %dma_wait3A_18] : memref<3000x128xf32, #tpu.memory_space<hbm>> -> memref<3000x128xf32, #tpu.memory_space<hbm>>
      tpu.wait_indirect_dma semaphore(%arg7 : memref<!tpu.dma_semaphore, #tpu.memory_space<semaphore_mem>>) src(%dma_wait3A_19 : memref<3000x128xf32, #tpu.memory_space<hbm>>) dst(%arg6 : memref<64x128xf32, #tpu.memory_space<vmem>>)
      %mul3A_20 = arith.constant 320 : i32
      %mul3A_21 = arith.muli %add3A, %mul3A_20 : i32
      %mul3A_22 = arith.constant 64 : i32
      %mul3A_23 = arith.muli %add3A_9, %mul3A_22 : i32
      %add3A_24 = arith.addi %mul3A_21, %mul3A_23 : i32
      "tpu.region"() ({
        %run_scoped3A = tpu.sem_alloc : memref<!tpu.dma_semaphore, #tpu.memory_space<semaphore_mem>>
        %dma_start3A_25 = arith.constant 0 : i32
        %dma_start3A_26 = tpu.memref_slice %arg4[%add3A_24, %dma_start3A_25] : memref<10240x128xf32, #tpu.memory_space<hbm>> -> memref<64x128xf32, #tpu.memory_space<hbm>>
        %dma_start3A_27 = arith.constant 0 : i32
        %dma_start3A_28 = tpu.memref_slice %arg4[%add3A_24, %dma_start3A_27] : memref<10240x128xf32, #tpu.memory_space<hbm>> -> memref<64x128xf32, #tpu.memory_space<hbm>>
        tpu.enqueue_dma source(%arg6 : memref<64x128xf32, #tpu.memory_space<vmem>>) target(%dma_start3A_28 : memref<64x128xf32, #tpu.memory_space<hbm>>) target_semaphore(%run_scoped3A : memref<!tpu.dma_semaphore, #tpu.memory_space<semaphore_mem>>)
        %dma_wait3A_29 = arith.constant 0 : i32
        %dma_wait3A_30 = tpu.memref_slice %arg4[%add3A_24, %dma_wait3A_29] : memref<10240x128xf32, #tpu.memory_space<hbm>> -> memref<64x128xf32, #tpu.memory_space<hbm>>
        %dma_wait3A_31 = arith.constant 0 : i32
        %dma_wait3A_32 = tpu.memref_slice %arg4[%add3A_24, %dma_wait3A_31] : memref<10240x128xf32, #tpu.memory_space<hbm>> -> memref<64x128xf32, #tpu.memory_space<hbm>>
        tpu.wait_dma2 semaphore(%run_scoped3A : memref<!tpu.dma_semaphore, #tpu.memory_space<semaphore_mem>>) src(%arg6 : memref<64x128xf32, #tpu.memory_space<vmem>>) dst(%dma_wait3A_32 : memref<64x128xf32, #tpu.memory_space<hbm>>)
        tpu.yield
      }) : () -> ()
    }
    %scan3A_4 = arith.constant 5 : i32
    return
  }
}

#map = affine_map<(d0, d1) -> (0, 0)>
#map1 = affine_map<(d0, d1) -> (0, 0, 0)>
module attributes {stable_mosaic.version = 14 : i64} {
  func.func @_msg_kernel(%arg0: i32, %arg1: i32, %arg2: memref<10240x128xf32, #tpu.memory_space<hbm>>, %arg3: memref<32x80x128xi32, #tpu.memory_space<hbm>>, %arg4: memref<32x80x128xi32, #tpu.memory_space<hbm>>, %arg5: memref<10240x128xf32, #tpu.memory_space<hbm>>, %arg6: memref<2x10240x128xf32, #tpu.memory_space<hbm>>, %arg7: memref<40x128xi32, #tpu.memory_space<vmem>>, %arg8: memref<40x128xi32, #tpu.memory_space<vmem>>, %arg9: memref<128x128xf32, #tpu.memory_space<vmem>>, %arg10: memref<128x128xf32, #tpu.memory_space<vmem>>, %arg11: memref<10240x128xf32, #tpu.memory_space<vmem_shared>>, %arg12: memref<!tpu.dma_semaphore, #tpu.memory_space<semaphore_mem>>, %arg13: memref<!tpu.dma_semaphore, #tpu.memory_space<semaphore_mem>>) attributes {dimension_semantics = [#tpu.dimension_semantics<core_parallel>, #tpu.dimension_semantics<subcore_parallel>], iteration_bounds = array<i64: 2, 16>, scalar_prefetch = 0 : i64, scratch_operands = 7 : i64, tpu.core_type = #tpu.core_type<sc_vector_subcore>, window_params = [{transform_indices = #map}, {transform_indices = #map1}, {transform_indices = #map1}, {transform_indices = #map}, {transform_indices = #map1}]} {
    %mul3A = arith.constant 2 : i32
    %mul3A_0 = arith.muli %arg1, %mul3A : i32
    %add3A = arith.addi %mul3A_0, %arg0 : i32
    %mul3A_1 = arith.constant 640 : i32
    %mul3A_2 = arith.muli %arg1, %mul3A_1 : i32
    "tpu.region"() ({
      %run_scoped3A = tpu.sem_alloc : memref<!tpu.dma_semaphore, #tpu.memory_space<semaphore_mem>>
      %dma_start3A = arith.constant 0 : i32
      %dma_start3A_8 = tpu.memref_slice %arg11[%mul3A_2, %dma_start3A] : memref<10240x128xf32, #tpu.memory_space<vmem_shared>> -> memref<640x128xf32, #tpu.memory_space<vmem_shared>>
      %dma_start3A_9 = arith.constant 0 : i32
      %dma_start3A_10 = tpu.memref_slice %arg5[%mul3A_2, %dma_start3A_9] : memref<10240x128xf32, #tpu.memory_space<hbm>> -> memref<640x128xf32, #tpu.memory_space<hbm>>
      tpu.enqueue_dma source(%dma_start3A_10 : memref<640x128xf32, #tpu.memory_space<hbm>>) target(%dma_start3A_8 : memref<640x128xf32, #tpu.memory_space<vmem_shared>>) target_semaphore(%run_scoped3A : memref<!tpu.dma_semaphore, #tpu.memory_space<semaphore_mem>>)
      %dma_wait3A = arith.constant 0 : i32
      %dma_wait3A_11 = tpu.memref_slice %arg11[%mul3A_2, %dma_wait3A] : memref<10240x128xf32, #tpu.memory_space<vmem_shared>> -> memref<640x128xf32, #tpu.memory_space<vmem_shared>>
      %dma_wait3A_12 = arith.constant 0 : i32
      %dma_wait3A_13 = tpu.memref_slice %arg5[%mul3A_2, %dma_wait3A_12] : memref<10240x128xf32, #tpu.memory_space<hbm>> -> memref<640x128xf32, #tpu.memory_space<hbm>>
      tpu.wait_dma2 semaphore(%run_scoped3A : memref<!tpu.dma_semaphore, #tpu.memory_space<semaphore_mem>>) src(%dma_wait3A_13 : memref<640x128xf32, #tpu.memory_space<hbm>>) dst(%dma_wait3A_11 : memref<640x128xf32, #tpu.memory_space<vmem_shared>>)
      tpu.yield
    }) : () -> ()
    %barrier3A = arith.constant 0 : index
    tpu.barrier barrier_id(%barrier3A)
    %scan3A = arith.constant 0 : i32
    %scan3A_3 = arith.constant 2 : i32
    %scan3A_4 = arith.addi %scan3A, %scan3A_3 : i32
    %scan3A_5 = arith.constant 1 : i32
    scf.for %scan3A_8 = %scan3A to %scan3A_4 step %scan3A_5  : i32 {
      %mul3A_9 = arith.constant 1 : i32
      %mul3A_10 = arith.muli %scan3A_8, %mul3A_9 : i32
      %add3A_11 = arith.constant 0 : i32
      %add3A_12 = arith.addi %add3A_11, %mul3A_10 : i32
      %mul3A_13 = arith.constant 40 : i32
      %mul3A_14 = arith.muli %add3A_12, %mul3A_13 : i32
      "tpu.region"() ({
        %run_scoped3A = tpu.sem_alloc : memref<!tpu.dma_semaphore, #tpu.memory_space<semaphore_mem>>
        %dma_start3A_28 = arith.constant 0 : i32
        %dma_start3A_29 = tpu.memref_slice %arg3[%add3A, %mul3A_14, %dma_start3A_28] : memref<32x80x128xi32, #tpu.memory_space<hbm>> -> memref<1x40x128xi32, #tpu.memory_space<hbm>>
        %dma_start3A_30 = tpu.memref_squeeze %dma_start3A_29 : memref<1x40x128xi32, #tpu.memory_space<hbm>> -> memref<40x128xi32, #tpu.memory_space<hbm>>
        %dma_start3A_31 = arith.constant 0 : i32
        %dma_start3A_32 = tpu.memref_slice %arg3[%add3A, %mul3A_14, %dma_start3A_31] : memref<32x80x128xi32, #tpu.memory_space<hbm>> -> memref<1x40x128xi32, #tpu.memory_space<hbm>>
        %dma_start3A_33 = tpu.memref_squeeze %dma_start3A_32 : memref<1x40x128xi32, #tpu.memory_space<hbm>> -> memref<40x128xi32, #tpu.memory_space<hbm>>
        tpu.enqueue_dma source(%dma_start3A_33 : memref<40x128xi32, #tpu.memory_space<hbm>>) target(%arg7 : memref<40x128xi32, #tpu.memory_space<vmem>>) target_semaphore(%run_scoped3A : memref<!tpu.dma_semaphore, #tpu.memory_space<semaphore_mem>>)
        %dma_wait3A = arith.constant 0 : i32
        %dma_wait3A_34 = tpu.memref_slice %arg3[%add3A, %mul3A_14, %dma_wait3A] : memref<32x80x128xi32, #tpu.memory_space<hbm>> -> memref<1x40x128xi32, #tpu.memory_space<hbm>>
        %dma_wait3A_35 = tpu.memref_squeeze %dma_wait3A_34 : memref<1x40x128xi32, #tpu.memory_space<hbm>> -> memref<40x128xi32, #tpu.memory_space<hbm>>
        %dma_wait3A_36 = arith.constant 0 : i32
        %dma_wait3A_37 = tpu.memref_slice %arg3[%add3A, %mul3A_14, %dma_wait3A_36] : memref<32x80x128xi32, #tpu.memory_space<hbm>> -> memref<1x40x128xi32, #tpu.memory_space<hbm>>
        %dma_wait3A_38 = tpu.memref_squeeze %dma_wait3A_37 : memref<1x40x128xi32, #tpu.memory_space<hbm>> -> memref<40x128xi32, #tpu.memory_space<hbm>>
        tpu.wait_dma2 semaphore(%run_scoped3A : memref<!tpu.dma_semaphore, #tpu.memory_space<semaphore_mem>>) src(%dma_wait3A_38 : memref<40x128xi32, #tpu.memory_space<hbm>>) dst(%arg7 : memref<40x128xi32, #tpu.memory_space<vmem>>)
        tpu.yield
      }) : () -> ()
      %mul3A_15 = arith.constant 40 : i32
      %mul3A_16 = arith.muli %add3A_12, %mul3A_15 : i32
      "tpu.region"() ({
        %run_scoped3A = tpu.sem_alloc : memref<!tpu.dma_semaphore, #tpu.memory_space<semaphore_mem>>
        %dma_start3A_28 = arith.constant 0 : i32
        %dma_start3A_29 = tpu.memref_slice %arg4[%add3A, %mul3A_16, %dma_start3A_28] : memref<32x80x128xi32, #tpu.memory_space<hbm>> -> memref<1x40x128xi32, #tpu.memory_space<hbm>>
        %dma_start3A_30 = tpu.memref_squeeze %dma_start3A_29 : memref<1x40x128xi32, #tpu.memory_space<hbm>> -> memref<40x128xi32, #tpu.memory_space<hbm>>
        %dma_start3A_31 = arith.constant 0 : i32
        %dma_start3A_32 = tpu.memref_slice %arg4[%add3A, %mul3A_16, %dma_start3A_31] : memref<32x80x128xi32, #tpu.memory_space<hbm>> -> memref<1x40x128xi32, #tpu.memory_space<hbm>>
        %dma_start3A_33 = tpu.memref_squeeze %dma_start3A_32 : memref<1x40x128xi32, #tpu.memory_space<hbm>> -> memref<40x128xi32, #tpu.memory_space<hbm>>
        tpu.enqueue_dma source(%dma_start3A_33 : memref<40x128xi32, #tpu.memory_space<hbm>>) target(%arg8 : memref<40x128xi32, #tpu.memory_space<vmem>>) target_semaphore(%run_scoped3A : memref<!tpu.dma_semaphore, #tpu.memory_space<semaphore_mem>>)
        %dma_wait3A = arith.constant 0 : i32
        %dma_wait3A_34 = tpu.memref_slice %arg4[%add3A, %mul3A_16, %dma_wait3A] : memref<32x80x128xi32, #tpu.memory_space<hbm>> -> memref<1x40x128xi32, #tpu.memory_space<hbm>>
        %dma_wait3A_35 = tpu.memref_squeeze %dma_wait3A_34 : memref<1x40x128xi32, #tpu.memory_space<hbm>> -> memref<40x128xi32, #tpu.memory_space<hbm>>
        %dma_wait3A_36 = arith.constant 0 : i32
        %dma_wait3A_37 = tpu.memref_slice %arg4[%add3A, %mul3A_16, %dma_wait3A_36] : memref<32x80x128xi32, #tpu.memory_space<hbm>> -> memref<1x40x128xi32, #tpu.memory_space<hbm>>
        %dma_wait3A_38 = tpu.memref_squeeze %dma_wait3A_37 : memref<1x40x128xi32, #tpu.memory_space<hbm>> -> memref<40x128xi32, #tpu.memory_space<hbm>>
        tpu.wait_dma2 semaphore(%run_scoped3A : memref<!tpu.dma_semaphore, #tpu.memory_space<semaphore_mem>>) src(%dma_wait3A_38 : memref<40x128xi32, #tpu.memory_space<hbm>>) dst(%arg8 : memref<40x128xi32, #tpu.memory_space<vmem>>)
        tpu.yield
      }) : () -> ()
      %dma_start3A = arith.constant 0 : i32
      %dma_start3A_17 = arith.constant 0 : i32
      %dma_start3A_18 = tpu.memref_slice %arg7[%dma_start3A, %dma_start3A_17] : memref<40x128xi32, #tpu.memory_space<vmem>> -> memref<1x128xi32, #tpu.memory_space<vmem>>
      %dma_start3A_19 = tpu.memref_squeeze %dma_start3A_18 : memref<1x128xi32, #tpu.memory_space<vmem>> -> memref<128xi32, #tpu.memory_space<vmem>>
      %dma_start3A_20 = arith.constant 0 : i32
      %dma_start3A_21 = arith.constant 0 : i32
      %dma_start3A_22 = tpu.memref_slice %arg2[%dma_start3A_20, %dma_start3A_21] : memref<10240x128xf32, #tpu.memory_space<hbm>> -> memref<10240x128xf32, #tpu.memory_space<hbm>>
      tpu.enqueue_indirect_dma source(%dma_start3A_22 : memref<10240x128xf32, #tpu.memory_space<hbm>>) target(%arg9 : memref<128x128xf32, #tpu.memory_space<vmem>>) offsets(%dma_start3A_19 : memref<128xi32, #tpu.memory_space<vmem>>) semaphore(%arg12 : memref<!tpu.dma_semaphore, #tpu.memory_space<semaphore_mem>>)
      %scan3A_23 = arith.constant 0 : i32
      %scan3A_24 = arith.constant 20 : i32
      %scan3A_25 = arith.addi %scan3A_23, %scan3A_24 : i32
      %scan3A_26 = arith.constant 1 : i32
      scf.for %scan3A_28 = %scan3A_23 to %scan3A_25 step %scan3A_26  : i32 {
        %mul3A_29 = arith.constant 2 : i32
        %mul3A_30 = arith.muli %scan3A_28, %mul3A_29 : i32
        %add3A_31 = arith.constant 0 : i32
        %add3A_32 = arith.addi %add3A_31, %mul3A_30 : i32
        %dma_wait3A = arith.constant 0 : i32
        %dma_wait3A_33 = tpu.memref_slice %arg7[%add3A_32, %dma_wait3A] : memref<40x128xi32, #tpu.memory_space<vmem>> -> memref<1x128xi32, #tpu.memory_space<vmem>>
        %dma_wait3A_34 = tpu.memref_squeeze %dma_wait3A_33 : memref<1x128xi32, #tpu.memory_space<vmem>> -> memref<128xi32, #tpu.memory_space<vmem>>
        %dma_wait3A_35 = arith.constant 0 : i32
        %dma_wait3A_36 = arith.constant 0 : i32
        %dma_wait3A_37 = tpu.memref_slice %arg2[%dma_wait3A_35, %dma_wait3A_36] : memref<10240x128xf32, #tpu.memory_space<hbm>> -> memref<10240x128xf32, #tpu.memory_space<hbm>>
        tpu.wait_indirect_dma semaphore(%arg12 : memref<!tpu.dma_semaphore, #tpu.memory_space<semaphore_mem>>) src(%dma_wait3A_37 : memref<10240x128xf32, #tpu.memory_space<hbm>>) dst(%arg9 : memref<128x128xf32, #tpu.memory_space<vmem>>)
        %add3A_38 = arith.constant 1 : i32
        %add3A_39 = arith.addi %add3A_32, %add3A_38 : i32
        %dma_start3A_40 = arith.constant 0 : i32
        %dma_start3A_41 = tpu.memref_slice %arg7[%add3A_39, %dma_start3A_40] : memref<40x128xi32, #tpu.memory_space<vmem>> -> memref<1x128xi32, #tpu.memory_space<vmem>>
        %dma_start3A_42 = tpu.memref_squeeze %dma_start3A_41 : memref<1x128xi32, #tpu.memory_space<vmem>> -> memref<128xi32, #tpu.memory_space<vmem>>
        %dma_start3A_43 = arith.constant 0 : i32
        %dma_start3A_44 = arith.constant 0 : i32
        %dma_start3A_45 = tpu.memref_slice %arg2[%dma_start3A_43, %dma_start3A_44] : memref<10240x128xf32, #tpu.memory_space<hbm>> -> memref<10240x128xf32, #tpu.memory_space<hbm>>
        tpu.enqueue_indirect_dma source(%dma_start3A_45 : memref<10240x128xf32, #tpu.memory_space<hbm>>) target(%arg10 : memref<128x128xf32, #tpu.memory_space<vmem>>) offsets(%dma_start3A_42 : memref<128xi32, #tpu.memory_space<vmem>>) semaphore(%arg13 : memref<!tpu.dma_semaphore, #tpu.memory_space<semaphore_mem>>)
        "tpu.region"() ({
          %run_scoped3A = tpu.sem_alloc : memref<!tpu.dma_semaphore, #tpu.memory_space<semaphore_mem>>
          %dma_start3A_60 = arith.constant 0 : i32
          %dma_start3A_61 = tpu.memref_slice %arg8[%add3A_32, %dma_start3A_60] : memref<40x128xi32, #tpu.memory_space<vmem>> -> memref<1x128xi32, #tpu.memory_space<vmem>>
          %dma_start3A_62 = tpu.memref_squeeze %dma_start3A_61 : memref<1x128xi32, #tpu.memory_space<vmem>> -> memref<128xi32, #tpu.memory_space<vmem>>
          %dma_start3A_63 = arith.constant 0 : i32
          %dma_start3A_64 = arith.constant 0 : i32
          %dma_start3A_65 = tpu.memref_slice %arg11[%dma_start3A_63, %dma_start3A_64] : memref<10240x128xf32, #tpu.memory_space<vmem_shared>> -> memref<10240x128xf32, #tpu.memory_space<vmem_shared>>
          tpu.enqueue_indirect_dma source(%arg9 : memref<128x128xf32, #tpu.memory_space<vmem>>) target(%dma_start3A_65 : memref<10240x128xf32, #tpu.memory_space<vmem_shared>>) offsets(%dma_start3A_62 : memref<128xi32, #tpu.memory_space<vmem>>) semaphore(%run_scoped3A : memref<!tpu.dma_semaphore, #tpu.memory_space<semaphore_mem>>) {add = true}
          %dma_wait3A_66 = arith.constant 0 : i32
          %dma_wait3A_67 = tpu.memref_slice %arg8[%add3A_32, %dma_wait3A_66] : memref<40x128xi32, #tpu.memory_space<vmem>> -> memref<1x128xi32, #tpu.memory_space<vmem>>
          %dma_wait3A_68 = tpu.memref_squeeze %dma_wait3A_67 : memref<1x128xi32, #tpu.memory_space<vmem>> -> memref<128xi32, #tpu.memory_space<vmem>>
          %dma_wait3A_69 = arith.constant 0 : i32
          %dma_wait3A_70 = arith.constant 0 : i32
          %dma_wait3A_71 = tpu.memref_slice %arg11[%dma_wait3A_69, %dma_wait3A_70] : memref<10240x128xf32, #tpu.memory_space<vmem_shared>> -> memref<10240x128xf32, #tpu.memory_space<vmem_shared>>
          tpu.wait_indirect_dma semaphore(%run_scoped3A : memref<!tpu.dma_semaphore, #tpu.memory_space<semaphore_mem>>) src(%arg9 : memref<128x128xf32, #tpu.memory_space<vmem>>) dst(%dma_wait3A_71 : memref<10240x128xf32, #tpu.memory_space<vmem_shared>>)
          tpu.yield
        }) : () -> ()
        %add3A_46 = arith.constant 1 : i32
        %add3A_47 = arith.addi %add3A_32, %add3A_46 : i32
        %dma_wait3A_48 = arith.constant 0 : i32
        %dma_wait3A_49 = tpu.memref_slice %arg7[%add3A_47, %dma_wait3A_48] : memref<40x128xi32, #tpu.memory_space<vmem>> -> memref<1x128xi32, #tpu.memory_space<vmem>>
        %dma_wait3A_50 = tpu.memref_squeeze %dma_wait3A_49 : memref<1x128xi32, #tpu.memory_space<vmem>> -> memref<128xi32, #tpu.memory_space<vmem>>
        %dma_wait3A_51 = arith.constant 0 : i32
        %dma_wait3A_52 = arith.constant 0 : i32
        %dma_wait3A_53 = tpu.memref_slice %arg2[%dma_wait3A_51, %dma_wait3A_52] : memref<10240x128xf32, #tpu.memory_space<hbm>> -> memref<10240x128xf32, #tpu.memory_space<hbm>>
        tpu.wait_indirect_dma semaphore(%arg13 : memref<!tpu.dma_semaphore, #tpu.memory_space<semaphore_mem>>) src(%dma_wait3A_53 : memref<10240x128xf32, #tpu.memory_space<hbm>>) dst(%arg10 : memref<128x128xf32, #tpu.memory_space<vmem>>)
        %add3A_54 = arith.constant 2 : i32
        %add3A_55 = arith.addi %add3A_32, %add3A_54 : i32
        %lt3A = arith.constant 40 : i32
        %lt3A_56 = arith.cmpi slt, %add3A_55, %lt3A : i32
        %convert_element_type3A = arith.extui %lt3A_56 : i1 to i32
        %cond3A = arith.constant 0 : i32
        %cond3A_57 = arith.cmpi ne, %convert_element_type3A, %cond3A : i32
        scf.if %cond3A_57 {
          %add3A_60 = arith.constant 2 : i32
          %add3A_61 = arith.addi %add3A_32, %add3A_60 : i32
          %dma_start3A_62 = arith.constant 0 : i32
          %dma_start3A_63 = tpu.memref_slice %arg7[%add3A_61, %dma_start3A_62] : memref<40x128xi32, #tpu.memory_space<vmem>> -> memref<1x128xi32, #tpu.memory_space<vmem>>
          %dma_start3A_64 = tpu.memref_squeeze %dma_start3A_63 : memref<1x128xi32, #tpu.memory_space<vmem>> -> memref<128xi32, #tpu.memory_space<vmem>>
          %dma_start3A_65 = arith.constant 0 : i32
          %dma_start3A_66 = arith.constant 0 : i32
          %dma_start3A_67 = tpu.memref_slice %arg2[%dma_start3A_65, %dma_start3A_66] : memref<10240x128xf32, #tpu.memory_space<hbm>> -> memref<10240x128xf32, #tpu.memory_space<hbm>>
          tpu.enqueue_indirect_dma source(%dma_start3A_67 : memref<10240x128xf32, #tpu.memory_space<hbm>>) target(%arg9 : memref<128x128xf32, #tpu.memory_space<vmem>>) offsets(%dma_start3A_64 : memref<128xi32, #tpu.memory_space<vmem>>) semaphore(%arg12 : memref<!tpu.dma_semaphore, #tpu.memory_space<semaphore_mem>>)
        } else {
        }
        %add3A_58 = arith.constant 1 : i32
        %add3A_59 = arith.addi %add3A_32, %add3A_58 : i32
        "tpu.region"() ({
          %run_scoped3A = tpu.sem_alloc : memref<!tpu.dma_semaphore, #tpu.memory_space<semaphore_mem>>
          %dma_start3A_60 = arith.constant 0 : i32
          %dma_start3A_61 = tpu.memref_slice %arg8[%add3A_59, %dma_start3A_60] : memref<40x128xi32, #tpu.memory_space<vmem>> -> memref<1x128xi32, #tpu.memory_space<vmem>>
          %dma_start3A_62 = tpu.memref_squeeze %dma_start3A_61 : memref<1x128xi32, #tpu.memory_space<vmem>> -> memref<128xi32, #tpu.memory_space<vmem>>
          %dma_start3A_63 = arith.constant 0 : i32
          %dma_start3A_64 = arith.constant 0 : i32
          %dma_start3A_65 = tpu.memref_slice %arg11[%dma_start3A_63, %dma_start3A_64] : memref<10240x128xf32, #tpu.memory_space<vmem_shared>> -> memref<10240x128xf32, #tpu.memory_space<vmem_shared>>
          tpu.enqueue_indirect_dma source(%arg10 : memref<128x128xf32, #tpu.memory_space<vmem>>) target(%dma_start3A_65 : memref<10240x128xf32, #tpu.memory_space<vmem_shared>>) offsets(%dma_start3A_62 : memref<128xi32, #tpu.memory_space<vmem>>) semaphore(%run_scoped3A : memref<!tpu.dma_semaphore, #tpu.memory_space<semaphore_mem>>) {add = true}
          %dma_wait3A_66 = arith.constant 0 : i32
          %dma_wait3A_67 = tpu.memref_slice %arg8[%add3A_59, %dma_wait3A_66] : memref<40x128xi32, #tpu.memory_space<vmem>> -> memref<1x128xi32, #tpu.memory_space<vmem>>
          %dma_wait3A_68 = tpu.memref_squeeze %dma_wait3A_67 : memref<1x128xi32, #tpu.memory_space<vmem>> -> memref<128xi32, #tpu.memory_space<vmem>>
          %dma_wait3A_69 = arith.constant 0 : i32
          %dma_wait3A_70 = arith.constant 0 : i32
          %dma_wait3A_71 = tpu.memref_slice %arg11[%dma_wait3A_69, %dma_wait3A_70] : memref<10240x128xf32, #tpu.memory_space<vmem_shared>> -> memref<10240x128xf32, #tpu.memory_space<vmem_shared>>
          tpu.wait_indirect_dma semaphore(%run_scoped3A : memref<!tpu.dma_semaphore, #tpu.memory_space<semaphore_mem>>) src(%arg10 : memref<128x128xf32, #tpu.memory_space<vmem>>) dst(%dma_wait3A_71 : memref<10240x128xf32, #tpu.memory_space<vmem_shared>>)
          tpu.yield
        }) : () -> ()
      }
      %scan3A_27 = arith.constant 20 : i32
    }
    %scan3A_6 = arith.constant 2 : i32
    %barrier3A_7 = arith.constant 0 : index
    tpu.barrier barrier_id(%barrier3A_7)
    "tpu.region"() ({
      %run_scoped3A = tpu.sem_alloc : memref<!tpu.dma_semaphore, #tpu.memory_space<semaphore_mem>>
      %dma_start3A = arith.constant 0 : i32
      %dma_start3A_8 = tpu.memref_slice %arg6[%arg0, %mul3A_2, %dma_start3A] : memref<2x10240x128xf32, #tpu.memory_space<hbm>> -> memref<1x640x128xf32, #tpu.memory_space<hbm>>
      %dma_start3A_9 = tpu.memref_squeeze %dma_start3A_8 : memref<1x640x128xf32, #tpu.memory_space<hbm>> -> memref<640x128xf32, #tpu.memory_space<hbm>>
      %dma_start3A_10 = arith.constant 0 : i32
      %dma_start3A_11 = tpu.memref_slice %arg11[%mul3A_2, %dma_start3A_10] : memref<10240x128xf32, #tpu.memory_space<vmem_shared>> -> memref<640x128xf32, #tpu.memory_space<vmem_shared>>
      tpu.enqueue_dma source(%dma_start3A_11 : memref<640x128xf32, #tpu.memory_space<vmem_shared>>) target(%dma_start3A_9 : memref<640x128xf32, #tpu.memory_space<hbm>>) target_semaphore(%run_scoped3A : memref<!tpu.dma_semaphore, #tpu.memory_space<semaphore_mem>>)
      %dma_wait3A = arith.constant 0 : i32
      %dma_wait3A_12 = tpu.memref_slice %arg6[%arg0, %mul3A_2, %dma_wait3A] : memref<2x10240x128xf32, #tpu.memory_space<hbm>> -> memref<1x640x128xf32, #tpu.memory_space<hbm>>
      %dma_wait3A_13 = tpu.memref_squeeze %dma_wait3A_12 : memref<1x640x128xf32, #tpu.memory_space<hbm>> -> memref<640x128xf32, #tpu.memory_space<hbm>>
      %dma_wait3A_14 = arith.constant 0 : i32
      %dma_wait3A_15 = tpu.memref_slice %arg11[%mul3A_2, %dma_wait3A_14] : memref<10240x128xf32, #tpu.memory_space<vmem_shared>> -> memref<640x128xf32, #tpu.memory_space<vmem_shared>>
      tpu.wait_dma2 semaphore(%run_scoped3A : memref<!tpu.dma_semaphore, #tpu.memory_space<semaphore_mem>>) src(%dma_wait3A_15 : memref<640x128xf32, #tpu.memory_space<vmem_shared>>) dst(%dma_wait3A_13 : memref<640x128xf32, #tpu.memory_space<hbm>>)
      tpu.yield
    }) : () -> ()
    return
  }
}

#map = affine_map<(d0, d1) -> (0, 0)>
#map1 = affine_map<(d0, d1) -> (0, 0, 0)>
module attributes {stable_mosaic.version = 14 : i64} {
  func.func @_msg_kernel(%arg0: i32, %arg1: i32, %arg2: memref<10240x128xf32, #tpu.memory_space<hbm>>, %arg3: memref<32x80x128xi32, #tpu.memory_space<hbm>>, %arg4: memref<32x80x128xi32, #tpu.memory_space<hbm>>, %arg5: memref<10240x128xf32, #tpu.memory_space<hbm>>, %arg6: memref<2x10240x128xf32, #tpu.memory_space<hbm>>, %arg7: memref<40x128xi32, #tpu.memory_space<vmem>>, %arg8: memref<40x128xi32, #tpu.memory_space<vmem>>, %arg9: memref<128x128xf32, #tpu.memory_space<vmem>>, %arg10: memref<128x128xf32, #tpu.memory_space<vmem>>, %arg11: memref<10240x128xf32, #tpu.memory_space<vmem_shared>>, %arg12: memref<!tpu.dma_semaphore, #tpu.memory_space<semaphore_mem>>, %arg13: memref<!tpu.dma_semaphore, #tpu.memory_space<semaphore_mem>>) attributes {dimension_semantics = [#tpu.dimension_semantics<core_parallel>, #tpu.dimension_semantics<subcore_parallel>], iteration_bounds = array<i64: 2, 16>, scalar_prefetch = 0 : i64, scratch_operands = 7 : i64, tpu.core_type = #tpu.core_type<sc_vector_subcore>, window_params = [{transform_indices = #map}, {transform_indices = #map1}, {transform_indices = #map1}, {transform_indices = #map}, {transform_indices = #map1}]} {
    %mul3A = arith.constant 2 : i32
    %mul3A_0 = arith.muli %arg1, %mul3A : i32
    %add3A = arith.addi %mul3A_0, %arg0 : i32
    %mul3A_1 = arith.constant 640 : i32
    %mul3A_2 = arith.muli %arg1, %mul3A_1 : i32
    "tpu.region"() ({
      %run_scoped3A = tpu.sem_alloc : memref<!tpu.dma_semaphore, #tpu.memory_space<semaphore_mem>>
      %dma_start3A = arith.constant 0 : i32
      %dma_start3A_8 = tpu.memref_slice %arg11[%mul3A_2, %dma_start3A] : memref<10240x128xf32, #tpu.memory_space<vmem_shared>> -> memref<640x128xf32, #tpu.memory_space<vmem_shared>>
      %dma_start3A_9 = arith.constant 0 : i32
      %dma_start3A_10 = tpu.memref_slice %arg5[%mul3A_2, %dma_start3A_9] : memref<10240x128xf32, #tpu.memory_space<hbm>> -> memref<640x128xf32, #tpu.memory_space<hbm>>
      tpu.enqueue_dma source(%dma_start3A_10 : memref<640x128xf32, #tpu.memory_space<hbm>>) target(%dma_start3A_8 : memref<640x128xf32, #tpu.memory_space<vmem_shared>>) target_semaphore(%run_scoped3A : memref<!tpu.dma_semaphore, #tpu.memory_space<semaphore_mem>>)
      %dma_wait3A = arith.constant 0 : i32
      %dma_wait3A_11 = tpu.memref_slice %arg11[%mul3A_2, %dma_wait3A] : memref<10240x128xf32, #tpu.memory_space<vmem_shared>> -> memref<640x128xf32, #tpu.memory_space<vmem_shared>>
      %dma_wait3A_12 = arith.constant 0 : i32
      %dma_wait3A_13 = tpu.memref_slice %arg5[%mul3A_2, %dma_wait3A_12] : memref<10240x128xf32, #tpu.memory_space<hbm>> -> memref<640x128xf32, #tpu.memory_space<hbm>>
      tpu.wait_dma2 semaphore(%run_scoped3A : memref<!tpu.dma_semaphore, #tpu.memory_space<semaphore_mem>>) src(%dma_wait3A_13 : memref<640x128xf32, #tpu.memory_space<hbm>>) dst(%dma_wait3A_11 : memref<640x128xf32, #tpu.memory_space<vmem_shared>>)
      tpu.yield
    }) : () -> ()
    %barrier3A = arith.constant 0 : index
    tpu.barrier barrier_id(%barrier3A)
    %scan3A = arith.constant 0 : i32
    %scan3A_3 = arith.constant 2 : i32
    %scan3A_4 = arith.addi %scan3A, %scan3A_3 : i32
    %scan3A_5 = arith.constant 1 : i32
    scf.for %scan3A_8 = %scan3A to %scan3A_4 step %scan3A_5  : i32 {
      %mul3A_9 = arith.constant 1 : i32
      %mul3A_10 = arith.muli %scan3A_8, %mul3A_9 : i32
      %add3A_11 = arith.constant 0 : i32
      %add3A_12 = arith.addi %add3A_11, %mul3A_10 : i32
      %mul3A_13 = arith.constant 40 : i32
      %mul3A_14 = arith.muli %add3A_12, %mul3A_13 : i32
      "tpu.region"() ({
        %run_scoped3A = tpu.sem_alloc : memref<!tpu.dma_semaphore, #tpu.memory_space<semaphore_mem>>
        %dma_start3A_28 = arith.constant 0 : i32
        %dma_start3A_29 = tpu.memref_slice %arg3[%add3A, %mul3A_14, %dma_start3A_28] : memref<32x80x128xi32, #tpu.memory_space<hbm>> -> memref<1x40x128xi32, #tpu.memory_space<hbm>>
        %dma_start3A_30 = tpu.memref_squeeze %dma_start3A_29 : memref<1x40x128xi32, #tpu.memory_space<hbm>> -> memref<40x128xi32, #tpu.memory_space<hbm>>
        %dma_start3A_31 = arith.constant 0 : i32
        %dma_start3A_32 = tpu.memref_slice %arg3[%add3A, %mul3A_14, %dma_start3A_31] : memref<32x80x128xi32, #tpu.memory_space<hbm>> -> memref<1x40x128xi32, #tpu.memory_space<hbm>>
        %dma_start3A_33 = tpu.memref_squeeze %dma_start3A_32 : memref<1x40x128xi32, #tpu.memory_space<hbm>> -> memref<40x128xi32, #tpu.memory_space<hbm>>
        tpu.enqueue_dma source(%dma_start3A_33 : memref<40x128xi32, #tpu.memory_space<hbm>>) target(%arg7 : memref<40x128xi32, #tpu.memory_space<vmem>>) target_semaphore(%run_scoped3A : memref<!tpu.dma_semaphore, #tpu.memory_space<semaphore_mem>>)
        %dma_wait3A = arith.constant 0 : i32
        %dma_wait3A_34 = tpu.memref_slice %arg3[%add3A, %mul3A_14, %dma_wait3A] : memref<32x80x128xi32, #tpu.memory_space<hbm>> -> memref<1x40x128xi32, #tpu.memory_space<hbm>>
        %dma_wait3A_35 = tpu.memref_squeeze %dma_wait3A_34 : memref<1x40x128xi32, #tpu.memory_space<hbm>> -> memref<40x128xi32, #tpu.memory_space<hbm>>
        %dma_wait3A_36 = arith.constant 0 : i32
        %dma_wait3A_37 = tpu.memref_slice %arg3[%add3A, %mul3A_14, %dma_wait3A_36] : memref<32x80x128xi32, #tpu.memory_space<hbm>> -> memref<1x40x128xi32, #tpu.memory_space<hbm>>
        %dma_wait3A_38 = tpu.memref_squeeze %dma_wait3A_37 : memref<1x40x128xi32, #tpu.memory_space<hbm>> -> memref<40x128xi32, #tpu.memory_space<hbm>>
        tpu.wait_dma2 semaphore(%run_scoped3A : memref<!tpu.dma_semaphore, #tpu.memory_space<semaphore_mem>>) src(%dma_wait3A_38 : memref<40x128xi32, #tpu.memory_space<hbm>>) dst(%arg7 : memref<40x128xi32, #tpu.memory_space<vmem>>)
        tpu.yield
      }) : () -> ()
      %mul3A_15 = arith.constant 40 : i32
      %mul3A_16 = arith.muli %add3A_12, %mul3A_15 : i32
      "tpu.region"() ({
        %run_scoped3A = tpu.sem_alloc : memref<!tpu.dma_semaphore, #tpu.memory_space<semaphore_mem>>
        %dma_start3A_28 = arith.constant 0 : i32
        %dma_start3A_29 = tpu.memref_slice %arg4[%add3A, %mul3A_16, %dma_start3A_28] : memref<32x80x128xi32, #tpu.memory_space<hbm>> -> memref<1x40x128xi32, #tpu.memory_space<hbm>>
        %dma_start3A_30 = tpu.memref_squeeze %dma_start3A_29 : memref<1x40x128xi32, #tpu.memory_space<hbm>> -> memref<40x128xi32, #tpu.memory_space<hbm>>
        %dma_start3A_31 = arith.constant 0 : i32
        %dma_start3A_32 = tpu.memref_slice %arg4[%add3A, %mul3A_16, %dma_start3A_31] : memref<32x80x128xi32, #tpu.memory_space<hbm>> -> memref<1x40x128xi32, #tpu.memory_space<hbm>>
        %dma_start3A_33 = tpu.memref_squeeze %dma_start3A_32 : memref<1x40x128xi32, #tpu.memory_space<hbm>> -> memref<40x128xi32, #tpu.memory_space<hbm>>
        tpu.enqueue_dma source(%dma_start3A_33 : memref<40x128xi32, #tpu.memory_space<hbm>>) target(%arg8 : memref<40x128xi32, #tpu.memory_space<vmem>>) target_semaphore(%run_scoped3A : memref<!tpu.dma_semaphore, #tpu.memory_space<semaphore_mem>>)
        %dma_wait3A = arith.constant 0 : i32
        %dma_wait3A_34 = tpu.memref_slice %arg4[%add3A, %mul3A_16, %dma_wait3A] : memref<32x80x128xi32, #tpu.memory_space<hbm>> -> memref<1x40x128xi32, #tpu.memory_space<hbm>>
        %dma_wait3A_35 = tpu.memref_squeeze %dma_wait3A_34 : memref<1x40x128xi32, #tpu.memory_space<hbm>> -> memref<40x128xi32, #tpu.memory_space<hbm>>
        %dma_wait3A_36 = arith.constant 0 : i32
        %dma_wait3A_37 = tpu.memref_slice %arg4[%add3A, %mul3A_16, %dma_wait3A_36] : memref<32x80x128xi32, #tpu.memory_space<hbm>> -> memref<1x40x128xi32, #tpu.memory_space<hbm>>
        %dma_wait3A_38 = tpu.memref_squeeze %dma_wait3A_37 : memref<1x40x128xi32, #tpu.memory_space<hbm>> -> memref<40x128xi32, #tpu.memory_space<hbm>>
        tpu.wait_dma2 semaphore(%run_scoped3A : memref<!tpu.dma_semaphore, #tpu.memory_space<semaphore_mem>>) src(%dma_wait3A_38 : memref<40x128xi32, #tpu.memory_space<hbm>>) dst(%arg8 : memref<40x128xi32, #tpu.memory_space<vmem>>)
        tpu.yield
      }) : () -> ()
      %dma_start3A = arith.constant 0 : i32
      %dma_start3A_17 = arith.constant 0 : i32
      %dma_start3A_18 = tpu.memref_slice %arg7[%dma_start3A, %dma_start3A_17] : memref<40x128xi32, #tpu.memory_space<vmem>> -> memref<1x128xi32, #tpu.memory_space<vmem>>
      %dma_start3A_19 = tpu.memref_squeeze %dma_start3A_18 : memref<1x128xi32, #tpu.memory_space<vmem>> -> memref<128xi32, #tpu.memory_space<vmem>>
      %dma_start3A_20 = arith.constant 0 : i32
      %dma_start3A_21 = arith.constant 0 : i32
      %dma_start3A_22 = tpu.memref_slice %arg2[%dma_start3A_20, %dma_start3A_21] : memref<10240x128xf32, #tpu.memory_space<hbm>> -> memref<10240x128xf32, #tpu.memory_space<hbm>>
      tpu.enqueue_indirect_dma source(%dma_start3A_22 : memref<10240x128xf32, #tpu.memory_space<hbm>>) target(%arg9 : memref<128x128xf32, #tpu.memory_space<vmem>>) offsets(%dma_start3A_19 : memref<128xi32, #tpu.memory_space<vmem>>) semaphore(%arg12 : memref<!tpu.dma_semaphore, #tpu.memory_space<semaphore_mem>>)
      %scan3A_23 = arith.constant 0 : i32
      %scan3A_24 = arith.constant 20 : i32
      %scan3A_25 = arith.addi %scan3A_23, %scan3A_24 : i32
      %scan3A_26 = arith.constant 1 : i32
      scf.for %scan3A_28 = %scan3A_23 to %scan3A_25 step %scan3A_26  : i32 {
        %mul3A_29 = arith.constant 2 : i32
        %mul3A_30 = arith.muli %scan3A_28, %mul3A_29 : i32
        %add3A_31 = arith.constant 0 : i32
        %add3A_32 = arith.addi %add3A_31, %mul3A_30 : i32
        %dma_wait3A = arith.constant 0 : i32
        %dma_wait3A_33 = tpu.memref_slice %arg7[%add3A_32, %dma_wait3A] : memref<40x128xi32, #tpu.memory_space<vmem>> -> memref<1x128xi32, #tpu.memory_space<vmem>>
        %dma_wait3A_34 = tpu.memref_squeeze %dma_wait3A_33 : memref<1x128xi32, #tpu.memory_space<vmem>> -> memref<128xi32, #tpu.memory_space<vmem>>
        %dma_wait3A_35 = arith.constant 0 : i32
        %dma_wait3A_36 = arith.constant 0 : i32
        %dma_wait3A_37 = tpu.memref_slice %arg2[%dma_wait3A_35, %dma_wait3A_36] : memref<10240x128xf32, #tpu.memory_space<hbm>> -> memref<10240x128xf32, #tpu.memory_space<hbm>>
        tpu.wait_indirect_dma semaphore(%arg12 : memref<!tpu.dma_semaphore, #tpu.memory_space<semaphore_mem>>) src(%dma_wait3A_37 : memref<10240x128xf32, #tpu.memory_space<hbm>>) dst(%arg9 : memref<128x128xf32, #tpu.memory_space<vmem>>)
        %add3A_38 = arith.constant 1 : i32
        %add3A_39 = arith.addi %add3A_32, %add3A_38 : i32
        %dma_start3A_40 = arith.constant 0 : i32
        %dma_start3A_41 = tpu.memref_slice %arg7[%add3A_39, %dma_start3A_40] : memref<40x128xi32, #tpu.memory_space<vmem>> -> memref<1x128xi32, #tpu.memory_space<vmem>>
        %dma_start3A_42 = tpu.memref_squeeze %dma_start3A_41 : memref<1x128xi32, #tpu.memory_space<vmem>> -> memref<128xi32, #tpu.memory_space<vmem>>
        %dma_start3A_43 = arith.constant 0 : i32
        %dma_start3A_44 = arith.constant 0 : i32
        %dma_start3A_45 = tpu.memref_slice %arg2[%dma_start3A_43, %dma_start3A_44] : memref<10240x128xf32, #tpu.memory_space<hbm>> -> memref<10240x128xf32, #tpu.memory_space<hbm>>
        tpu.enqueue_indirect_dma source(%dma_start3A_45 : memref<10240x128xf32, #tpu.memory_space<hbm>>) target(%arg10 : memref<128x128xf32, #tpu.memory_space<vmem>>) offsets(%dma_start3A_42 : memref<128xi32, #tpu.memory_space<vmem>>) semaphore(%arg13 : memref<!tpu.dma_semaphore, #tpu.memory_space<semaphore_mem>>)
        "tpu.region"() ({
          %run_scoped3A = tpu.sem_alloc : memref<!tpu.dma_semaphore, #tpu.memory_space<semaphore_mem>>
          %dma_start3A_60 = arith.constant 0 : i32
          %dma_start3A_61 = tpu.memref_slice %arg8[%add3A_32, %dma_start3A_60] : memref<40x128xi32, #tpu.memory_space<vmem>> -> memref<1x128xi32, #tpu.memory_space<vmem>>
          %dma_start3A_62 = tpu.memref_squeeze %dma_start3A_61 : memref<1x128xi32, #tpu.memory_space<vmem>> -> memref<128xi32, #tpu.memory_space<vmem>>
          %dma_start3A_63 = arith.constant 0 : i32
          %dma_start3A_64 = arith.constant 0 : i32
          %dma_start3A_65 = tpu.memref_slice %arg11[%dma_start3A_63, %dma_start3A_64] : memref<10240x128xf32, #tpu.memory_space<vmem_shared>> -> memref<10240x128xf32, #tpu.memory_space<vmem_shared>>
          tpu.enqueue_indirect_dma source(%arg9 : memref<128x128xf32, #tpu.memory_space<vmem>>) target(%dma_start3A_65 : memref<10240x128xf32, #tpu.memory_space<vmem_shared>>) offsets(%dma_start3A_62 : memref<128xi32, #tpu.memory_space<vmem>>) semaphore(%run_scoped3A : memref<!tpu.dma_semaphore, #tpu.memory_space<semaphore_mem>>) {add = true}
          %dma_wait3A_66 = arith.constant 0 : i32
          %dma_wait3A_67 = tpu.memref_slice %arg8[%add3A_32, %dma_wait3A_66] : memref<40x128xi32, #tpu.memory_space<vmem>> -> memref<1x128xi32, #tpu.memory_space<vmem>>
          %dma_wait3A_68 = tpu.memref_squeeze %dma_wait3A_67 : memref<1x128xi32, #tpu.memory_space<vmem>> -> memref<128xi32, #tpu.memory_space<vmem>>
          %dma_wait3A_69 = arith.constant 0 : i32
          %dma_wait3A_70 = arith.constant 0 : i32
          %dma_wait3A_71 = tpu.memref_slice %arg11[%dma_wait3A_69, %dma_wait3A_70] : memref<10240x128xf32, #tpu.memory_space<vmem_shared>> -> memref<10240x128xf32, #tpu.memory_space<vmem_shared>>
          tpu.wait_indirect_dma semaphore(%run_scoped3A : memref<!tpu.dma_semaphore, #tpu.memory_space<semaphore_mem>>) src(%arg9 : memref<128x128xf32, #tpu.memory_space<vmem>>) dst(%dma_wait3A_71 : memref<10240x128xf32, #tpu.memory_space<vmem_shared>>)
          tpu.yield
        }) : () -> ()
        %add3A_46 = arith.constant 1 : i32
        %add3A_47 = arith.addi %add3A_32, %add3A_46 : i32
        %dma_wait3A_48 = arith.constant 0 : i32
        %dma_wait3A_49 = tpu.memref_slice %arg7[%add3A_47, %dma_wait3A_48] : memref<40x128xi32, #tpu.memory_space<vmem>> -> memref<1x128xi32, #tpu.memory_space<vmem>>
        %dma_wait3A_50 = tpu.memref_squeeze %dma_wait3A_49 : memref<1x128xi32, #tpu.memory_space<vmem>> -> memref<128xi32, #tpu.memory_space<vmem>>
        %dma_wait3A_51 = arith.constant 0 : i32
        %dma_wait3A_52 = arith.constant 0 : i32
        %dma_wait3A_53 = tpu.memref_slice %arg2[%dma_wait3A_51, %dma_wait3A_52] : memref<10240x128xf32, #tpu.memory_space<hbm>> -> memref<10240x128xf32, #tpu.memory_space<hbm>>
        tpu.wait_indirect_dma semaphore(%arg13 : memref<!tpu.dma_semaphore, #tpu.memory_space<semaphore_mem>>) src(%dma_wait3A_53 : memref<10240x128xf32, #tpu.memory_space<hbm>>) dst(%arg10 : memref<128x128xf32, #tpu.memory_space<vmem>>)
        %add3A_54 = arith.constant 2 : i32
        %add3A_55 = arith.addi %add3A_32, %add3A_54 : i32
        %lt3A = arith.constant 40 : i32
        %lt3A_56 = arith.cmpi slt, %add3A_55, %lt3A : i32
        %convert_element_type3A = arith.extui %lt3A_56 : i1 to i32
        %cond3A = arith.constant 0 : i32
        %cond3A_57 = arith.cmpi ne, %convert_element_type3A, %cond3A : i32
        scf.if %cond3A_57 {
          %add3A_60 = arith.constant 2 : i32
          %add3A_61 = arith.addi %add3A_32, %add3A_60 : i32
          %dma_start3A_62 = arith.constant 0 : i32
          %dma_start3A_63 = tpu.memref_slice %arg7[%add3A_61, %dma_start3A_62] : memref<40x128xi32, #tpu.memory_space<vmem>> -> memref<1x128xi32, #tpu.memory_space<vmem>>
          %dma_start3A_64 = tpu.memref_squeeze %dma_start3A_63 : memref<1x128xi32, #tpu.memory_space<vmem>> -> memref<128xi32, #tpu.memory_space<vmem>>
          %dma_start3A_65 = arith.constant 0 : i32
          %dma_start3A_66 = arith.constant 0 : i32
          %dma_start3A_67 = tpu.memref_slice %arg2[%dma_start3A_65, %dma_start3A_66] : memref<10240x128xf32, #tpu.memory_space<hbm>> -> memref<10240x128xf32, #tpu.memory_space<hbm>>
          tpu.enqueue_indirect_dma source(%dma_start3A_67 : memref<10240x128xf32, #tpu.memory_space<hbm>>) target(%arg9 : memref<128x128xf32, #tpu.memory_space<vmem>>) offsets(%dma_start3A_64 : memref<128xi32, #tpu.memory_space<vmem>>) semaphore(%arg12 : memref<!tpu.dma_semaphore, #tpu.memory_space<semaphore_mem>>)
        } else {
        }
        %add3A_58 = arith.constant 1 : i32
        %add3A_59 = arith.addi %add3A_32, %add3A_58 : i32
        "tpu.region"() ({
          %run_scoped3A = tpu.sem_alloc : memref<!tpu.dma_semaphore, #tpu.memory_space<semaphore_mem>>
          %dma_start3A_60 = arith.constant 0 : i32
          %dma_start3A_61 = tpu.memref_slice %arg8[%add3A_59, %dma_start3A_60] : memref<40x128xi32, #tpu.memory_space<vmem>> -> memref<1x128xi32, #tpu.memory_space<vmem>>
          %dma_start3A_62 = tpu.memref_squeeze %dma_start3A_61 : memref<1x128xi32, #tpu.memory_space<vmem>> -> memref<128xi32, #tpu.memory_space<vmem>>
          %dma_start3A_63 = arith.constant 0 : i32
          %dma_start3A_64 = arith.constant 0 : i32
          %dma_start3A_65 = tpu.memref_slice %arg11[%dma_start3A_63, %dma_start3A_64] : memref<10240x128xf32, #tpu.memory_space<vmem_shared>> -> memref<10240x128xf32, #tpu.memory_space<vmem_shared>>
          tpu.enqueue_indirect_dma source(%arg10 : memref<128x128xf32, #tpu.memory_space<vmem>>) target(%dma_start3A_65 : memref<10240x128xf32, #tpu.memory_space<vmem_shared>>) offsets(%dma_start3A_62 : memref<128xi32, #tpu.memory_space<vmem>>) semaphore(%run_scoped3A : memref<!tpu.dma_semaphore, #tpu.memory_space<semaphore_mem>>) {add = true}
          %dma_wait3A_66 = arith.constant 0 : i32
          %dma_wait3A_67 = tpu.memref_slice %arg8[%add3A_59, %dma_wait3A_66] : memref<40x128xi32, #tpu.memory_space<vmem>> -> memref<1x128xi32, #tpu.memory_space<vmem>>
          %dma_wait3A_68 = tpu.memref_squeeze %dma_wait3A_67 : memref<1x128xi32, #tpu.memory_space<vmem>> -> memref<128xi32, #tpu.memory_space<vmem>>
          %dma_wait3A_69 = arith.constant 0 : i32
          %dma_wait3A_70 = arith.constant 0 : i32
          %dma_wait3A_71 = tpu.memref_slice %arg11[%dma_wait3A_69, %dma_wait3A_70] : memref<10240x128xf32, #tpu.memory_space<vmem_shared>> -> memref<10240x128xf32, #tpu.memory_space<vmem_shared>>
          tpu.wait_indirect_dma semaphore(%run_scoped3A : memref<!tpu.dma_semaphore, #tpu.memory_space<semaphore_mem>>) src(%arg10 : memref<128x128xf32, #tpu.memory_space<vmem>>) dst(%dma_wait3A_71 : memref<10240x128xf32, #tpu.memory_space<vmem_shared>>)
          tpu.yield
        }) : () -> ()
      }
      %scan3A_27 = arith.constant 20 : i32
    }
    %scan3A_6 = arith.constant 2 : i32
    %barrier3A_7 = arith.constant 0 : index
    tpu.barrier barrier_id(%barrier3A_7)
    "tpu.region"() ({
      %run_scoped3A = tpu.sem_alloc : memref<!tpu.dma_semaphore, #tpu.memory_space<semaphore_mem>>
      %dma_start3A = arith.constant 0 : i32
      %dma_start3A_8 = tpu.memref_slice %arg6[%arg0, %mul3A_2, %dma_start3A] : memref<2x10240x128xf32, #tpu.memory_space<hbm>> -> memref<1x640x128xf32, #tpu.memory_space<hbm>>
      %dma_start3A_9 = tpu.memref_squeeze %dma_start3A_8 : memref<1x640x128xf32, #tpu.memory_space<hbm>> -> memref<640x128xf32, #tpu.memory_space<hbm>>
      %dma_start3A_10 = arith.constant 0 : i32
      %dma_start3A_11 = tpu.memref_slice %arg11[%mul3A_2, %dma_start3A_10] : memref<10240x128xf32, #tpu.memory_space<vmem_shared>> -> memref<640x128xf32, #tpu.memory_space<vmem_shared>>
      tpu.enqueue_dma source(%dma_start3A_11 : memref<640x128xf32, #tpu.memory_space<vmem_shared>>) target(%dma_start3A_9 : memref<640x128xf32, #tpu.memory_space<hbm>>) target_semaphore(%run_scoped3A : memref<!tpu.dma_semaphore, #tpu.memory_space<semaphore_mem>>)
      %dma_wait3A = arith.constant 0 : i32
      %dma_wait3A_12 = tpu.memref_slice %arg6[%arg0, %mul3A_2, %dma_wait3A] : memref<2x10240x128xf32, #tpu.memory_space<hbm>> -> memref<1x640x128xf32, #tpu.memory_space<hbm>>
      %dma_wait3A_13 = tpu.memref_squeeze %dma_wait3A_12 : memref<1x640x128xf32, #tpu.memory_space<hbm>> -> memref<640x128xf32, #tpu.memory_space<hbm>>
      %dma_wait3A_14 = arith.constant 0 : i32
      %dma_wait3A_15 = tpu.memref_slice %arg11[%mul3A_2, %dma_wait3A_14] : memref<10240x128xf32, #tpu.memory_space<vmem_shared>> -> memref<640x128xf32, #tpu.memory_space<vmem_shared>>
      tpu.wait_dma2 semaphore(%run_scoped3A : memref<!tpu.dma_semaphore, #tpu.memory_space<semaphore_mem>>) src(%dma_wait3A_15 : memref<640x128xf32, #tpu.memory_space<vmem_shared>>) dst(%dma_wait3A_13 : memref<640x128xf32, #tpu.memory_space<hbm>>)
      tpu.yield
    }) : () -> ()
    return
  }
}

module attributes {stable_mosaic.version = 14 : i64} {
  func.func @_embw_body(%arg0: memref<3000x192xf32, #tpu.memory_space<vmem>>, %arg1: memref<192x128xf32, #tpu.memory_space<vmem>>, %arg2: memref<3000x128xf32, #tpu.memory_space<vmem>>) attributes {dimension_semantics = [], scalar_prefetch = 0 : i64, scratch_operands = 0 : i64, tpu.core_type = #tpu.core_type<tc>} {
    %get3A = arith.constant 0 : index
    %get3A_0 = arith.constant 0 : index
    %get3A_1 = vector.load %arg0[%get3A, %get3A_0] : memref<3000x192xf32, #tpu.memory_space<vmem>>, vector<3000x192xf32>
    %get3A_2 = arith.constant 0 : index
    %get3A_3 = arith.constant 0 : index
    %get3A_4 = vector.load %arg1[%get3A_2, %get3A_3] : memref<192x128xf32, #tpu.memory_space<vmem>>, vector<192x128xf32>
    %dot_general3A = arith.constant dense<0.000000e+00> : vector<3000x128xf32>
    %dot_general3A_5 = tpu.matmul %get3A_1, %get3A_4, %dot_general3A {dimension_numbers = #tpu.dot_dimension_numbers<[1], [0], [0], [1], [0, 0, 1, 1], [], []>, transpose_lhs_hint = false} : vector<3000x192xf32>, vector<192x128xf32>, vector<3000x128xf32> -> vector<3000x128xf32>
    %swap3A = arith.constant 0 : index
    %swap3A_6 = arith.constant 0 : index
    %swap3A_7 = vector.load %arg2[%swap3A, %swap3A_6] : memref<3000x128xf32, #tpu.memory_space<vmem>>, vector<3000x128xf32>
    tpu.vector_store %arg2[%swap3A, %swap3A_6], %dot_general3A_5 {strides = array<i32>} : memref<3000x128xf32, #tpu.memory_space<vmem>>, vector<3000x128xf32>,
    return
  }
}

module attributes {stable_mosaic.version = 14 : i64} {
  func.func @_dinv_body(%arg0: memref<2x80x128xf32, #tpu.memory_space<vmem>>, %arg1: memref<80x128xf32, #tpu.memory_space<vmem>>) attributes {dimension_semantics = [], scalar_prefetch = 0 : i64, scratch_operands = 0 : i64, tpu.core_type = #tpu.core_type<tc>} {
    %get3A = arith.constant 0 : index
    %get3A_0 = arith.constant 0 : index
    %get3A_1 = arith.constant 0 : index
    %get3A_2 = vector.load %arg0[%get3A, %get3A_0, %get3A_1] : memref<2x80x128xf32, #tpu.memory_space<vmem>>, vector<1x80x128xf32>
    %get3A_3 = vector.shape_cast %get3A_2 : vector<1x80x128xf32> to vector<80x128xf32>
    %get3A_4 = arith.constant 1 : index
    %get3A_5 = arith.constant 0 : index
    %get3A_6 = arith.constant 0 : index
    %get3A_7 = vector.load %arg0[%get3A_4, %get3A_5, %get3A_6] : memref<2x80x128xf32, #tpu.memory_space<vmem>>, vector<1x80x128xf32>
    %get3A_8 = vector.shape_cast %get3A_7 : vector<1x80x128xf32> to vector<80x128xf32>
    %add3A = arith.addf %get3A_3, %get3A_8 : vector<80x128xf32>
    %add3A_9 = arith.constant 1.000000e+00 : f32
    %add3A_10 = vector.broadcast %add3A_9 : f32 to vector<80x128xf32>
    %add3A_11 = arith.addf %add3A, %add3A_10 : vector<80x128xf32>
    %rsqrt3A = math.rsqrt %add3A_11 : vector<80x128xf32>
    %swap3A = arith.constant 0 : index
    %swap3A_12 = arith.constant 0 : index
    %swap3A_13 = vector.load %arg1[%swap3A, %swap3A_12] : memref<80x128xf32, #tpu.memory_space<vmem>>, vector<80x128xf32>
    tpu.vector_store %arg1[%swap3A, %swap3A_12], %rsqrt3A {strides = array<i32>} : memref<80x128xf32, #tpu.memory_space<vmem>>, vector<80x128xf32>,
    return
  }
}

module attributes {stable_mosaic.version = 14 : i64} {
  func.func @_layer0_body(%arg0: i32, %arg1: memref<512x128xf32, #tpu.memory_space<vmem>>, %arg2: memref<512x128xf32, #tpu.memory_space<vmem>>, %arg3: memref<512x1xf32, #tpu.memory_space<vmem>>, %arg4: memref<128x128xf32, #tpu.memory_space<vmem>>, %arg5: memref<512x128xf32, #tpu.memory_space<vmem>>) attributes {dimension_semantics = [#tpu.dimension_semantics<arbitrary>], iteration_bounds = array<i64: 20>, scalar_prefetch = 0 : i64, scratch_operands = 0 : i64, tpu.core_type = #tpu.core_type<tc>, window_params = [{transform_indices = @transform_0, window_bounds = array<i64: 512, 128>}, {transform_indices = @transform_1, window_bounds = array<i64: 512, 128>}, {transform_indices = @transform_2, window_bounds = array<i64: 512, 1>}, {pipeline_mode = #tpu.pipeline_mode<synchronous>, transform_indices = @transform_3, window_bounds = array<i64: 128, 128>}, {transform_indices = @transform_4, window_bounds = array<i64: 512, 128>}]} {
    %get3A = arith.constant 0 : index
    %get3A_0 = arith.constant 0 : index
    %get3A_1 = vector.load %arg3[%get3A, %get3A_0] : memref<512x1xf32, #tpu.memory_space<vmem>>, vector<512x1xf32>
    %get3A_2 = arith.constant 0 : index
    %get3A_3 = arith.constant 0 : index
    %get3A_4 = vector.load %arg1[%get3A_2, %get3A_3] : memref<512x128xf32, #tpu.memory_space<vmem>>, vector<512x128xf32>
    %get3A_5 = arith.constant 0 : index
    %get3A_6 = arith.constant 0 : index
    %get3A_7 = vector.load %arg4[%get3A_5, %get3A_6] : memref<128x128xf32, #tpu.memory_space<vmem>>, vector<128x128xf32>
    %dot_general3A = arith.constant dense<0.000000e+00> : vector<512x128xf32>
    %dot_general3A_8 = tpu.matmul %get3A_4, %get3A_7, %dot_general3A {dimension_numbers = #tpu.dot_dimension_numbers<[1], [0], [0], [1], [0, 0, 1, 1], [], []>, transpose_lhs_hint = false} : vector<512x128xf32>, vector<128x128xf32>, vector<512x128xf32> -> vector<512x128xf32>
    %get3A_9 = arith.constant 0 : index
    %get3A_10 = arith.constant 0 : index
    %get3A_11 = vector.load %arg2[%get3A_9, %get3A_10] : memref<512x128xf32, #tpu.memory_space<vmem>>, vector<512x128xf32>
    %add3A = arith.addf %dot_general3A_8, %get3A_11 : vector<512x128xf32>
    %mul3A = vector.broadcast %get3A_1 : vector<512x1xf32> to vector<512x128xf32>
    %mul3A_12 = arith.mulf %add3A, %mul3A : vector<512x128xf32>
    %swap3A = arith.constant 0 : index
    %swap3A_13 = arith.constant 0 : index
    %swap3A_14 = vector.load %arg5[%swap3A, %swap3A_13] : memref<512x128xf32, #tpu.memory_space<vmem>>, vector<512x128xf32>
    tpu.vector_store %arg5[%swap3A, %swap3A_13], %mul3A_12 {strides = array<i32>} : memref<512x128xf32, #tpu.memory_space<vmem>>, vector<512x128xf32>,
    return
  }
  func.func @transform_0(%arg0: i32) -> (i32, i32) {
    %c0_i32 = arith.constant 0 : i32
    %c0_i32_0 = arith.constant 0 : i32
    return %arg0, %c0_i32 : i32, i32
  }
  func.func @transform_1(%arg0: i32) -> (i32, i32) {
    %c0_i32 = arith.constant 0 : i32
    %c0_i32_0 = arith.constant 0 : i32
    return %arg0, %c0_i32 : i32, i32
  }
  func.func @transform_2(%arg0: i32) -> (i32, i32) {
    %c0_i32 = arith.constant 0 : i32
    %c0_i32_0 = arith.constant 0 : i32
    return %arg0, %c0_i32 : i32, i32
  }
  func.func @transform_3(%arg0: i32) -> (i32, i32) {
    %c0_i32 = arith.constant 0 : i32
    %c0_i32_0 = arith.constant 0 : i32
    %c0_i32_1 = arith.constant 0 : i32
    return %c0_i32, %c0_i32_0 : i32, i32
  }
  func.func @transform_4(%arg0: i32) -> (i32, i32) {
    %c0_i32 = arith.constant 0 : i32
    %c0_i32_0 = arith.constant 0 : i32
    return %arg0, %c0_i32 : i32, i32
  }
}

module attributes {stable_mosaic.version = 14 : i64} {
  func.func @_layer_body(%arg0: i32, %arg1: memref<2x512x128xf32, #tpu.memory_space<vmem>>, %arg2: memref<512x128xf32, #tpu.memory_space<vmem>>, %arg3: memref<512x1xf32, #tpu.memory_space<vmem>>, %arg4: memref<1x128xf32, #tpu.memory_space<vmem>>, %arg5: memref<128x128xf32, #tpu.memory_space<vmem>>, %arg6: memref<512x128xf32, #tpu.memory_space<vmem>>) attributes {dimension_semantics = [#tpu.dimension_semantics<arbitrary>], iteration_bounds = array<i64: 20>, scalar_prefetch = 0 : i64, scratch_operands = 0 : i64, tpu.core_type = #tpu.core_type<tc>, window_params = [{transform_indices = @transform_0, window_bounds = array<i64: 2, 512, 128>}, {transform_indices = @transform_1, window_bounds = array<i64: 512, 128>}, {transform_indices = @transform_2, window_bounds = array<i64: 512, 1>}, {pipeline_mode = #tpu.pipeline_mode<synchronous>, transform_indices = @transform_3, window_bounds = array<i64: 1, 128>}, {pipeline_mode = #tpu.pipeline_mode<synchronous>, transform_indices = @transform_4, window_bounds = array<i64: 128, 128>}, {transform_indices = @transform_5, window_bounds = array<i64: 512, 128>}]} {
    %get3A = arith.constant 0 : index
    %get3A_0 = arith.constant 0 : index
    %get3A_1 = vector.load %arg3[%get3A, %get3A_0] : memref<512x1xf32, #tpu.memory_space<vmem>>, vector<512x1xf32>
    %get3A_2 = arith.constant 0 : index
    %get3A_3 = arith.constant 0 : index
    %get3A_4 = arith.constant 0 : index
    %get3A_5 = vector.load %arg1[%get3A_2, %get3A_3, %get3A_4] : memref<2x512x128xf32, #tpu.memory_space<vmem>>, vector<1x512x128xf32>
    %get3A_6 = vector.shape_cast %get3A_5 : vector<1x512x128xf32> to vector<512x128xf32>
    %get3A_7 = arith.constant 1 : index
    %get3A_8 = arith.constant 0 : index
    %get3A_9 = arith.constant 0 : index
    %get3A_10 = vector.load %arg1[%get3A_7, %get3A_8, %get3A_9] : memref<2x512x128xf32, #tpu.memory_space<vmem>>, vector<1x512x128xf32>
    %get3A_11 = vector.shape_cast %get3A_10 : vector<1x512x128xf32> to vector<512x128xf32>
    %add3A = arith.addf %get3A_6, %get3A_11 : vector<512x128xf32>
    %get3A_12 = arith.constant 0 : index
    %get3A_13 = arith.constant 0 : index
    %get3A_14 = vector.load %arg2[%get3A_12, %get3A_13] : memref<512x128xf32, #tpu.memory_space<vmem>>, vector<512x128xf32>
    %add3A_15 = arith.addf %add3A, %get3A_14 : vector<512x128xf32>
    %mul3A = vector.broadcast %get3A_1 : vector<512x1xf32> to vector<512x128xf32>
    %mul3A_16 = arith.mulf %add3A_15, %mul3A : vector<512x128xf32>
    %get3A_17 = arith.constant 0 : index
    %get3A_18 = arith.constant 0 : index
    %get3A_19 = vector.load %arg4[%get3A_17, %get3A_18] : memref<1x128xf32, #tpu.memory_space<vmem>>, vector<1x128xf32>
    %add3A_20 = vector.broadcast %get3A_19 : vector<1x128xf32> to vector<512x128xf32>
    %add3A_21 = arith.addf %mul3A_16, %add3A_20 : vector<512x128xf32>
    %max3A = arith.constant 0.000000e+00 : f32
    %max3A_22 = vector.broadcast %max3A : f32 to vector<512x128xf32>
    %max3A_23 = arith.maximumf %add3A_21, %max3A_22 : vector<512x128xf32>
    %get3A_24 = arith.constant 0 : index
    %get3A_25 = arith.constant 0 : index
    %get3A_26 = vector.load %arg5[%get3A_24, %get3A_25] : memref<128x128xf32, #tpu.memory_space<vmem>>, vector<128x128xf32>
    %dot_general3A = arith.constant dense<0.000000e+00> : vector<512x128xf32>
    %dot_general3A_27 = tpu.matmul %max3A_23, %get3A_26, %dot_general3A {dimension_numbers = #tpu.dot_dimension_numbers<[1], [0], [0], [1], [0, 0, 1, 1], [], []>, transpose_lhs_hint = false} : vector<512x128xf32>, vector<128x128xf32>, vector<512x128xf32> -> vector<512x128xf32>
    %mul3A_28 = vector.broadcast %get3A_1 : vector<512x1xf32> to vector<512x128xf32>
    %mul3A_29 = arith.mulf %dot_general3A_27, %mul3A_28 : vector<512x128xf32>
    %swap3A = arith.constant 0 : index
    %swap3A_30 = arith.constant 0 : index
    %swap3A_31 = vector.load %arg6[%swap3A, %swap3A_30] : memref<512x128xf32, #tpu.memory_space<vmem>>, vector<512x128xf32>
    tpu.vector_store %arg6[%swap3A, %swap3A_30], %mul3A_29 {strides = array<i32>} : memref<512x128xf32, #tpu.memory_space<vmem>>, vector<512x128xf32>,
    return
  }
  func.func @transform_0(%arg0: i32) -> (i32, i32, i32) {
    %c0_i32 = arith.constant 0 : i32
    %c0_i32_0 = arith.constant 0 : i32
    %c0_i32_1 = arith.constant 0 : i32
    return %c0_i32, %arg0, %c0_i32_0 : i32, i32, i32
  }
  func.func @transform_1(%arg0: i32) -> (i32, i32) {
    %c0_i32 = arith.constant 0 : i32
    %c0_i32_0 = arith.constant 0 : i32
    return %arg0, %c0_i32 : i32, i32
  }
  func.func @transform_2(%arg0: i32) -> (i32, i32) {
    %c0_i32 = arith.constant 0 : i32
    %c0_i32_0 = arith.constant 0 : i32
    return %arg0, %c0_i32 : i32, i32
  }
  func.func @transform_3(%arg0: i32) -> (i32, i32) {
    %c0_i32 = arith.constant 0 : i32
    %c0_i32_0 = arith.constant 0 : i32
    %c0_i32_1 = arith.constant 0 : i32
    return %c0_i32, %c0_i32_0 : i32, i32
  }
  func.func @transform_4(%arg0: i32) -> (i32, i32) {
    %c0_i32 = arith.constant 0 : i32
    %c0_i32_0 = arith.constant 0 : i32
    %c0_i32_1 = arith.constant 0 : i32
    return %c0_i32, %c0_i32_0 : i32, i32
  }
  func.func @transform_5(%arg0: i32) -> (i32, i32) {
    %c0_i32 = arith.constant 0 : i32
    %c0_i32_0 = arith.constant 0 : i32
    return %arg0, %c0_i32 : i32, i32
  }
}

module attributes {stable_mosaic.version = 14 : i64} {
  func.func @_final_body(%arg0: i32, %arg1: memref<2x512x128xf32, #tpu.memory_space<vmem>>, %arg2: memref<512x128xf32, #tpu.memory_space<vmem>>, %arg3: memref<512x1xf32, #tpu.memory_space<vmem>>, %arg4: memref<1x128xf32, #tpu.memory_space<vmem>>, %arg5: memref<512x128xf32, #tpu.memory_space<vmem>>) attributes {dimension_semantics = [#tpu.dimension_semantics<arbitrary>], iteration_bounds = array<i64: 20>, scalar_prefetch = 0 : i64, scratch_operands = 0 : i64, tpu.core_type = #tpu.core_type<tc>, window_params = [{transform_indices = @transform_0, window_bounds = array<i64: 2, 512, 128>}, {transform_indices = @transform_1, window_bounds = array<i64: 512, 128>}, {transform_indices = @transform_2, window_bounds = array<i64: 512, 1>}, {pipeline_mode = #tpu.pipeline_mode<synchronous>, transform_indices = @transform_3, window_bounds = array<i64: 1, 128>}, {transform_indices = @transform_4, window_bounds = array<i64: 512, 128>}]} {
    %get3A = arith.constant 0 : index
    %get3A_0 = arith.constant 0 : index
    %get3A_1 = vector.load %arg3[%get3A, %get3A_0] : memref<512x1xf32, #tpu.memory_space<vmem>>, vector<512x1xf32>
    %get3A_2 = arith.constant 0 : index
    %get3A_3 = arith.constant 0 : index
    %get3A_4 = arith.constant 0 : index
    %get3A_5 = vector.load %arg1[%get3A_2, %get3A_3, %get3A_4] : memref<2x512x128xf32, #tpu.memory_space<vmem>>, vector<1x512x128xf32>
    %get3A_6 = vector.shape_cast %get3A_5 : vector<1x512x128xf32> to vector<512x128xf32>
    %get3A_7 = arith.constant 1 : index
    %get3A_8 = arith.constant 0 : index
    %get3A_9 = arith.constant 0 : index
    %get3A_10 = vector.load %arg1[%get3A_7, %get3A_8, %get3A_9] : memref<2x512x128xf32, #tpu.memory_space<vmem>>, vector<1x512x128xf32>
    %get3A_11 = vector.shape_cast %get3A_10 : vector<1x512x128xf32> to vector<512x128xf32>
    %add3A = arith.addf %get3A_6, %get3A_11 : vector<512x128xf32>
    %get3A_12 = arith.constant 0 : index
    %get3A_13 = arith.constant 0 : index
    %get3A_14 = vector.load %arg2[%get3A_12, %get3A_13] : memref<512x128xf32, #tpu.memory_space<vmem>>, vector<512x128xf32>
    %add3A_15 = arith.addf %add3A, %get3A_14 : vector<512x128xf32>
    %mul3A = vector.broadcast %get3A_1 : vector<512x1xf32> to vector<512x128xf32>
    %mul3A_16 = arith.mulf %add3A_15, %mul3A : vector<512x128xf32>
    %get3A_17 = arith.constant 0 : index
    %get3A_18 = arith.constant 0 : index
    %get3A_19 = vector.load %arg4[%get3A_17, %get3A_18] : memref<1x128xf32, #tpu.memory_space<vmem>>, vector<1x128xf32>
    %add3A_20 = vector.broadcast %get3A_19 : vector<1x128xf32> to vector<512x128xf32>
    %add3A_21 = arith.addf %mul3A_16, %add3A_20 : vector<512x128xf32>
    %swap3A = arith.constant 0 : index
    %swap3A_22 = arith.constant 0 : index
    %swap3A_23 = vector.load %arg5[%swap3A, %swap3A_22] : memref<512x128xf32, #tpu.memory_space<vmem>>, vector<512x128xf32>
    tpu.vector_store %arg5[%swap3A, %swap3A_22], %add3A_21 {strides = array<i32>} : memref<512x128xf32, #tpu.memory_space<vmem>>, vector<512x128xf32>,
    return
  }
  func.func @transform_0(%arg0: i32) -> (i32, i32, i32) {
    %c0_i32 = arith.constant 0 : i32
    %c0_i32_0 = arith.constant 0 : i32
    %c0_i32_1 = arith.constant 0 : i32
    return %c0_i32, %arg0, %c0_i32_0 : i32, i32, i32
  }
  func.func @transform_1(%arg0: i32) -> (i32, i32) {
    %c0_i32 = arith.constant 0 : i32
    %c0_i32_0 = arith.constant 0 : i32
    return %arg0, %c0_i32 : i32, i32
  }
  func.func @transform_2(%arg0: i32) -> (i32, i32) {
    %c0_i32 = arith.constant 0 : i32
    %c0_i32_0 = arith.constant 0 : i32
    return %arg0, %c0_i32 : i32, i32
  }
  func.func @transform_3(%arg0: i32) -> (i32, i32) {
    %c0_i32 = arith.constant 0 : i32
    %c0_i32_0 = arith.constant 0 : i32
    %c0_i32_1 = arith.constant 0 : i32
    return %c0_i32, %c0_i32_0 : i32, i32
  }
  func.func @transform_4(%arg0: i32) -> (i32, i32) {
    %c0_i32 = arith.constant 0 : i32
    %c0_i32_0 = arith.constant 0 : i32
    return %arg0, %c0_i32 : i32, i32
  }
}

</mosaic_0001>

<sc_bundles>
// kernel: kernel.15.cloned.1.call-start
scs
__scs_entry_jumppad:
0x0: {  	(pc) =	sbr.rel $0x88, $3  }
0x1: {  	(tag) =	ssettag $0x0;
	lr =	simm.s32 $0x1  }
0x2: {  	[smem:$0x3F96] =	sst lr;
	_ =	strace $0xD0000000  }
0x3: {  	_ = 	snop  }
0x4: {  	_ = 	snop  }
0x5: {  	_ = 	snop  }
0x6: {  	_ = 	snop  }
0x7: {  	_ = 	snop  }
__scs_overlays_trampoline_lowered:
0x8: {  	[smem:$0x3FA5] =	sst s0  }
0x9: {  	[smem:$0x3FA6] =	sst s1  }
0xa: {  	[smem:$0x3FA7] =	sst s2  }
0xb: {  	[smem:$0x3FA8] =	sst s3  }
0xc: {  	[smem:$0x3FA9] =	sst s4  }
0xd: {  	[smem:$0x3FAA] =	sst s5  }
0xe: {  	[smem:$0x3FAB] =	sst s6  }
0xf: {  	[smem:$0x3FAC] =	sst s7  }
0x10: {  	[smem:$0x3FAD] =	sst s8  }
0x11: {  	[smem:$0x3FAE] =	sst s9;
	s0 =	simm.s32 @!p0 $0x0  }
0x12: {  	s1 =	sld [smem:$0x3F94];
	s0 =	simm.s32 @p0 $0x1  }
0x13: {  	[smem:$0x3FAF] =	sst s0;
	s0 =	simm.s32 @!p1 $0x0  }
0x14: {  	s2 =	sld [smem:$0x3F93];
	s0 =	simm.s32 @p1 $0x1  }
0x15: {  	[smem:$0x3FB0] =	sst s0;
	s0 =	simm.s32 @!p2 $0x0  }
0x16: {  	s3 =	sld [smem:$0x3FDB];
	s0 =	simm.s32 @p2 $0x1  }
0x17: {  	s4 =	simm.s32 $0x1BF5;
	[smem:$0x3FB2] =	sst s0  }
0x18: {  	s0 =	sld [smem:$0x3F95];
	_ =	swait.ge [sflag:s4], $0x0  }
0x19: {  	s7 =	sld [smem:$0x3F96]  }
0x1a: {  	s8 =	sadd.s32 $0xFFFFE003, lr  }
0x1b: {  	s9 =	sadd.s32 $0xFFFFFEF7, lr;
	s5 =	simm.s32 $0xFFFFFFFF;
	p2 =	slt.u32 s8, $0xFFFFF086  }
0x1c: {  	p1 =	slt.u32 s9, $0xF7A;
	s5 =	simm.s32 @!p2 $0x0  }
0x1d: {  	s5 =	simm.s32 @p1 $0x1;
	p0 =	seq.s32 s7, s2  }
0x1e: {  	s7 =	smul.u32 @!p0 $0xF7A, s2;
	p2 =	seq.s32 @!p0 s5, $0x0  }
0x1f: {  	s9 =	smul.u32 $0xF7A, s1;
	s8 =	simm.s32 @!p0 $0x1BF5;
	p2 =	por !p2, p0  }
0x20: {  	[sflag:s8] =	ssyncset.s32 @!p0 $0xFFFFF086;
	s6 =	sadd.s32 @!p0 s3, s7;
	s7 =	simm.s32 @!p0 $0x108  }
0x21: {  	s3 =	sadd.s32 s3, s9;
	s6 =	sadd.s32 @!p0 $0x88, s6;
	s7 =	simm.s32 @p2 $0x1082  }
0x22: {  	[simem:s7], [sflag:s8] =	dma.local @!p0 [hbm:s6], $0xF7A  }
0x23: {  	s9 =	sor.u32 $0xD0000000, s2;
	s6 =	simm.s32 $0x108;
	_ =	swait.ge @!p0 [sflag:s8], $0x0  }
0x24: {  	s3 =	sadd.s32 $0x88, s3;
	s6 =	simm.s32 @!p1 $0x1082;
	[sflag:s4] =	ssyncset.s32 $0xFFFFF086  }
0x25: {  	[simem:s6], [sflag:s4] =	dma.local [hbm:s3], $0xF7A  }
0x26: {  	[smem:$0x3F96] =	sst s1;
	(tag) =	ssettag s2;
	_ =	strace s9  }
0x27: {  	s1 =	sld [smem:$0x3FA6]  }
0x28: {  	s2 =	sld [smem:$0x3FA7]  }
0x29: {  	s4 =	sld [smem:$0x3FA9]  }
0x2a: {  	p0 =	seq.s32 s5, $0x0;
	s5 =	sld [smem:$0x3FAA]  }
0x2b: {  	s6 =	sld [smem:$0x3FAB]  }
0x2c: {  	s7 =	sld [smem:$0x3FAC]  }
0x2d: {  	s3 =	simm.s32 $0x108;
	s8 =	sld [smem:$0x3FAD]  }
0x2e: {  	s3 =	simm.s32 @!p0 $0x1082;
	s9 =	sld [smem:$0x3FAE]  }
0x2f: {  	lr =	sadd.s32 s0, s3;
	s0 =	sld [smem:$0x3FA5]  }
0x30: {  	s3 =	sld [smem:$0x3FA8]  }
0x31: {  	[smem:$0x3FB1] =	sst s10  }
0x32: {  	s10 =	sld [smem:$0x3FAF];
	_ =	sdelay $0x3  }
0x33: {  	p0 =	seq.s32 s10, $0x1;
	s10 =	sld [smem:$0x3FB1];
	_ =	sdelay $0x3  }
0x34: {  	[smem:$0x3FB1] =	sst s10  }
0x35: {  	s10 =	sld [smem:$0x3FB0];
	_ =	sdelay $0x3  }
0x36: {  	p1 =	seq.s32 s10, $0x1;
	s10 =	sld [smem:$0x3FB1];
	_ =	sdelay $0x3  }
0x37: {  	[smem:$0x3FB1] =	sst s10  }
0x38: {  	s10 =	sld [smem:$0x3FB2]  }
0x39: {  	_ = 	snop;
	(pc) =	sbr.ind lr, $3  }
0x3a: {  	_ = 	snop  }
0x3b: {  	_ = 	snop  }
0x3c: {  	p2 =	seq.s32 s10, $0x1;
	s10 =	sld [smem:$0x3FB1]  }
0x3d: {  	_ =	shalt  }
0x3e: {  	_ =	shalt  }
0x3f: {  	_ =	shalt  }
0x40: {  	_ =	shalt  }
0x41: {  	_ =	shalt  }
0x42: {  	_ =	shalt  }
0x43: {  	_ =	shalt  }
0x44: {  	_ =	shalt  }
0x45: {  	_ =	shalt  }
0x46: {  	_ =	shalt  }
0x47: {  	_ =	shalt  }
0x48: {  	_ =	shalt  }
0x49: {  	_ =	shalt  }
0x4a: {  	_ =	shalt  }
0x4b: {  	_ =	shalt  }
0x4c: {  	_ =	shalt  }
0x4d: {  	_ =	shalt  }
0x4e: {  	_ =	shalt  }
0x4f: {  	_ =	shalt  }
0x50: {  	_ =	shalt  }
0x51: {  	_ =	shalt  }
0x52: {  	_ =	shalt  }
0x53: {  	_ =	shalt  }
0x54: {  	_ =	shalt  }
0x55: {  	_ =	shalt  }
0x56: {  	_ =	shalt  }
0x57: {  	_ =	shalt  }
0x58: {  	_ =	shalt  }
0x59: {  	_ =	shalt  }
0x5a: {  	_ =	shalt  }
0x5b: {  	_ =	shalt  }
0x5c: {  	_ =	shalt  }
0x5d: {  	_ =	shalt  }
0x5e: {  	_ =	shalt  }
0x5f: {  	_ =	shalt  }
0x60: {  	_ =	shalt  }
0x61: {  	_ =	shalt  }
0x62: {  	_ =	shalt  }
0x63: {  	_ =	shalt  }
0x64: {  	_ =	shalt  }
0x65: {  	_ =	shalt  }
0x66: {  	_ =	shalt  }
0x67: {  	_ =	shalt  }
0x68: {  	_ =	shalt  }
0x69: {  	_ =	shalt  }
0x6a: {  	_ =	shalt  }
0x6b: {  	_ =	shalt  }
0x6c: {  	_ =	shalt  }
0x6d: {  	_ =	shalt  }
0x6e: {  	_ =	shalt  }
0x6f: {  	_ =	shalt  }
0x70: {  	_ =	shalt  }
0x71: {  	_ =	shalt  }
0x72: {  	_ =	shalt  }
0x73: {  	_ =	shalt  }
0x74: {  	_ =	shalt  }
0x75: {  	_ =	shalt  }
0x76: {  	_ =	shalt  }
0x77: {  	_ =	shalt  }
0x78: {  	_ =	shalt  }
0x79: {  	_ =	shalt  }
0x7a: {  	_ =	shalt  }
0x7b: {  	_ =	shalt  }
0x7c: {  	_ =	shalt  }
0x7d: {  	_ =	shalt  }
0x7e: {  	_ =	shalt  }
0x7f: {  	_ =	shalt  }
0x80: {  	_ =	shalt  }
0x81: {  	_ =	shalt  }
0x82: {  	_ =	shalt  }
0x83: {  	_ =	shalt  }
0x84: {  	_ =	shalt  }
0x85: {  	_ =	shalt  }
0x86: {  	_ =	shalt  }
0x87: {  	_ =	shalt  }
.Lfunc_end0:
.L_simem_size_0:
called_computation_lowered:
.L_overlay_start_0:
0x88: {  	s2 =	sld [smem:$0x3FD9]  }
0x89: {  	s3 =	sld [smem:$0x3FFE];
	_ =	sdelay $0x1  }
0x8a: {  	s1 =	srdreg.scid  }
0x8b: {  	s0 =	sand.u32 $0x1, s1  }
0x8c: {  	s16 =	sshll.u32 s0, $0xA;
	s2 =	sadd.s32 s3, s2  }
0x8d: {  	s2 =	sadd.s32 s2, s16  }
0x8e: {  	[smem:$0x3FBD] =	sst s2  }
0x8f: {  	_ = 	snop  }
0x90: {  	(tm) =	ssettm $0x1  }
0x91: {  	s17 =	sld [smem:$0x3FFB];
	_ =	sdelay $0x3  }
0x92: {  	_ =	strace s17  }
0x93: {  	s2 =	sld [smem:$0x3FFC];
	_ =	sdelay $0x3  }
0x94: {  	_ =	strace s2  }
0x95: {  	s2 =	sld [smem:$0x3FFD];
	_ =	sdelay $0x3  }
0x96: {  	_ =	strace s2  }
0x97: {  	_ =	strace $0x8FFFFFFF  }
0x98: {  	s18 =	sld [smem:$0x3FDB];
	_ =	sdelay $0x1  }
0x99: {  	s19 =	simm.s32 $_scs_section_size  }
0x9a: {  	s4 =	simm.s32 $_size__tile_overlayer_lowered;
	s5 =	simm.s32 $_tile_overlayer_lowered  }
0x9b: {  	s22 =	simm.s32 $0x1BFF;
	s21 =	sshll.u32 s5, $0x1;
	s2 =	sadd.s32 s19, s18  }
0x9c: {  	s6 =	simm.s32 $0x0;
	s20 =	sshll.u32 s4, $0x1;
	s4 =	sadd.s32 s21, s2  }
0x9d: {  	[timem:s6], [sflag:s22] =	dma.local [hbm:s4], s20  }
0x9e: {  	_ =	swait.ge [sflag:s22], s20  }
0x9f: {  	s3 =	ssub.s32 $0x0, s20;
	[sflag:s22] =	ssyncset.done $0x0  }
0xa0: {  	[sflag:s22] =	ssyncadd.s32 s3;
	_ =	sdelay $0x1  }
0xa1: {  	s23 =	simm.s32 $0x1B8B  }
0xa2: {  	_ =	swait.ge [sflag:s23], $0x1  }
0xa3: {  	[sflag:s23] =	ssyncset.done $0x0  }
0xa4: {  	s25 =	simm.s32 $0x1B8E;
	s24 =	sld [smem:$0x3FFE];
	[sflag:s23] =	ssyncadd.s32 $0xFFFFFFFF  }
0xa5: {  	s26 =	simm.s32 $execute0_lowered;
	[smem:$0x3FD2] =	sst s25  }
0xa6: {  	s4 =	sshll.u32 s26, $0x1;
	_ =	strace $0x80000046;
	[dreg:$0x1] =	wrdreg $0xFFFFFFFF  }
0xa7: {  	s28 =	simm.s32 $_size_execute0_lowered;
	s2 =	sadd.s32 s2, s4;
	[dreg:$0x0] =	wrdreg $0x0  }
0xa8: {  	s4 =	sshll.u32 s28, $0x1;
	[dreg:$0x2] =	wrdreg s2  }
0xa9: {  	[dreg:$0x3] =	wrdreg s4  }
0xaa: {  	[dreg:$0x4] =	wrdreg $0xC0  }
0xab: {  	_ =	task [dreg:s6], $0x5FFFF  }
0xac: {  	[dreg:$0x1] =	wrdreg $0xFFFFFFFF  }
0xad: {  	[dreg:$0x0] =	wrdreg $0x60  }
0xae: {  	[dreg:$0x2] =	wrdreg s24  }
0xaf: {  	[dreg:$0x3] =	wrdreg $0x168800  }
0xb0: {  	[dreg:$0x4] =	wrdreg $0x9  }
0xb1: {  	_ =	task.clear_ibuf [dreg:s6], $0x5FFFF;
	_ =	strace $0x90000046  }
0xb2: {  	s29 =	simm.s32 $0x9;
	_ =	strace $0x80000048  }
0xb3: {  	_ =	swait.ge [sflag:s29], $0x1  }
0xb4: {  	[sflag:s29] =	ssyncadd.s32 $0xFFFFFFFF  }
0xb5: {  	_ =	strace $0x90000048  }
0xb6: {  	_ =	sfence  }
0xb7: {  	s30 =	sld [smem:$0x0];
	_ =	sdelay $0x2  }
0xb8: {  	s31 =	sshll.u32 s1, $0xD;
	s1 =	sshrl.u32 s1, $0x2  }
0xb9: {  	s3 =	sand.u32 $0x4000, s31;
	s1 =	sadd.s32 s1, s30  }
0xba: {  	s0 =	sor.u32 s3, s0;
	s1 =	sshll.u32 s1, $0x11  }
0xbb: {  	s0 =	sor.u32 s1, s0  }
0xbc: {  	s0 =	sadd.s32 $0x8F2B, s0  }
0xbd: {  	[sflag:s0] =	ssyncadd.remote.s32 $0x1  }
0xbe: {  	_ =	sfence.sel $0xFFFF  }
0xbf: {  	[dreg:$0x0] =	wrdreg $0xFFFFFFFF;
	(pc) =	sbr.abs _section_cstart, $3  }
0xc0: {  	[dreg:$0x1] =	wrdreg $0xFFFFFFFF  }
0xc1: {  	_ =	task.clear_ibuf [dreg:s6], $0x2FFFF;
	_ =	strace $0x9FFFFFFF  }
0xc2: {  	(tm) =	ssettm $0x7FFFFFFF  }
0xc3: {  	_ =	shalt  }
tec
execute0_lowered:
.L_overlay_start_1:
0x0: {  	(tag) =	ssettag $0x1  }
0x1: {  	s3 =	rddreg [dreg:$0x0];
	s0 =	srdreg.scid  }
0x2: {  	s1 =	rddreg [dreg:$0x1];
	s10 =	stileid.u32;
	s2 =	simm.s32 $0x0  }
0x3: {  	s9 =	simm.s32 $0x16800;
	s12 =	simm.s32 $0x0;
	s4 =	sand.u32 $0x1, s0  }
0x4: {  	s0 =	rddreg [dreg:$0x2];
	s5 =	sshll.u32 s10, $0x1;
	s7 =	sshll.u32 s10, $0xA  }
0x5: {  	[smem:$0x7FF] =	sst s2;
	p0 =	sne.s32 s10, $0x0;
	p1 =	sgt.u32 s10, $0x9  }
0x6: {  	s6 =	smul.u32 $0x2800, s4;
	s5 =	sor.u32 s4, s5;
	_ =	strace $0x80000047  }
0x7: {  	s4 =	ssub.s32 $0x2, s4;
	s11 =	sadd.s32 s7, s1;
	s10 =	sshll.u32 @!p1 s10, $0x6  }
0x8: {  	s5 =	smul.u32 $0x2800, s5;
	s31 =	sshrl.u32 s4, $0x1;
	s10 =	sor.u32 @!p1 $0x1C01, s10  }
0x9: {  	s11 =	sshrl.u32 @!p1 s11, $0x3;
	s6 =	sadd.s32 s7, s6;
	s8 =	ssub.s32 s4, s31  }
0xa: {  	v0 =	vlaneseq.u32;
	s7 =	simm.s32 $0x14000;
	s6 =	sshrl.u32 s6, $0x3;
	s5 =	sadd.s32 s5, s3  }
0xb: {  	v1 =	vimm.f32 $0.0e+00;
	v6 =	vimm.f32 $1.000000000e+00;
	v2 =	vor.u32 $0x10, v0;
	s6 =	sadd.s32 s6, s3;
	s3 =	sadd.s32 $0x18000, s5;
	s5 =	smax.u32 s8, $0x1  }
0xc: {  	v3 =	vor.u32 $0x20, v0;
	v4 =	vor.u32 $0x30, v0;
	v5 =	vor.u32 $0x40, v0;
	s8 =	simm.s32 $0x50;
	s4 =	sadd.s32 $0x68000, s6;
	s6 =	simm.s32 $0x1  }
.LBB2_1:
0xd: {  	[tilespmem:s2], [sflag:$0x1] =	stream.linear.gather [hbm4b:s3+s2], $0x14000, $0x38;
	[tilespmem:$0x16B00] =	vst v63  }
0xe: {  	_ =	swait.ge [sflag:s6], $0x14000  }
0xf: {  	[sflag:s6] =	ssyncset.done $0x0  }
0x10: {  	s13 =	simm.s32 $0x70;
	s14 =	simm.s32 $0x3C0;
	[sflag:s6] =	ssyncadd.s32 $0xFFFEC000  }
.LBB2_2:
0x11: {  	p2 =	sne.s32 s14, $0x9FC0;
	[tilespmem:s13+$0x14000] =	vst v1  }
0x12: {  	[tilespmem:s13+$0x13F90] =	vst v1  }
0x13: {  	[tilespmem:s13+$0x13FA0] =	vst v1  }
.Ltmp0:
0x14: {  	[tilespmem:s13+$0x13FB0] =	vst v1;
	(pc) =	sbr.rel @p2 .LBB2_2-.Ltmp0, $4  }
0x15: {  	[tilespmem:s13+$0x13FC0] =	vst v1  }
0x16: {  	[tilespmem:s13+$0x13FD0] =	vst v1  }
0x17: {  	[tilespmem:s13+$0x13FE0] =	vst v1  }
0x18: {  	[tilespmem:s13+$0x13FF0] =	vst v1;
	s13 =	sshra.s32 s14, $0x2;
	s14 =	sadd.s32 $0x200, s14  }
0x19: {  	[tilespmem:s13+$0x14000] =	vst v1  }
0x1a: {  	[tilespmem:s13+$0x13F90] =	vst v1  }
0x1b: {  	[tilespmem:s13+$0x13FA0] =	vst v1  }
0x1c: {  	[tilespmem:s13+$0x13FB0] =	vst v1  }
0x1d: {  	[tilespmem:s13+$0x13FC0] =	vst v1  }
0x1e: {  	[tilespmem:s13+$0x13FD0] =	vst v1  }
0x1f: {  	[tilespmem:s13+$0x13FE0] =	vst v1  }
0x20: {  	[tilespmem:s13+$0x13FF0] =	vst v1  }
0x21: {  	[tilespmem:$0x16800] =	vst v0  }
0x22: {  	[tilespmem:$0x16810] =	vst v2  }
0x23: {  	[tilespmem:$0x16820] =	vst v3  }
0x24: {  	[tilespmem:$0x16830] =	vst v4  }
0x25: {  	s13 =	simm.s32 @!p0 $0x14000;
	[tilespmem:$0x16840] =	vst v5  }
0x26: {  	[spmem:s1] =	stream.linear.scatter @!p0 [tilespmem:s13], [sflag:$0x1], $0x2800, $0x38;
	[tilespmem:$0x16B00] =	vst v63  }
0x27: {  	s13 =	simm.s32 @!p0 $0x1  }
0x28: {  	_ =	swait.ge @!p0 [sflag:s13], $0x2800  }
0x29: {  	[sflag:s13] =	ssyncset.done @!p0 $0x0  }
0x2a: {  	[sflag:s13] =	ssyncadd.s32 @!p0 $0xFFFFD800  }
0x2b: {  	s14 =	simm.s32 $0x0;
	s13 =	simm.s32 $0x200;
	[bflag:$0x0] =	sbarrier.arrive $0xFFFF  }
.LBB2_4:
0x2c: {  	p2 =	sne.s32 s13, $0x4FE00;
	v7 =	vld [tilespmem:s14+$0x0];
	_ =	sdelay $0x3  }
.Ltmp1:
0x2d: {  	(pc) =	sbr.rel @p2 .LBB2_4-.Ltmp1, $2  }
0x2e: {  	_ =	sdelay $0x2  }
0x2f: {  	s14 =	sshra.s32 s13, $0x2;
	s13 =	sadd.s32 $0x200, s13;
	[tilespmem:v7+s7+$0x0] =	vst.idx.add.f32.msk $0xffff, v6  }
0x30: {  	v7 =	vld [tilespmem:s14+$0x0];
	_ =	sdelay $0x7  }
0x31: {  	[tilespmem:v7+s7+$0x0] =	vst.idx.add.f32.msk $0xffff, v6  }
0x32: {  	[spmem:s1] =	stream.indirect.scatter.add.f32 [tilespmem:s7], [sflag:$0x1], $0x80, s9, s8, $0xb8;
	[tilespmem:$0x16B00] =	vst v63  }
0x33: {  	_ =	swait.ge [sflag:s6], $0x2800  }
0x34: {  	s12 =	sadd.s32 $0x1, s12;
	[sflag:s6] =	ssyncset.done $0x0  }
0x35: {  	p2 =	sne.s32 s12, s5;
	[sflag:s6] =	ssyncadd.s32 $0xFFFFD800  }
.Ltmp2:
0x36: {  	s13 =	simm.s32 @!p1 $0x1;
	[bflag:$0x0] =	sbarrier.arrive $0xFFFF;
	(pc) =	sbr.rel @p2 .LBB2_1-.Ltmp2, $4  }
0x37: {  	[hbm:s4], [sflag:s10] =	dma.local @!p1 [spmem:s11], $0x80  }
0x38: {  	_ =	swait.ge @!p1 [sflag:s13], $0x80  }
0x39: {  	[sflag:s13] =	ssyncset.done @!p1 $0x0  }
0x3a: {  	[sflag:s13] =	ssyncadd.s32 @!p1 $0xFFFFFF80  }
0x3b: {  	_ =	sfence.sel $0x180000  }
0x3c: {  	[bflag:$0x0] =	sbarrier.arrive $0xFFFF  }
0x3d: {  	_ =	strace $0x90000047  }
0x3e: {  	s0 =	sadd.s32 @!p0 $0x100000, s0;
	[bflag:$0x2] =	sbarrier.arrive $0xFFFF  }
0x3f: {  	[sflag:s0] =	ssyncadd.tile.s32 @!p0 $0x1;
	_ =	shalt  }
.Lfunc_end2:
_tile_overlayer_lowered:
.L_overlay_start_2:
0x40: {  	(tag) =	ssettag $0x2  }
0x41: {  	s0 =	rddreg [dreg:$0x0];
	s2 =	stileid.u32  }
0x42: {  	s1 =	rddreg [dreg:$0x1];
	p0 =	sne.s32 s2, $0x0  }
0x43: {  	s3 =	rddreg [dreg:$0x2];
	[bflag:$0x3] =	sbarrier.arrive $0xFFFF;
	s2 =	simm.s32 @!p0 $0x1C01  }
0x44: {  	[timem:s3], [sflag:s2] =	dma.local @!p0 [hbm:s0], s1  }
0x45: {  	s0 =	simm.s32 @!p0 $0x1  }
0x46: {  	_ =	swait.ge @!p0 [sflag:s0], s1  }
0x47: {  	s1 =	ssub.s32 @!p0 $0x0, s1;
	[sflag:s0] =	ssyncset.done @!p0 $0x0  }
0x48: {  	[sflag:s0] =	ssyncadd.s32 @!p0 s1  }
0x49: {  	[bflag:$0x3] =	sbarrier.arrive $0xFFFF  }
0x4a: {  	_ =	shalt  }

// kernel: kernel.18.cloned.1.call-start
scs
__scs_entry_jumppad:
0x0: {  	(pc) =	sbr.rel $0x88, $3  }
0x1: {  	(tag) =	ssettag $0x0;
	lr =	simm.s32 $0x1  }
0x2: {  	[smem:$0x3F96] =	sst lr;
	_ =	strace $0xD0000000  }
0x3: {  	_ = 	snop  }
0x4: {  	_ = 	snop  }
0x5: {  	_ = 	snop  }
0x6: {  	_ = 	snop  }
0x7: {  	_ = 	snop  }
__scs_overlays_trampoline_lowered:
0x8: {  	[smem:$0x3FA5] =	sst s0  }
0x9: {  	[smem:$0x3FA6] =	sst s1  }
0xa: {  	[smem:$0x3FA7] =	sst s2  }
0xb: {  	[smem:$0x3FA8] =	sst s3  }
0xc: {  	[smem:$0x3FA9] =	sst s4  }
0xd: {  	[smem:$0x3FAA] =	sst s5  }
0xe: {  	[smem:$0x3FAB] =	sst s6  }
0xf: {  	[smem:$0x3FAC] =	sst s7  }
0x10: {  	[smem:$0x3FAD] =	sst s8  }
0x11: {  	[smem:$0x3FAE] =	sst s9;
	s0 =	simm.s32 @!p0 $0x0  }
0x12: {  	s1 =	sld [smem:$0x3F94];
	s0 =	simm.s32 @p0 $0x1  }
0x13: {  	[smem:$0x3FAF] =	sst s0;
	s0 =	simm.s32 @!p1 $0x0  }
0x14: {  	s2 =	sld [smem:$0x3F93];
	s0 =	simm.s32 @p1 $0x1  }
0x15: {  	[smem:$0x3FB0] =	sst s0;
	s0 =	simm.s32 @!p2 $0x0  }
0x16: {  	s3 =	sld [smem:$0x3FDB];
	s0 =	simm.s32 @p2 $0x1  }
0x17: {  	s4 =	simm.s32 $0x1BF5;
	[smem:$0x3FB2] =	sst s0  }
0x18: {  	s0 =	sld [smem:$0x3F95];
	_ =	swait.ge [sflag:s4], $0x0  }
0x19: {  	s7 =	sld [smem:$0x3F96]  }
0x1a: {  	s8 =	sadd.s32 $0xFFFFE003, lr  }
0x1b: {  	s9 =	sadd.s32 $0xFFFFFEF7, lr;
	s5 =	simm.s32 $0xFFFFFFFF;
	p2 =	slt.u32 s8, $0xFFFFF086  }
0x1c: {  	p1 =	slt.u32 s9, $0xF7A;
	s5 =	simm.s32 @!p2 $0x0  }
0x1d: {  	s5 =	simm.s32 @p1 $0x1;
	p0 =	seq.s32 s7, s2  }
0x1e: {  	s7 =	smul.u32 @!p0 $0xF7A, s2;
	p2 =	seq.s32 @!p0 s5, $0x0  }
0x1f: {  	s9 =	smul.u32 $0xF7A, s1;
	s8 =	simm.s32 @!p0 $0x1BF5;
	p2 =	por !p2, p0  }
0x20: {  	[sflag:s8] =	ssyncset.s32 @!p0 $0xFFFFF086;
	s6 =	sadd.s32 @!p0 s3, s7;
	s7 =	simm.s32 @!p0 $0x108  }
0x21: {  	s3 =	sadd.s32 s3, s9;
	s6 =	sadd.s32 @!p0 $0x88, s6;
	s7 =	simm.s32 @p2 $0x1082  }
0x22: {  	[simem:s7], [sflag:s8] =	dma.local @!p0 [hbm:s6], $0xF7A  }
0x23: {  	s9 =	sor.u32 $0xD0000000, s2;
	s6 =	simm.s32 $0x108;
	_ =	swait.ge @!p0 [sflag:s8], $0x0  }
0x24: {  	s3 =	sadd.s32 $0x88, s3;
	s6 =	simm.s32 @!p1 $0x1082;
	[sflag:s4] =	ssyncset.s32 $0xFFFFF086  }
0x25: {  	[simem:s6], [sflag:s4] =	dma.local [hbm:s3], $0xF7A  }
0x26: {  	[smem:$0x3F96] =	sst s1;
	(tag) =	ssettag s2;
	_ =	strace s9  }
0x27: {  	s1 =	sld [smem:$0x3FA6]  }
0x28: {  	s2 =	sld [smem:$0x3FA7]  }
0x29: {  	s4 =	sld [smem:$0x3FA9]  }
0x2a: {  	p0 =	seq.s32 s5, $0x0;
	s5 =	sld [smem:$0x3FAA]  }
0x2b: {  	s6 =	sld [smem:$0x3FAB]  }
0x2c: {  	s7 =	sld [smem:$0x3FAC]  }
0x2d: {  	s3 =	simm.s32 $0x108;
	s8 =	sld [smem:$0x3FAD]  }
0x2e: {  	s3 =	simm.s32 @!p0 $0x1082;
	s9 =	sld [smem:$0x3FAE]  }
0x2f: {  	lr =	sadd.s32 s0, s3;
	s0 =	sld [smem:$0x3FA5]  }
0x30: {  	s3 =	sld [smem:$0x3FA8]  }
0x31: {  	[smem:$0x3FB1] =	sst s10  }
0x32: {  	s10 =	sld [smem:$0x3FAF];
	_ =	sdelay $0x3  }
0x33: {  	p0 =	seq.s32 s10, $0x1;
	s10 =	sld [smem:$0x3FB1];
	_ =	sdelay $0x3  }
0x34: {  	[smem:$0x3FB1] =	sst s10  }
0x35: {  	s10 =	sld [smem:$0x3FB0];
	_ =	sdelay $0x3  }
0x36: {  	p1 =	seq.s32 s10, $0x1;
	s10 =	sld [smem:$0x3FB1];
	_ =	sdelay $0x3  }
0x37: {  	[smem:$0x3FB1] =	sst s10  }
0x38: {  	s10 =	sld [smem:$0x3FB2]  }
0x39: {  	_ = 	snop;
	(pc) =	sbr.ind lr, $3  }
0x3a: {  	_ = 	snop  }
0x3b: {  	_ = 	snop  }
0x3c: {  	p2 =	seq.s32 s10, $0x1;
	s10 =	sld [smem:$0x3FB1]  }
0x3d: {  	_ =	shalt  }
0x3e: {  	_ =	shalt  }
0x3f: {  	_ =	shalt  }
0x40: {  	_ =	shalt  }
0x41: {  	_ =	shalt  }
0x42: {  	_ =	shalt  }
0x43: {  	_ =	shalt  }
0x44: {  	_ =	shalt  }
0x45: {  	_ =	shalt  }
0x46: {  	_ =	shalt  }
0x47: {  	_ =	shalt  }
0x48: {  	_ =	shalt  }
0x49: {  	_ =	shalt  }
0x4a: {  	_ =	shalt  }
0x4b: {  	_ =	shalt  }
0x4c: {  	_ =	shalt  }
0x4d: {  	_ =	shalt  }
0x4e: {  	_ =	shalt  }
0x4f: {  	_ =	shalt  }
0x50: {  	_ =	shalt  }
0x51: {  	_ =	shalt  }
0x52: {  	_ =	shalt  }
0x53: {  	_ =	shalt  }
0x54: {  	_ =	shalt  }
0x55: {  	_ =	shalt  }
0x56: {  	_ =	shalt  }
0x57: {  	_ =	shalt  }
0x58: {  	_ =	shalt  }
0x59: {  	_ =	shalt  }
0x5a: {  	_ =	shalt  }
0x5b: {  	_ =	shalt  }
0x5c: {  	_ =	shalt  }
0x5d: {  	_ =	shalt  }
0x5e: {  	_ =	shalt  }
0x5f: {  	_ =	shalt  }
0x60: {  	_ =	shalt  }
0x61: {  	_ =	shalt  }
0x62: {  	_ =	shalt  }
0x63: {  	_ =	shalt  }
0x64: {  	_ =	shalt  }
0x65: {  	_ =	shalt  }
0x66: {  	_ =	shalt  }
0x67: {  	_ =	shalt  }
0x68: {  	_ =	shalt  }
0x69: {  	_ =	shalt  }
0x6a: {  	_ =	shalt  }
0x6b: {  	_ =	shalt  }
0x6c: {  	_ =	shalt  }
0x6d: {  	_ =	shalt  }
0x6e: {  	_ =	shalt  }
0x6f: {  	_ =	shalt  }
0x70: {  	_ =	shalt  }
0x71: {  	_ =	shalt  }
0x72: {  	_ =	shalt  }
0x73: {  	_ =	shalt  }
0x74: {  	_ =	shalt  }
0x75: {  	_ =	shalt  }
0x76: {  	_ =	shalt  }
0x77: {  	_ =	shalt  }
0x78: {  	_ =	shalt  }
0x79: {  	_ =	shalt  }
0x7a: {  	_ =	shalt  }
0x7b: {  	_ =	shalt  }
0x7c: {  	_ =	shalt  }
0x7d: {  	_ =	shalt  }
0x7e: {  	_ =	shalt  }
0x7f: {  	_ =	shalt  }
0x80: {  	_ =	shalt  }
0x81: {  	_ =	shalt  }
0x82: {  	_ =	shalt  }
0x83: {  	_ =	shalt  }
0x84: {  	_ =	shalt  }
0x85: {  	_ =	shalt  }
0x86: {  	_ =	shalt  }
0x87: {  	_ =	shalt  }
.Lfunc_end0:
.L_simem_size_0:
called_computation.1_lowered:
.L_overlay_start_0:
0x88: {  	s2 =	sld [smem:$0x3FD9]  }
0x89: {  	s3 =	sld [smem:$0x3FFE];
	_ =	sdelay $0x1  }
0x8a: {  	s1 =	srdreg.scid  }
0x8b: {  	s0 =	sand.u32 $0x1, s1  }
0x8c: {  	s17 =	sshll.u32 s0, $0xA;
	s2 =	sadd.s32 s3, s2  }
0x8d: {  	s2 =	sadd.s32 s2, s17  }
0x8e: {  	[smem:$0x3FBD] =	sst s2  }
0x8f: {  	_ = 	snop  }
0x90: {  	s18 =	sld [smem:$0x3FD0];
	(tm) =	ssettm $0x1  }
0x91: {  	s19 =	sld [smem:$0x3FFB];
	_ =	sdelay $0x3  }
0x92: {  	_ =	strace s19  }
0x93: {  	s2 =	sld [smem:$0x3FFC];
	_ =	sdelay $0x3  }
0x94: {  	_ =	strace s2  }
0x95: {  	s2 =	sld [smem:$0x3FFD];
	_ =	sdelay $0x3  }
0x96: {  	_ =	strace s2  }
0x97: {  	_ =	strace $0x8FFFFFFF  }
0x98: {  	s20 =	sld [smem:$0x3FDB];
	_ =	sdelay $0x1  }
0x99: {  	s4 =	simm.s32 $_scs_section_size  }
0x9a: {  	s5 =	simm.s32 $_size__tile_overlayer_lowered;
	s6 =	simm.s32 $_tile_overlayer_lowered  }
0x9b: {  	s7 =	simm.s32 $0x1BFF;
	s21 =	sshll.u32 s6, $0x1;
	s4 =	sadd.s32 s4, s20  }
0x9c: {  	s22 =	simm.s32 $0x0;
	s5 =	sshll.u32 s5, $0x1;
	s6 =	sadd.s32 s21, s4  }
0x9d: {  	[timem:s22], [sflag:s7] =	dma.local [hbm:s6], s5  }
0x9e: {  	_ =	swait.ge [sflag:s7], s5  }
0x9f: {  	s5 =	ssub.s32 $0x0, s5;
	[sflag:s7] =	ssyncset.done $0x0  }
0xa0: {  	[sflag:s7] =	ssyncadd.s32 s5;
	_ =	sdelay $0x1  }
0xa1: {  	s23 =	simm.s32 $0x1B8B  }
0xa2: {  	_ =	swait.ge [sflag:s23], $0x1  }
0xa3: {  	[sflag:s23] =	ssyncset.done $0x0  }
0xa4: {  	[sflag:s23] =	ssyncadd.s32 $0xFFFFFFFF  }
0xa5: {  	s5 =	sld [smem:$0x0]  }
0xa6: {  	s6 =	sand.u32 $0xFFFFFFFE, s1  }
0xa7: {  	p0 =	sne.s32 s1, s6  }
0xa8: {  	s6 =	sshll.u32 @p0 s6, $0xE  }
0xa9: {  	s6 =	sadd.s32 @p0 $0x11B8D, s6;
	s7 =	sshll.u32 @p0 s5, $0x11  }
0xaa: {  	s6 =	sor.u32 @p0 s7, s6  }
0xab: {  	[sflag:s6] =	ssyncadd.remote.s32 @p0 $0x1;
	_ =	sdelay $0x1  }
0xac: {  	s6 =	simm.s32 @p0 $0x1B8D  }
0xad: {  	_ =	swait.eq @p0 [sflag:s6], $0x1  }
0xae: {  	[sflag:s6] =	ssyncadd.s32 @p0 $0xFFFFFFFF  }
0xaf: {  	s7 =	sshll.u32 @!p0 s1, $0xE  }
0xb0: {  	s7 =	sor.u32 @!p0 $0x4000, s7;
	s6 =	simm.s32 @!p0 $0x1B8D  }
0xb1: {  	s5 =	sshll.u32 @!p0 s5, $0x11;
	s7 =	sadd.s32 @!p0 $0x11B8D, s7;
	_ =	swait.eq @!p0 [sflag:s6], $0x1  }
0xb2: {  	s5 =	sor.u32 @!p0 s5, s7;
	[sflag:s6] =	ssyncadd.s32 @!p0 $0xFFFFFFFF  }
0xb3: {  	s25 =	simm.s32 $0x1B8E;
	s24 =	sld [smem:$0x3FFE];
	[sflag:s5] =	ssyncadd.remote.s32 @!p0 $0x1  }
0xb4: {  	s26 =	simm.s32 $execute0_lowered;
	[smem:$0x3FD2] =	sst s25  }
0xb5: {  	s6 =	sshll.u32 s26, $0x1;
	_ =	strace $0x80000049;
	[dreg:$0x1] =	wrdreg $0xFFFFFFFF  }
0xb6: {  	s28 =	simm.s32 $_size_execute0_lowered;
	s4 =	sadd.s32 s4, s6;
	[dreg:$0x0] =	wrdreg $0x0  }
0xb7: {  	s6 =	sshll.u32 s28, $0x1;
	[dreg:$0x2] =	wrdreg s4  }
0xb8: {  	[dreg:$0x3] =	wrdreg s6  }
0xb9: {  	[dreg:$0x4] =	wrdreg $0xC0  }
0xba: {  	_ =	task [dreg:s22], $0x5FFFF  }
0xbb: {  	[dreg:$0x1] =	wrdreg $0xFFFFFFFF  }
0xbc: {  	[dreg:$0x0] =	wrdreg $0x60  }
0xbd: {  	[dreg:$0x2] =	wrdreg s18  }
0xbe: {  	[dreg:$0x3] =	wrdreg s24  }
0xbf: {  	[dreg:$0x4] =	wrdreg $0xA  }
0xc0: {  	_ =	task.clear_ibuf [dreg:s22], $0x5FFFF;
	_ =	strace $0x90000049  }
0xc1: {  	s29 =	simm.s32 $0xA;
	_ =	strace $0x8000004B  }
0xc2: {  	_ =	swait.ge [sflag:s29], $0x1  }
0xc3: {  	[sflag:s29] =	ssyncadd.s32 $0xFFFFFFFF  }
0xc4: {  	_ =	strace $0x9000004B  }
0xc5: {  	_ =	sfence  }
0xc6: {  	s30 =	sld [smem:$0x0];
	_ =	sdelay $0x2  }
0xc7: {  	s31 =	sshll.u32 s1, $0xD;
	s1 =	sshrl.u32 s1, $0x2  }
0xc8: {  	s4 =	sand.u32 $0x4000, s31;
	s1 =	sadd.s32 s1, s30  }
0xc9: {  	s0 =	sor.u32 s4, s0;
	s1 =	sshll.u32 s1, $0x11  }
0xca: {  	s0 =	sor.u32 s1, s0  }
0xcb: {  	s0 =	sadd.s32 $0x8F2B, s0  }
0xcc: {  	[sflag:s0] =	ssyncadd.remote.s32 $0x1  }
0xcd: {  	_ =	sfence.sel $0xFFFF  }
0xce: {  	[dreg:$0x0] =	wrdreg $0xFFFFFFFF;
	(pc) =	sbr.abs _section_cstart, $3  }
0xcf: {  	[dreg:$0x1] =	wrdreg $0xFFFFFFFF  }
0xd0: {  	_ =	task.clear_ibuf [dreg:s22], $0x2FFFF;
	_ =	strace $0x9FFFFFFF  }
0xd1: {  	(tm) =	ssettm $0x7FFFFFFF  }
tec
execute0_lowered:
.L_overlay_start_1:
0x0: {  	(tag) =	ssettag $0x1  }
0x1: {  	s1 =	srdreg.scid;
	s0 =	stileid.u32  }
0x2: {  	s2 =	rddreg [dreg:$0x0];
	s16 =	sand.u32 $0x1, s1;
	s31 =	sshll.u32 s0, $0x1  }
0x3: {  	s9 =	rddreg [dreg:$0x1];
	s6 =	sor.u32 s16, s31  }
0x4: {  	s3 =	simm.s32 $0x0;
	s1 =	rddreg [dreg:$0x2];
	s4 =	sshll.u32 s6, $0x7  }
0x5: {  	[smem:$0x7FF] =	sst s3;
	s4 =	sadd.s32 s4, s9  }
0x6: {  	_ =	strace $0x8000004A;
	s5 =	sadd.s32 $0x68A00, s4;
	s4 =	simm.s32 $0x2  }
0x7: {  	[tilespmem:s3], [sflag:$0x2] =	stream.linear.gather [hbm4b:s5+s3], $0x280, $0x38;
	[tilespmem:$0x2400] =	vst v63  }
0x8: {  	_ =	swait.ge [sflag:s4], $0x280  }
0x9: {  	s7 =	simm.s32 $0x400;
	s8 =	simm.s32 $0x1;
	[sflag:s4] =	ssyncset.done $0x0  }
0xa: {  	s10 =	smul.u32 $0xA000, s6;
	s6 =	simm.s32 $0x40;
	[sflag:s4] =	ssyncadd.s32 $0xFFFFFD80  }
0xb: {  	[tilespmem:s7], [sflag:$0x1] =	stream.indirect.gather [hbm4b:s2+s6], $0x80, s3, s6, $0xb8;
	[tilespmem:$0x2400] =	vst v63  }
0xc: {  	s10 =	sshrl.u32 s10, $0x3;
	_ =	swait.ge [sflag:s8], $0x2000  }
0xd: {  	s17 =	sadd.s32 s10, s9;
	[sflag:s8] =	ssyncset.done $0x0  }
0xe: {  	s9 =	sadd.s32 $0x69A00, s17;
	[sflag:s8] =	ssyncadd.s32 $0xFFFFE000  }
0xf: {  	[hbm4b:s9+s3] =	stream.linear.scatter [tilespmem:s7], [sflag:$0x2], $0x2000, $0x38;
	[tilespmem:$0x2400] =	vst v63  }
0x10: {  	_ =	swait.ge [sflag:s4], $0x2000  }
0x11: {  	[sflag:s4] =	ssyncset.done $0x0  }
0x12: {  	s10 =	simm.s32 $0x80;
	[sflag:s4] =	ssyncadd.s32 $0xFFFFE000  }
0x13: {  	[tilespmem:s7], [sflag:$0x1] =	stream.indirect.gather [hbm4b:s2+s6], $0x80, s10, s6, $0xb8;
	[tilespmem:$0x2400] =	vst v63  }
0x14: {  	_ =	swait.ge [sflag:s8], $0x2000  }
0x15: {  	[sflag:s8] =	ssyncset.done $0x0  }
0x16: {  	s11 =	sadd.s32 $0x69E00, s17;
	[sflag:s8] =	ssyncadd.s32 $0xFFFFE000  }
0x17: {  	[hbm4b:s11+s3] =	stream.linear.scatter [tilespmem:s7], [sflag:$0x2], $0x2000, $0x38;
	[tilespmem:$0x2400] =	vst v63  }
0x18: {  	_ =	swait.ge [sflag:s4], $0x2000  }
0x19: {  	[sflag:s4] =	ssyncset.done $0x0  }
0x1a: {  	s12 =	simm.s32 $0x100;
	[sflag:s4] =	ssyncadd.s32 $0xFFFFE000  }
0x1b: {  	[tilespmem:s7], [sflag:$0x1] =	stream.indirect.gather [hbm4b:s2+s6], $0x80, s12, s6, $0xb8;
	[tilespmem:$0x2400] =	vst v63  }
0x1c: {  	_ =	swait.ge [sflag:s8], $0x2000  }
0x1d: {  	[sflag:s8] =	ssyncset.done $0x0  }
0x1e: {  	s13 =	sadd.s32 $0x6A200, s17;
	[sflag:s8] =	ssyncadd.s32 $0xFFFFE000  }
0x1f: {  	[hbm4b:s13+s3] =	stream.linear.scatter [tilespmem:s7], [sflag:$0x2], $0x2000, $0x38;
	[tilespmem:$0x2400] =	vst v63  }
0x20: {  	_ =	swait.ge [sflag:s4], $0x2000  }
0x21: {  	[sflag:s4] =	ssyncset.done $0x0  }
0x22: {  	s14 =	simm.s32 $0x180;
	[sflag:s4] =	ssyncadd.s32 $0xFFFFE000  }
0x23: {  	[tilespmem:s7], [sflag:$0x1] =	stream.indirect.gather [hbm4b:s2+s6], $0x80, s14, s6, $0xb8;
	[tilespmem:$0x2400] =	vst v63  }
0x24: {  	_ =	swait.ge [sflag:s8], $0x2000  }
0x25: {  	[sflag:s8] =	ssyncset.done $0x0  }
0x26: {  	s18 =	ssub.s32 $0x2, s16;
	s15 =	sadd.s32 $0x6A600, s17;
	[sflag:s8] =	ssyncadd.s32 $0xFFFFE000  }
0x27: {  	[hbm4b:s15+s3] =	stream.linear.scatter [tilespmem:s7], [sflag:$0x2], $0x2000, $0x38;
	[tilespmem:$0x2400] =	vst v63  }
0x28: {  	s19 =	sshrl.u32 s18, $0x1;
	_ =	swait.ge [sflag:s4], $0x2000  }
0x29: {  	s18 =	ssub.s32 s18, s19;
	[sflag:s4] =	ssyncset.done $0x0  }
0x2a: {  	s16 =	simm.s32 $0x200;
	s18 =	smax.u32 s18, $0x1;
	[sflag:s4] =	ssyncadd.s32 $0xFFFFE000  }
0x2b: {  	[tilespmem:s7], [sflag:$0x1] =	stream.indirect.gather [hbm4b:s2+s6], $0x80, s16, s6, $0xb8;
	[tilespmem:$0x2400] =	vst v63  }
0x2c: {  	p0 =	sne.s32 s18, $0x1;
	_ =	swait.ge [sflag:s8], $0x2000  }
.Ltmp0:
0x2d: {  	[sflag:s8] =	ssyncset.done $0x0;
	(pc) =	sbr.rel @!p0 .LBB2_2-.Ltmp0, $4  }
0x2e: {  	s17 =	sadd.s32 $0x6AA00, s17;
	[sflag:s8] =	ssyncadd.s32 $0xFFFFE000  }
0x2f: {  	[hbm4b:s17+s3] =	stream.linear.scatter [tilespmem:s7], [sflag:$0x2], $0x2000, $0x38;
	[tilespmem:$0x2400] =	vst v63  }
0x30: {  	_ =	swait.ge [sflag:s4], $0x2000  }
0x31: {  	s18 =	sadd.s32 $0xFFFFFFFF, s18;
	[sflag:s4] =	ssyncset.done $0x0  }
.LBB2_1:
0x32: {  	p0 =	sne.s32 s18, $0x1;
	s18 =	sadd.s32 $0xFFFFFFFF, s18;
	[sflag:s4] =	ssyncadd.s32 $0xFFFFE000  }
0x33: {  	[tilespmem:s3], [sflag:$0x2] =	stream.linear.gather [hbm4b:s5+s3], $0x280, $0x38;
	[tilespmem:$0x2400] =	vst v63  }
0x34: {  	_ =	swait.ge [sflag:s4], $0x280  }
0x35: {  	[sflag:s4] =	ssyncset.done $0x0  }
0x36: {  	[sflag:s4] =	ssyncadd.s32 $0xFFFFFD80  }
0x37: {  	[tilespmem:s7], [sflag:$0x1] =	stream.indirect.gather [hbm4b:s2+s6], $0x80, s3, s6, $0xb8;
	[tilespmem:$0x2400] =	vst v63  }
0x38: {  	_ =	swait.ge [sflag:s8], $0x2000  }
0x39: {  	[sflag:s8] =	ssyncset.done $0x0  }
0x3a: {  	[sflag:s8] =	ssyncadd.s32 $0xFFFFE000  }
0x3b: {  	[hbm4b:s9+s3] =	stream.linear.scatter [tilespmem:s7], [sflag:$0x2], $0x2000, $0x38;
	[tilespmem:$0x2400] =	vst v63  }
0x3c: {  	_ =	swait.ge [sflag:s4], $0x2000  }
0x3d: {  	[sflag:s4] =	ssyncset.done $0x0  }
0x3e: {  	[sflag:s4] =	ssyncadd.s32 $0xFFFFE000  }
0x3f: {  	[tilespmem:s7], [sflag:$0x1] =	stream.indirect.gather [hbm4b:s2+s6], $0x80, s10, s6, $0xb8;
	[tilespmem:$0x2400] =	vst v63  }
0x40: {  	_ =	swait.ge [sflag:s8], $0x2000  }
0x41: {  	[sflag:s8] =	ssyncset.done $0x0  }
0x42: {  	[sflag:s8] =	ssyncadd.s32 $0xFFFFE000  }
0x43: {  	[hbm4b:s11+s3] =	stream.linear.scatter [tilespmem:s7], [sflag:$0x2], $0x2000, $0x38;
	[tilespmem:$0x2400] =	vst v63  }
0x44: {  	_ =	swait.ge [sflag:s4], $0x2000  }
0x45: {  	[sflag:s4] =	ssyncset.done $0x0  }
0x46: {  	[sflag:s4] =	ssyncadd.s32 $0xFFFFE000  }
0x47: {  	[tilespmem:s7], [sflag:$0x1] =	stream.indirect.gather [hbm4b:s2+s6], $0x80, s12, s6, $0xb8;
	[tilespmem:$0x2400] =	vst v63  }
0x48: {  	_ =	swait.ge [sflag:s8], $0x2000  }
0x49: {  	[sflag:s8] =	ssyncset.done $0x0  }
0x4a: {  	[sflag:s8] =	ssyncadd.s32 $0xFFFFE000  }
0x4b: {  	[hbm4b:s13+s3] =	stream.linear.scatter [tilespmem:s7], [sflag:$0x2], $0x2000, $0x38;
	[tilespmem:$0x2400] =	vst v63  }
0x4c: {  	_ =	swait.ge [sflag:s4], $0x2000  }
0x4d: {  	[sflag:s4] =	ssyncset.done $0x0  }
0x4e: {  	[sflag:s4] =	ssyncadd.s32 $0xFFFFE000  }
0x4f: {  	[tilespmem:s7], [sflag:$0x1] =	stream.indirect.gather [hbm4b:s2+s6], $0x80, s14, s6, $0xb8;
	[tilespmem:$0x2400] =	vst v63  }
0x50: {  	_ =	swait.ge [sflag:s8], $0x2000  }
0x51: {  	[sflag:s8] =	ssyncset.done $0x0  }
0x52: {  	[sflag:s8] =	ssyncadd.s32 $0xFFFFE000  }
0x53: {  	[hbm4b:s15+s3] =	stream.linear.scatter [tilespmem:s7], [sflag:$0x2], $0x2000, $0x38;
	[tilespmem:$0x2400] =	vst v63  }
0x54: {  	_ =	swait.ge [sflag:s4], $0x2000  }
0x55: {  	[sflag:s4] =	ssyncset.done $0x0  }
0x56: {  	[sflag:s4] =	ssyncadd.s32 $0xFFFFE000  }
0x57: {  	[tilespmem:s7], [sflag:$0x1] =	stream.indirect.gather [hbm4b:s2+s6], $0x80, s16, s6, $0xb8;
	[tilespmem:$0x2400] =	vst v63  }
0x58: {  	_ =	swait.ge [sflag:s8], $0x2000  }
.Ltmp1:
0x59: {  	[sflag:s8] =	ssyncset.done $0x0;
	(pc) =	sbr.rel @p0 .LBB2_1-.Ltmp1, $4  }
0x5a: {  	[sflag:s8] =	ssyncadd.s32 $0xFFFFE000  }
0x5b: {  	[hbm4b:s17+s3] =	stream.linear.scatter [tilespmem:s7], [sflag:$0x2], $0x2000, $0x38;
	[tilespmem:$0x2400] =	vst v63  }
0x5c: {  	_ =	swait.ge [sflag:s4], $0x2000  }
0x5d: {  	[sflag:s4] =	ssyncset.done $0x0  }
.LBB2_2:
0x5e: {  	[sflag:s4] =	ssyncadd.s32 $0xFFFFE000  }
0x5f: {  	_ =	sfence.sel $0x180000  }
0x60: {  	[bflag:$0x0] =	sbarrier.arrive $0xFFFF  }
0x61: {  	p0 =	sne.s32 s0, $0x0;
	_ =	strace $0x9000004A  }
0x62: {  	s0 =	sadd.s32 @!p0 $0x100000, s1;
	[bflag:$0x2] =	sbarrier.arrive $0xFFFF  }
0x63: {  	[sflag:s0] =	ssyncadd.tile.s32 @!p0 $0x1;
	_ =	shalt  }
.Lfunc_end2:
_tile_overlayer_lowered:
.L_overlay_start_2:
0x64: {  	(tag) =	ssettag $0x2  }
0x65: {  	s0 =	rddreg [dreg:$0x0];
	s2 =	stileid.u32  }
0x66: {  	s1 =	rddreg [dreg:$0x1];
	p0 =	sne.s32 s2, $0x0  }
0x67: {  	s3 =	rddreg [dreg:$0x2];
	[bflag:$0x3] =	sbarrier.arrive $0xFFFF;
	s2 =	simm.s32 @!p0 $0x1C02  }
0x68: {  	[timem:s3], [sflag:s2] =	dma.local @!p0 [hbm:s0], s1  }
0x69: {  	s0 =	simm.s32 @!p0 $0x2  }
0x6a: {  	_ =	swait.ge @!p0 [sflag:s0], s1  }
0x6b: {  	s1 =	ssub.s32 @!p0 $0x0, s1;
	[sflag:s0] =	ssyncset.done @!p0 $0x0  }
0x6c: {  	[sflag:s0] =	ssyncadd.s32 @!p0 s1  }
0x6d: {  	[bflag:$0x3] =	sbarrier.arrive $0xFFFF  }
0x6e: {  	_ =	shalt  }

// kernel: kernel.21.cloned.1.call-start
scs
__scs_entry_jumppad:
0x0: {  	(pc) =	sbr.rel $0x88, $3  }
0x1: {  	(tag) =	ssettag $0x0;
	lr =	simm.s32 $0x1  }
0x2: {  	[smem:$0x3F96] =	sst lr;
	_ =	strace $0xD0000000  }
0x3: {  	_ = 	snop  }
0x4: {  	_ = 	snop  }
0x5: {  	_ = 	snop  }
0x6: {  	_ = 	snop  }
0x7: {  	_ = 	snop  }
__scs_overlays_trampoline_lowered:
0x8: {  	[smem:$0x3FA5] =	sst s0  }
0x9: {  	[smem:$0x3FA6] =	sst s1  }
0xa: {  	[smem:$0x3FA7] =	sst s2  }
0xb: {  	[smem:$0x3FA8] =	sst s3  }
0xc: {  	[smem:$0x3FA9] =	sst s4  }
0xd: {  	[smem:$0x3FAA] =	sst s5  }
0xe: {  	[smem:$0x3FAB] =	sst s6  }
0xf: {  	[smem:$0x3FAC] =	sst s7  }
0x10: {  	[smem:$0x3FAD] =	sst s8  }
0x11: {  	[smem:$0x3FAE] =	sst s9;
	s0 =	simm.s32 @!p0 $0x0  }
0x12: {  	s1 =	sld [smem:$0x3F94];
	s0 =	simm.s32 @p0 $0x1  }
0x13: {  	[smem:$0x3FAF] =	sst s0;
	s0 =	simm.s32 @!p1 $0x0  }
0x14: {  	s2 =	sld [smem:$0x3F93];
	s0 =	simm.s32 @p1 $0x1  }
0x15: {  	[smem:$0x3FB0] =	sst s0;
	s0 =	simm.s32 @!p2 $0x0  }
0x16: {  	s3 =	sld [smem:$0x3FDB];
	s0 =	simm.s32 @p2 $0x1  }
0x17: {  	s4 =	simm.s32 $0x1BF5;
	[smem:$0x3FB2] =	sst s0  }
0x18: {  	s0 =	sld [smem:$0x3F95];
	_ =	swait.ge [sflag:s4], $0x0  }
0x19: {  	s7 =	sld [smem:$0x3F96]  }
0x1a: {  	s8 =	sadd.s32 $0xFFFFE003, lr  }
0x1b: {  	s9 =	sadd.s32 $0xFFFFFEF7, lr;
	s5 =	simm.s32 $0xFFFFFFFF;
	p2 =	slt.u32 s8, $0xFFFFF086  }
0x1c: {  	p1 =	slt.u32 s9, $0xF7A;
	s5 =	simm.s32 @!p2 $0x0  }
0x1d: {  	s5 =	simm.s32 @p1 $0x1;
	p0 =	seq.s32 s7, s2  }
0x1e: {  	s7 =	smul.u32 @!p0 $0xF7A, s2;
	p2 =	seq.s32 @!p0 s5, $0x0  }
0x1f: {  	s9 =	smul.u32 $0xF7A, s1;
	s8 =	simm.s32 @!p0 $0x1BF5;
	p2 =	por !p2, p0  }
0x20: {  	[sflag:s8] =	ssyncset.s32 @!p0 $0xFFFFF086;
	s6 =	sadd.s32 @!p0 s3, s7;
	s7 =	simm.s32 @!p0 $0x108  }
0x21: {  	s3 =	sadd.s32 s3, s9;
	s6 =	sadd.s32 @!p0 $0x88, s6;
	s7 =	simm.s32 @p2 $0x1082  }
0x22: {  	[simem:s7], [sflag:s8] =	dma.local @!p0 [hbm:s6], $0xF7A  }
0x23: {  	s9 =	sor.u32 $0xD0000000, s2;
	s6 =	simm.s32 $0x108;
	_ =	swait.ge @!p0 [sflag:s8], $0x0  }
0x24: {  	s3 =	sadd.s32 $0x88, s3;
	s6 =	simm.s32 @!p1 $0x1082;
	[sflag:s4] =	ssyncset.s32 $0xFFFFF086  }
0x25: {  	[simem:s6], [sflag:s4] =	dma.local [hbm:s3], $0xF7A  }
0x26: {  	[smem:$0x3F96] =	sst s1;
	(tag) =	ssettag s2;
	_ =	strace s9  }
0x27: {  	s1 =	sld [smem:$0x3FA6]  }
0x28: {  	s2 =	sld [smem:$0x3FA7]  }
0x29: {  	s4 =	sld [smem:$0x3FA9]  }
0x2a: {  	p0 =	seq.s32 s5, $0x0;
	s5 =	sld [smem:$0x3FAA]  }
0x2b: {  	s6 =	sld [smem:$0x3FAB]  }
0x2c: {  	s7 =	sld [smem:$0x3FAC]  }
0x2d: {  	s3 =	simm.s32 $0x108;
	s8 =	sld [smem:$0x3FAD]  }
0x2e: {  	s3 =	simm.s32 @!p0 $0x1082;
	s9 =	sld [smem:$0x3FAE]  }
0x2f: {  	lr =	sadd.s32 s0, s3;
	s0 =	sld [smem:$0x3FA5]  }
0x30: {  	s3 =	sld [smem:$0x3FA8]  }
0x31: {  	[smem:$0x3FB1] =	sst s10  }
0x32: {  	s10 =	sld [smem:$0x3FAF];
	_ =	sdelay $0x3  }
0x33: {  	p0 =	seq.s32 s10, $0x1;
	s10 =	sld [smem:$0x3FB1];
	_ =	sdelay $0x3  }
0x34: {  	[smem:$0x3FB1] =	sst s10  }
0x35: {  	s10 =	sld [smem:$0x3FB0];
	_ =	sdelay $0x3  }
0x36: {  	p1 =	seq.s32 s10, $0x1;
	s10 =	sld [smem:$0x3FB1];
	_ =	sdelay $0x3  }
0x37: {  	[smem:$0x3FB1] =	sst s10  }
0x38: {  	s10 =	sld [smem:$0x3FB2]  }
0x39: {  	_ = 	snop;
	(pc) =	sbr.ind lr, $3  }
0x3a: {  	_ = 	snop  }
0x3b: {  	_ = 	snop  }
0x3c: {  	p2 =	seq.s32 s10, $0x1;
	s10 =	sld [smem:$0x3FB1]  }
0x3d: {  	_ =	shalt  }
0x3e: {  	_ =	shalt  }
0x3f: {  	_ =	shalt  }
0x40: {  	_ =	shalt  }
0x41: {  	_ =	shalt  }
0x42: {  	_ =	shalt  }
0x43: {  	_ =	shalt  }
0x44: {  	_ =	shalt  }
0x45: {  	_ =	shalt  }
0x46: {  	_ =	shalt  }
0x47: {  	_ =	shalt  }
0x48: {  	_ =	shalt  }
0x49: {  	_ =	shalt  }
0x4a: {  	_ =	shalt  }
0x4b: {  	_ =	shalt  }
0x4c: {  	_ =	shalt  }
0x4d: {  	_ =	shalt  }
0x4e: {  	_ =	shalt  }
0x4f: {  	_ =	shalt  }
0x50: {  	_ =	shalt  }
0x51: {  	_ =	shalt  }
0x52: {  	_ =	shalt  }
0x53: {  	_ =	shalt  }
0x54: {  	_ =	shalt  }
0x55: {  	_ =	shalt  }
0x56: {  	_ =	shalt  }
0x57: {  	_ =	shalt  }
0x58: {  	_ =	shalt  }
0x59: {  	_ =	shalt  }
0x5a: {  	_ =	shalt  }
0x5b: {  	_ =	shalt  }
0x5c: {  	_ =	shalt  }
0x5d: {  	_ =	shalt  }
0x5e: {  	_ =	shalt  }
0x5f: {  	_ =	shalt  }
0x60: {  	_ =	shalt  }
0x61: {  	_ =	shalt  }
0x62: {  	_ =	shalt  }
0x63: {  	_ =	shalt  }
0x64: {  	_ =	shalt  }
0x65: {  	_ =	shalt  }
0x66: {  	_ =	shalt  }
0x67: {  	_ =	shalt  }
0x68: {  	_ =	shalt  }
0x69: {  	_ =	shalt  }
0x6a: {  	_ =	shalt  }
0x6b: {  	_ =	shalt  }
0x6c: {  	_ =	shalt  }
0x6d: {  	_ =	shalt  }
0x6e: {  	_ =	shalt  }
0x6f: {  	_ =	shalt  }
0x70: {  	_ =	shalt  }
0x71: {  	_ =	shalt  }
0x72: {  	_ =	shalt  }
0x73: {  	_ =	shalt  }
0x74: {  	_ =	shalt  }
0x75: {  	_ =	shalt  }
0x76: {  	_ =	shalt  }
0x77: {  	_ =	shalt  }
0x78: {  	_ =	shalt  }
0x79: {  	_ =	shalt  }
0x7a: {  	_ =	shalt  }
0x7b: {  	_ =	shalt  }
0x7c: {  	_ =	shalt  }
0x7d: {  	_ =	shalt  }
0x7e: {  	_ =	shalt  }
0x7f: {  	_ =	shalt  }
0x80: {  	_ =	shalt  }
0x81: {  	_ =	shalt  }
0x82: {  	_ =	shalt  }
0x83: {  	_ =	shalt  }
0x84: {  	_ =	shalt  }
0x85: {  	_ =	shalt  }
0x86: {  	_ =	shalt  }
0x87: {  	_ =	shalt  }
.Lfunc_end0:
.L_simem_size_0:
called_computation.2_lowered:
.L_overlay_start_0:
0x88: {  	s2 =	sld [smem:$0x3FD9]  }
0x89: {  	s3 =	sld [smem:$0x3FFE];
	_ =	sdelay $0x1  }
0x8a: {  	s1 =	srdreg.scid  }
0x8b: {  	s0 =	sand.u32 $0x1, s1  }
0x8c: {  	s16 =	sshll.u32 s0, $0xA;
	s2 =	sadd.s32 s3, s2  }
0x8d: {  	s2 =	sadd.s32 s2, s16  }
0x8e: {  	[smem:$0x3FBD] =	sst s2  }
0x8f: {  	_ = 	snop  }
0x90: {  	(tm) =	ssettm $0x1  }
0x91: {  	s17 =	sld [smem:$0x3FFB];
	_ =	sdelay $0x3  }
0x92: {  	_ =	strace s17  }
0x93: {  	s2 =	sld [smem:$0x3FFC];
	_ =	sdelay $0x3  }
0x94: {  	_ =	strace s2  }
0x95: {  	s2 =	sld [smem:$0x3FFD];
	_ =	sdelay $0x3  }
0x96: {  	_ =	strace s2  }
0x97: {  	_ =	strace $0x8FFFFFFF  }
0x98: {  	s18 =	sld [smem:$0x3FDB];
	_ =	sdelay $0x1  }
0x99: {  	s19 =	simm.s32 $_scs_section_size  }
0x9a: {  	s4 =	simm.s32 $_size__tile_overlayer_lowered;
	s5 =	simm.s32 $_tile_overlayer_lowered  }
0x9b: {  	s22 =	simm.s32 $0x1BFF;
	s21 =	sshll.u32 s5, $0x1;
	s2 =	sadd.s32 s19, s18  }
0x9c: {  	s6 =	simm.s32 $0x0;
	s20 =	sshll.u32 s4, $0x1;
	s4 =	sadd.s32 s21, s2  }
0x9d: {  	[timem:s6], [sflag:s22] =	dma.local [hbm:s4], s20  }
0x9e: {  	_ =	swait.ge [sflag:s22], s20  }
0x9f: {  	s3 =	ssub.s32 $0x0, s20;
	[sflag:s22] =	ssyncset.done $0x0  }
0xa0: {  	[sflag:s22] =	ssyncadd.s32 s3;
	_ =	sdelay $0x1  }
0xa1: {  	s23 =	simm.s32 $0x1B8B  }
0xa2: {  	_ =	swait.ge [sflag:s23], $0x1  }
0xa3: {  	[sflag:s23] =	ssyncset.done $0x0  }
0xa4: {  	s25 =	simm.s32 $0x1B8E;
	s24 =	sld [smem:$0x3FFE];
	[sflag:s23] =	ssyncadd.s32 $0xFFFFFFFF  }
0xa5: {  	s26 =	simm.s32 $execute0_lowered;
	[smem:$0x3FD2] =	sst s25  }
0xa6: {  	s4 =	sshll.u32 s26, $0x1;
	_ =	strace $0x8000004C;
	[dreg:$0x1] =	wrdreg $0xFFFFFFFF  }
0xa7: {  	s28 =	simm.s32 $_size_execute0_lowered;
	s2 =	sadd.s32 s2, s4;
	[dreg:$0x0] =	wrdreg $0x0  }
0xa8: {  	s4 =	sshll.u32 s28, $0x1;
	[dreg:$0x2] =	wrdreg s2  }
0xa9: {  	[dreg:$0x3] =	wrdreg s4  }
0xaa: {  	[dreg:$0x4] =	wrdreg $0xC0  }
0xab: {  	_ =	task [dreg:s6], $0x5FFFF  }
0xac: {  	[dreg:$0x1] =	wrdreg $0xFFFFFFFF  }
0xad: {  	[dreg:$0x0] =	wrdreg $0x60  }
0xae: {  	[dreg:$0x2] =	wrdreg s24  }
0xaf: {  	[dreg:$0x3] =	wrdreg $0xA8000  }
0xb0: {  	[dreg:$0x4] =	wrdreg $0x9  }
0xb1: {  	_ =	task.clear_ibuf [dreg:s6], $0x5FFFF;
	_ =	strace $0x9000004C  }
0xb2: {  	s29 =	simm.s32 $0x9;
	_ =	strace $0x8000004E  }
0xb3: {  	_ =	swait.ge [sflag:s29], $0x1  }
0xb4: {  	[sflag:s29] =	ssyncadd.s32 $0xFFFFFFFF  }
0xb5: {  	_ =	strace $0x9000004E  }
0xb6: {  	_ =	sfence  }
0xb7: {  	s30 =	sld [smem:$0x0];
	_ =	sdelay $0x2  }
0xb8: {  	s31 =	sshll.u32 s1, $0xD;
	s1 =	sshrl.u32 s1, $0x2  }
0xb9: {  	s3 =	sand.u32 $0x4000, s31;
	s1 =	sadd.s32 s1, s30  }
0xba: {  	s0 =	sor.u32 s3, s0;
	s1 =	sshll.u32 s1, $0x11  }
0xbb: {  	s0 =	sor.u32 s1, s0  }
0xbc: {  	s0 =	sadd.s32 $0x8F2B, s0  }
0xbd: {  	[sflag:s0] =	ssyncadd.remote.s32 $0x1  }
0xbe: {  	_ =	sfence.sel $0xFFFF  }
0xbf: {  	[dreg:$0x0] =	wrdreg $0xFFFFFFFF;
	(pc) =	sbr.abs _section_cstart, $3  }
0xc0: {  	[dreg:$0x1] =	wrdreg $0xFFFFFFFF  }
0xc1: {  	_ =	task.clear_ibuf [dreg:s6], $0x2FFFF;
	_ =	strace $0x9FFFFFFF  }
0xc2: {  	(tm) =	ssettm $0x7FFFFFFF  }
0xc3: {  	_ =	shalt  }
tec
execute0_lowered:
.L_overlay_start_1:
0x0: {  	(tag) =	ssettag $0x1  }
0x1: {  	s5 =	rddreg [dreg:$0x0]  }
0x2: {  	s2 =	rddreg [dreg:$0x1]  }
0x3: {  	s0 =	rddreg [dreg:$0x2]  }
0x4: {  	s1 =	stileid.u32;
	s4 =	srdreg.scid;
	s3 =	simm.s32 $0x0  }
0x5: {  	s15 =	simm.s32 $0x1400;
	s16 =	simm.s32 $0x80;
	s17 =	simm.s32 $0x2800  }
0x6: {  	s18 =	simm.s32 $0x1;
	s19 =	simm.s32 $0x6800;
	s20 =	simm.s32 $0x2  }
0x7: {  	s21 =	simm.s32 $0x1380;
	s22 =	simm.s32 $0x2700;
	s23 =	simm.s32 $0x2780  }
0x8: {  	s6 =	smul.u32 $0x14000, s1;
	s7 =	sand.u32 $0x1, s4;
	[smem:$0x7FF] =	sst s3  }
0x9: {  	s4 =	sadd.s32 $0x18000, s5;
	s11 =	sadd.s32 $0x4000, s5;
	s12 =	sadd.s32 $0xE000, s5  }
0xa: {  	s10 =	sshll.u32 s1, $0x1;
	s13 =	smul.u32 $0x50000, s1;
	s30 =	sshll.u32 s1, $0x6  }
0xb: {  	s8 =	smul.u32 $0x140000, s7;
	_ =	strace $0x8000004D;
	s25 =	ssub.s32 $0x2, s7  }
0xc: {  	s28 =	sor.u32 s7, s10;
	s9 =	sshrl.u32 s6, $0x3;
	s26 =	sshrl.u32 s25, $0x1  }
0xd: {  	s29 =	sshrl.u32 s13, $0x2;
	s10 =	smul.u32 $0x2800, s28;
	s6 =	sadd.s32 s6, s8  }
0xe: {  	s24 =	sadd.s32 s9, s5;
	s9 =	ssub.s32 s25, s26;
	s13 =	sadd.s32 s29, s2  }
0xf: {  	s6 =	sshrl.u32 s6, $0x3;
	s10 =	sshrl.u32 s10, $0x3;
	s8 =	smax.u32 s9, $0x1  }
0x10: {  	s13 =	sshrl.u32 s13, $0x3;
	s14 =	sadd.s32 s6, s5;
	s5 =	sadd.s32 $0x40000, s24  }
0x11: {  	s6 =	sor.u32 $0x1C03, s30;
	s9 =	sadd.s32 s11, s10;
	s31 =	sadd.s32 $0x280, s10  }
0x12: {  	s10 =	sadd.s32 s12, s10;
	s24 =	simm.s32 $0x0;
	s7 =	sadd.s32 $0x68000, s14  }
0x13: {  	s11 =	sadd.s32 s11, s31;
	s12 =	sadd.s32 s12, s31;
	s14 =	simm.s32 $0x3  }
.LBB2_1:
0x14: {  	[spmem:s13], [sflag:s6] =	dma.local [hbm:s5], $0x2800  }
0x15: {  	_ =	swait.ge [sflag:s14], $0x2800  }
0x16: {  	[sflag:s14] =	ssyncset.done $0x0  }
0x17: {  	[sflag:s14] =	ssyncadd.s32 $0xFFFFD800  }
0x18: {  	[bflag:$0x0] =	sbarrier.arrive $0xFFFF  }
0x19: {  	[tilespmem:s3], [sflag:$0x3] =	stream.linear.gather [hbm4b:s9+s3], $0x1400, $0x38;
	[tilespmem:$0x1E800] =	vst v63  }
0x1a: {  	_ =	swait.ge [sflag:s14], $0x1400  }
0x1b: {  	[sflag:s14] =	ssyncset.done $0x0  }
0x1c: {  	[sflag:s14] =	ssyncadd.s32 $0xFFFFEC00  }
0x1d: {  	[tilespmem:s15], [sflag:$0x3] =	stream.linear.gather [hbm4b:s10+s3], $0x1400, $0x38;
	[tilespmem:$0x1E800] =	vst v63  }
0x1e: {  	_ =	swait.ge [sflag:s14], $0x1400  }
0x1f: {  	[sflag:s14] =	ssyncset.done $0x0  }
0x20: {  	[sflag:s14] =	ssyncadd.s32 $0xFFFFEC00  }
0x21: {  	[tilespmem:s17], [sflag:$0x1] =	stream.indirect.gather [hbm4b:s4+s16], $0x80, s3, s16, $0xb8;
	[tilespmem:$0x1E800] =	vst v63  }
0x22: {  	_ =	swait.ge [sflag:s18], $0x4000  }
0x23: {  	[sflag:s18] =	ssyncset.done $0x0  }
0x24: {  	s25 =	simm.s32 $0x80;
	[sflag:s18] =	ssyncadd.s32 $0xFFFFC000  }
0x25: {  	[tilespmem:s19], [sflag:$0x2] =	stream.indirect.gather [hbm4b:s4+s16], $0x80, s25, s16, $0xb8;
	[tilespmem:$0x1E800] =	vst v63  }
0x26: {  	s29 =	simm.s32 $0x1400  }
0x27: {  	[spmem:s2] =	stream.indirect.scatter.add.f32 [tilespmem:s17], [sflag:$0x3], $0x80, s29, s16, $0xb8;
	[tilespmem:$0x1E800] =	vst v63  }
0x28: {  	_ =	swait.ge [sflag:s14], $0x4000  }
0x29: {  	[sflag:s14] =	ssyncset.done $0x0  }
0x2a: {  	[sflag:s14] =	ssyncadd.s32 $0xFFFFC000  }
0x2b: {  	_ =	swait.ge [sflag:s20], $0x4000  }
0x2c: {  	[sflag:s20] =	ssyncset.done $0x0  }
0x2d: {  	s30 =	simm.s32 $0x100;
	[sflag:s20] =	ssyncadd.s32 $0xFFFFC000  }
0x2e: {  	[tilespmem:s17], [sflag:$0x1] =	stream.indirect.gather [hbm4b:s4+s16], $0x80, s30, s16, $0xb8;
	[tilespmem:$0x1E800] =	vst v63  }
0x2f: {  	s31 =	simm.s32 $0x1480  }
0x30: {  	[spmem:s2] =	stream.indirect.scatter.add.f32 [tilespmem:s19], [sflag:$0x3], $0x80, s31, s16, $0xb8;
	[tilespmem:$0x1E800] =	vst v63  }
0x31: {  	_ =	swait.ge [sflag:s14], $0x4000  }
0x32: {  	s25 =	simm.s32 $0x400;
	[sflag:s14] =	ssyncset.done $0x0  }
.LBB2_2:
0x33: {  	p0 =	sne.s32 s25, $0x4800  }
0x34: {  	[sflag:s14] =	ssyncadd.s32 $0xFFFFC000;
	s26 =	smov.u32 s25;
	s25 =	sadd.s32 $0x400, s25  }
0x35: {  	_ = 	snop  }
0x36: {  	_ =	swait.ge [sflag:s18], $0x4000  }
0x37: {  	s26 =	sshra.s32 s26, $0x2;
	[sflag:s18] =	ssyncset.done $0x0  }
0x38: {  	s28 =	sadd.s32 $0x80, s26;
	[sflag:s18] =	ssyncadd.s32 $0xFFFFC000  }
0x39: {  	[tilespmem:s19], [sflag:$0x2] =	stream.indirect.gather [hbm4b:s4+s16], $0x80, s28, s16, $0xb8;
	[tilespmem:$0x1E800] =	vst v63  }
0x3a: {  	s28 =	sadd.s32 $0x1400, s26  }
0x3b: {  	[spmem:s2] =	stream.indirect.scatter.add.f32 [tilespmem:s17], [sflag:$0x3], $0x80, s28, s16, $0xb8;
	[tilespmem:$0x1E800] =	vst v63  }
0x3c: {  	_ =	swait.ge [sflag:s14], $0x4000  }
0x3d: {  	[sflag:s14] =	ssyncset.done $0x0  }
0x3e: {  	[sflag:s14] =	ssyncadd.s32 $0xFFFFC000  }
0x3f: {  	_ =	swait.ge [sflag:s20], $0x4000  }
0x40: {  	[sflag:s20] =	ssyncset.done $0x0  }
0x41: {  	s28 =	sadd.s32 $0x100, s26;
	[sflag:s20] =	ssyncadd.s32 $0xFFFFC000  }
0x42: {  	[tilespmem:s17], [sflag:$0x1] =	stream.indirect.gather [hbm4b:s4+s16], $0x80, s28, s16, $0xb8;
	[tilespmem:$0x1E800] =	vst v63  }
.Ltmp0:
0x43: {  	_ = 	snop;
	(pc) =	sbr.rel @p0 .LBB2_2-.Ltmp0, $4  }
0x44: {  	s26 =	sadd.s32 $0x1480, s26  }
0x45: {  	[spmem:s2] =	stream.indirect.scatter.add.f32 [tilespmem:s19], [sflag:$0x3], $0x80, s26, s16, $0xb8;
	[tilespmem:$0x1E800] =	vst v63  }
0x46: {  	_ =	swait.ge [sflag:s14], $0x4000  }
0x47: {  	[sflag:s14] =	ssyncset.done $0x0  }
0x48: {  	[sflag:s14] =	ssyncadd.s32 $0xFFFFC000  }
0x49: {  	_ =	swait.ge [sflag:s18], $0x4000  }
0x4a: {  	[sflag:s18] =	ssyncset.done $0x0  }
0x4b: {  	[sflag:s18] =	ssyncadd.s32 $0xFFFFC000  }
0x4c: {  	[tilespmem:s19], [sflag:$0x2] =	stream.indirect.gather [hbm4b:s4+s16], $0x80, s21, s16, $0xb8;
	[tilespmem:$0x1E800] =	vst v63  }
0x4d: {  	_ = 	snop  }
0x4e: {  	[spmem:s2] =	stream.indirect.scatter.add.f32 [tilespmem:s17], [sflag:$0x3], $0x80, s22, s16, $0xb8;
	[tilespmem:$0x1E800] =	vst v63  }
0x4f: {  	_ =	swait.ge [sflag:s14], $0x4000  }
0x50: {  	[sflag:s14] =	ssyncset.done $0x0  }
0x51: {  	[sflag:s14] =	ssyncadd.s32 $0xFFFFC000  }
0x52: {  	_ =	swait.ge [sflag:s20], $0x4000  }
0x53: {  	[sflag:s20] =	ssyncset.done $0x0  }
0x54: {  	[sflag:s20] =	ssyncadd.s32 $0xFFFFC000  }
0x55: {  	[spmem:s2] =	stream.indirect.scatter.add.f32 [tilespmem:s19], [sflag:$0x3], $0x80, s23, s16, $0xb8;
	[tilespmem:$0x1E800] =	vst v63  }
0x56: {  	_ =	swait.ge [sflag:s14], $0x4000  }
0x57: {  	[sflag:s14] =	ssyncset.done $0x0  }
0x58: {  	s25 =	simm.s32 $0x0;
	[sflag:s14] =	ssyncadd.s32 $0xFFFFC000  }
0x59: {  	[tilespmem:s25], [sflag:$0x3] =	stream.linear.gather [hbm4b:s11+s25], $0x1400, $0x38;
	[tilespmem:$0x1E800] =	vst v63  }
0x5a: {  	_ =	swait.ge [sflag:s14], $0x1400  }
0x5b: {  	[sflag:s14] =	ssyncset.done $0x0  }
0x5c: {  	[sflag:s14] =	ssyncadd.s32 $0xFFFFEC00  }
0x5d: {  	[tilespmem:s15], [sflag:$0x3] =	stream.linear.gather [hbm4b:s12+s25], $0x1400, $0x38;
	[tilespmem:$0x1E800] =	vst v63  }
0x5e: {  	_ =	swait.ge [sflag:s14], $0x1400  }
0x5f: {  	[sflag:s14] =	ssyncset.done $0x0  }
0x60: {  	[sflag:s14] =	ssyncadd.s32 $0xFFFFEC00  }
0x61: {  	[tilespmem:s17], [sflag:$0x1] =	stream.indirect.gather [hbm4b:s4+s16], $0x80, s25, s16, $0xb8;
	[tilespmem:$0x1E800] =	vst v63  }
0x62: {  	_ =	swait.ge [sflag:s18], $0x4000  }
0x63: {  	[sflag:s18] =	ssyncset.done $0x0  }
0x64: {  	s28 =	simm.s32 $0x80;
	[sflag:s18] =	ssyncadd.s32 $0xFFFFC000  }
0x65: {  	[tilespmem:s19], [sflag:$0x2] =	stream.indirect.gather [hbm4b:s4+s16], $0x80, s28, s16, $0xb8;
	[tilespmem:$0x1E800] =	vst v63  }
0x66: {  	s29 =	simm.s32 $0x1400  }
0x67: {  	[spmem:s2] =	stream.indirect.scatter.add.f32 [tilespmem:s17], [sflag:$0x3], $0x80, s29, s16, $0xb8;
	[tilespmem:$0x1E800] =	vst v63  }
0x68: {  	_ =	swait.ge [sflag:s14], $0x4000  }
0x69: {  	[sflag:s14] =	ssyncset.done $0x0  }
0x6a: {  	[sflag:s14] =	ssyncadd.s32 $0xFFFFC000  }
0x6b: {  	_ =	swait.ge [sflag:s20], $0x4000  }
0x6c: {  	[sflag:s20] =	ssyncset.done $0x0  }
0x6d: {  	s30 =	simm.s32 $0x100;
	[sflag:s20] =	ssyncadd.s32 $0xFFFFC000  }
0x6e: {  	[tilespmem:s17], [sflag:$0x1] =	stream.indirect.gather [hbm4b:s4+s16], $0x80, s30, s16, $0xb8;
	[tilespmem:$0x1E800] =	vst v63  }
0x6f: {  	s31 =	simm.s32 $0x1480  }
0x70: {  	[spmem:s2] =	stream.indirect.scatter.add.f32 [tilespmem:s19], [sflag:$0x3], $0x80, s31, s16, $0xb8;
	[tilespmem:$0x1E800] =	vst v63  }
0x71: {  	_ =	swait.ge [sflag:s14], $0x4000  }
0x72: {  	s25 =	simm.s32 $0x400;
	[sflag:s14] =	ssyncset.done $0x0  }
.LBB2_4:
0x73: {  	p0 =	sne.s32 s25, $0x4800  }
0x74: {  	[sflag:s14] =	ssyncadd.s32 $0xFFFFC000;
	s26 =	smov.u32 s25;
	s25 =	sadd.s32 $0x400, s25  }
0x75: {  	_ = 	snop  }
0x76: {  	_ =	swait.ge [sflag:s18], $0x4000  }
0x77: {  	s26 =	sshra.s32 s26, $0x2;
	[sflag:s18] =	ssyncset.done $0x0  }
0x78: {  	s28 =	sadd.s32 $0x80, s26;
	[sflag:s18] =	ssyncadd.s32 $0xFFFFC000  }
0x79: {  	[tilespmem:s19], [sflag:$0x2] =	stream.indirect.gather [hbm4b:s4+s16], $0x80, s28, s16, $0xb8;
	[tilespmem:$0x1E800] =	vst v63  }
0x7a: {  	s28 =	sadd.s32 $0x1400, s26  }
0x7b: {  	[spmem:s2] =	stream.indirect.scatter.add.f32 [tilespmem:s17], [sflag:$0x3], $0x80, s28, s16, $0xb8;
	[tilespmem:$0x1E800] =	vst v63  }
0x7c: {  	_ =	swait.ge [sflag:s14], $0x4000  }
0x7d: {  	[sflag:s14] =	ssyncset.done $0x0  }
0x7e: {  	[sflag:s14] =	ssyncadd.s32 $0xFFFFC000  }
0x7f: {  	_ =	swait.ge [sflag:s20], $0x4000  }
0x80: {  	[sflag:s20] =	ssyncset.done $0x0  }
0x81: {  	s28 =	sadd.s32 $0x100, s26;
	[sflag:s20] =	ssyncadd.s32 $0xFFFFC000  }
0x82: {  	[tilespmem:s17], [sflag:$0x1] =	stream.indirect.gather [hbm4b:s4+s16], $0x80, s28, s16, $0xb8;
	[tilespmem:$0x1E800] =	vst v63  }
.Ltmp1:
0x83: {  	_ = 	snop;
	(pc) =	sbr.rel @p0 .LBB2_4-.Ltmp1, $4  }
0x84: {  	s26 =	sadd.s32 $0x1480, s26  }
0x85: {  	[spmem:s2] =	stream.indirect.scatter.add.f32 [tilespmem:s19], [sflag:$0x3], $0x80, s26, s16, $0xb8;
	[tilespmem:$0x1E800] =	vst v63  }
0x86: {  	_ =	swait.ge [sflag:s14], $0x4000  }
0x87: {  	[sflag:s14] =	ssyncset.done $0x0  }
0x88: {  	[sflag:s14] =	ssyncadd.s32 $0xFFFFC000  }
0x89: {  	_ =	swait.ge [sflag:s18], $0x4000  }
0x8a: {  	[sflag:s18] =	ssyncset.done $0x0  }
0x8b: {  	[sflag:s18] =	ssyncadd.s32 $0xFFFFC000  }
0x8c: {  	[tilespmem:s19], [sflag:$0x2] =	stream.indirect.gather [hbm4b:s4+s16], $0x80, s21, s16, $0xb8;
	[tilespmem:$0x1E800] =	vst v63  }
0x8d: {  	_ = 	snop  }
0x8e: {  	[spmem:s2] =	stream.indirect.scatter.add.f32 [tilespmem:s17], [sflag:$0x3], $0x80, s22, s16, $0xb8;
	[tilespmem:$0x1E800] =	vst v63  }
0x8f: {  	_ =	swait.ge [sflag:s14], $0x4000  }
0x90: {  	[sflag:s14] =	ssyncset.done $0x0  }
0x91: {  	[sflag:s14] =	ssyncadd.s32 $0xFFFFC000  }
0x92: {  	_ =	swait.ge [sflag:s20], $0x4000  }
0x93: {  	[sflag:s20] =	ssyncset.done $0x0  }
0x94: {  	[sflag:s20] =	ssyncadd.s32 $0xFFFFC000  }
0x95: {  	[spmem:s2] =	stream.indirect.scatter.add.f32 [tilespmem:s19], [sflag:$0x3], $0x80, s23, s16, $0xb8;
	[tilespmem:$0x1E800] =	vst v63  }
0x96: {  	_ =	swait.ge [sflag:s14], $0x4000  }
0x97: {  	s24 =	sadd.s32 $0x1, s24;
	[sflag:s14] =	ssyncset.done $0x0  }
0x98: {  	p0 =	sne.s32 s24, s8;
	[sflag:s14] =	ssyncadd.s32 $0xFFFFC000  }
.Ltmp2:
0x99: {  	[bflag:$0x0] =	sbarrier.arrive $0xFFFF;
	(pc) =	sbr.rel @p0 .LBB2_1-.Ltmp2, $4  }
0x9a: {  	[hbm:s7], [sflag:s6] =	dma.local [spmem:s13], $0x2800  }
0x9b: {  	_ =	swait.ge [sflag:s14], $0x2800  }
0x9c: {  	[sflag:s14] =	ssyncset.done $0x0  }
0x9d: {  	[sflag:s14] =	ssyncadd.s32 $0xFFFFD800  }
0x9e: {  	_ =	sfence.sel $0x180000  }
0x9f: {  	[bflag:$0x0] =	sbarrier.arrive $0xFFFF  }
0xa0: {  	p0 =	sne.s32 s1, $0x0;
	_ =	strace $0x9000004D  }
0xa1: {  	s0 =	sadd.s32 @!p0 $0x100000, s0;
	[bflag:$0x2] =	sbarrier.arrive $0xFFFF  }
0xa2: {  	[sflag:s0] =	ssyncadd.tile.s32 @!p0 $0x1;
	_ =	shalt  }
.Lfunc_end2:
_tile_overlayer_lowered:
.L_overlay_start_2:
0xa3: {  	(tag) =	ssettag $0x2  }
0xa4: {  	s0 =	rddreg [dreg:$0x0];
	s2 =	stileid.u32  }
0xa5: {  	s1 =	rddreg [dreg:$0x1];
	p0 =	sne.s32 s2, $0x0  }
0xa6: {  	s3 =	rddreg [dreg:$0x2];
	[bflag:$0x3] =	sbarrier.arrive $0xFFFF;
	s2 =	simm.s32 @!p0 $0x1C03  }
0xa7: {  	[timem:s3], [sflag:s2] =	dma.local @!p0 [hbm:s0], s1  }
0xa8: {  	s0 =	simm.s32 @!p0 $0x3  }
0xa9: {  	_ =	swait.ge @!p0 [sflag:s0], s1  }
0xaa: {  	s1 =	ssub.s32 @!p0 $0x0, s1;
	[sflag:s0] =	ssyncset.done @!p0 $0x0  }
0xab: {  	[sflag:s0] =	ssyncadd.s32 @!p0 s1  }
0xac: {  	[bflag:$0x3] =	sbarrier.arrive $0xFFFF  }
0xad: {  	_ =	shalt  }

// kernel: kernel.24.cloned.1.call-start
scs
__scs_entry_jumppad:
0x0: {  	(pc) =	sbr.rel $0x88, $3  }
0x1: {  	(tag) =	ssettag $0x0;
	lr =	simm.s32 $0x1  }
0x2: {  	[smem:$0x3F96] =	sst lr;
	_ =	strace $0xD0000000  }
0x3: {  	_ = 	snop  }
0x4: {  	_ = 	snop  }
0x5: {  	_ = 	snop  }
0x6: {  	_ = 	snop  }
0x7: {  	_ = 	snop  }
__scs_overlays_trampoline_lowered:
0x8: {  	[smem:$0x3FA5] =	sst s0  }
0x9: {  	[smem:$0x3FA6] =	sst s1  }
0xa: {  	[smem:$0x3FA7] =	sst s2  }
0xb: {  	[smem:$0x3FA8] =	sst s3  }
0xc: {  	[smem:$0x3FA9] =	sst s4  }
0xd: {  	[smem:$0x3FAA] =	sst s5  }
0xe: {  	[smem:$0x3FAB] =	sst s6  }
0xf: {  	[smem:$0x3FAC] =	sst s7  }
0x10: {  	[smem:$0x3FAD] =	sst s8  }
0x11: {  	[smem:$0x3FAE] =	sst s9;
	s0 =	simm.s32 @!p0 $0x0  }
0x12: {  	s1 =	sld [smem:$0x3F94];
	s0 =	simm.s32 @p0 $0x1  }
0x13: {  	[smem:$0x3FAF] =	sst s0;
	s0 =	simm.s32 @!p1 $0x0  }
0x14: {  	s2 =	sld [smem:$0x3F93];
	s0 =	simm.s32 @p1 $0x1  }
0x15: {  	[smem:$0x3FB0] =	sst s0;
	s0 =	simm.s32 @!p2 $0x0  }
0x16: {  	s3 =	sld [smem:$0x3FDB];
	s0 =	simm.s32 @p2 $0x1  }
0x17: {  	s4 =	simm.s32 $0x1BF5;
	[smem:$0x3FB2] =	sst s0  }
0x18: {  	s0 =	sld [smem:$0x3F95];
	_ =	swait.ge [sflag:s4], $0x0  }
0x19: {  	s7 =	sld [smem:$0x3F96]  }
0x1a: {  	s8 =	sadd.s32 $0xFFFFE003, lr  }
0x1b: {  	s9 =	sadd.s32 $0xFFFFFEF7, lr;
	s5 =	simm.s32 $0xFFFFFFFF;
	p2 =	slt.u32 s8, $0xFFFFF086  }
0x1c: {  	p1 =	slt.u32 s9, $0xF7A;
	s5 =	simm.s32 @!p2 $0x0  }
0x1d: {  	s5 =	simm.s32 @p1 $0x1;
	p0 =	seq.s32 s7, s2  }
0x1e: {  	s7 =	smul.u32 @!p0 $0xF7A, s2;
	p2 =	seq.s32 @!p0 s5, $0x0  }
0x1f: {  	s9 =	smul.u32 $0xF7A, s1;
	s8 =	simm.s32 @!p0 $0x1BF5;
	p2 =	por !p2, p0  }
0x20: {  	[sflag:s8] =	ssyncset.s32 @!p0 $0xFFFFF086;
	s6 =	sadd.s32 @!p0 s3, s7;
	s7 =	simm.s32 @!p0 $0x108  }
0x21: {  	s3 =	sadd.s32 s3, s9;
	s6 =	sadd.s32 @!p0 $0x88, s6;
	s7 =	simm.s32 @p2 $0x1082  }
0x22: {  	[simem:s7], [sflag:s8] =	dma.local @!p0 [hbm:s6], $0xF7A  }
0x23: {  	s9 =	sor.u32 $0xD0000000, s2;
	s6 =	simm.s32 $0x108;
	_ =	swait.ge @!p0 [sflag:s8], $0x0  }
0x24: {  	s3 =	sadd.s32 $0x88, s3;
	s6 =	simm.s32 @!p1 $0x1082;
	[sflag:s4] =	ssyncset.s32 $0xFFFFF086  }
0x25: {  	[simem:s6], [sflag:s4] =	dma.local [hbm:s3], $0xF7A  }
0x26: {  	[smem:$0x3F96] =	sst s1;
	(tag) =	ssettag s2;
	_ =	strace s9  }
0x27: {  	s1 =	sld [smem:$0x3FA6]  }
0x28: {  	s2 =	sld [smem:$0x3FA7]  }
0x29: {  	s4 =	sld [smem:$0x3FA9]  }
0x2a: {  	p0 =	seq.s32 s5, $0x0;
	s5 =	sld [smem:$0x3FAA]  }
0x2b: {  	s6 =	sld [smem:$0x3FAB]  }
0x2c: {  	s7 =	sld [smem:$0x3FAC]  }
0x2d: {  	s3 =	simm.s32 $0x108;
	s8 =	sld [smem:$0x3FAD]  }
0x2e: {  	s3 =	simm.s32 @!p0 $0x1082;
	s9 =	sld [smem:$0x3FAE]  }
0x2f: {  	lr =	sadd.s32 s0, s3;
	s0 =	sld [smem:$0x3FA5]  }
0x30: {  	s3 =	sld [smem:$0x3FA8]  }
0x31: {  	[smem:$0x3FB1] =	sst s10  }
0x32: {  	s10 =	sld [smem:$0x3FAF];
	_ =	sdelay $0x3  }
0x33: {  	p0 =	seq.s32 s10, $0x1;
	s10 =	sld [smem:$0x3FB1];
	_ =	sdelay $0x3  }
0x34: {  	[smem:$0x3FB1] =	sst s10  }
0x35: {  	s10 =	sld [smem:$0x3FB0];
	_ =	sdelay $0x3  }
0x36: {  	p1 =	seq.s32 s10, $0x1;
	s10 =	sld [smem:$0x3FB1];
	_ =	sdelay $0x3  }
0x37: {  	[smem:$0x3FB1] =	sst s10  }
0x38: {  	s10 =	sld [smem:$0x3FB2]  }
0x39: {  	_ = 	snop;
	(pc) =	sbr.ind lr, $3  }
0x3a: {  	_ = 	snop  }
0x3b: {  	_ = 	snop  }
0x3c: {  	p2 =	seq.s32 s10, $0x1;
	s10 =	sld [smem:$0x3FB1]  }
0x3d: {  	_ =	shalt  }
0x3e: {  	_ =	shalt  }
0x3f: {  	_ =	shalt  }
0x40: {  	_ =	shalt  }
0x41: {  	_ =	shalt  }
0x42: {  	_ =	shalt  }
0x43: {  	_ =	shalt  }
0x44: {  	_ =	shalt  }
0x45: {  	_ =	shalt  }
0x46: {  	_ =	shalt  }
0x47: {  	_ =	shalt  }
0x48: {  	_ =	shalt  }
0x49: {  	_ =	shalt  }
0x4a: {  	_ =	shalt  }
0x4b: {  	_ =	shalt  }
0x4c: {  	_ =	shalt  }
0x4d: {  	_ =	shalt  }
0x4e: {  	_ =	shalt  }
0x4f: {  	_ =	shalt  }
0x50: {  	_ =	shalt  }
0x51: {  	_ =	shalt  }
0x52: {  	_ =	shalt  }
0x53: {  	_ =	shalt  }
0x54: {  	_ =	shalt  }
0x55: {  	_ =	shalt  }
0x56: {  	_ =	shalt  }
0x57: {  	_ =	shalt  }
0x58: {  	_ =	shalt  }
0x59: {  	_ =	shalt  }
0x5a: {  	_ =	shalt  }
0x5b: {  	_ =	shalt  }
0x5c: {  	_ =	shalt  }
0x5d: {  	_ =	shalt  }
0x5e: {  	_ =	shalt  }
0x5f: {  	_ =	shalt  }
0x60: {  	_ =	shalt  }
0x61: {  	_ =	shalt  }
0x62: {  	_ =	shalt  }
0x63: {  	_ =	shalt  }
0x64: {  	_ =	shalt  }
0x65: {  	_ =	shalt  }
0x66: {  	_ =	shalt  }
0x67: {  	_ =	shalt  }
0x68: {  	_ =	shalt  }
0x69: {  	_ =	shalt  }
0x6a: {  	_ =	shalt  }
0x6b: {  	_ =	shalt  }
0x6c: {  	_ =	shalt  }
0x6d: {  	_ =	shalt  }
0x6e: {  	_ =	shalt  }
0x6f: {  	_ =	shalt  }
0x70: {  	_ =	shalt  }
0x71: {  	_ =	shalt  }
0x72: {  	_ =	shalt  }
0x73: {  	_ =	shalt  }
0x74: {  	_ =	shalt  }
0x75: {  	_ =	shalt  }
0x76: {  	_ =	shalt  }
0x77: {  	_ =	shalt  }
0x78: {  	_ =	shalt  }
0x79: {  	_ =	shalt  }
0x7a: {  	_ =	shalt  }
0x7b: {  	_ =	shalt  }
0x7c: {  	_ =	shalt  }
0x7d: {  	_ =	shalt  }
0x7e: {  	_ =	shalt  }
0x7f: {  	_ =	shalt  }
0x80: {  	_ =	shalt  }
0x81: {  	_ =	shalt  }
0x82: {  	_ =	shalt  }
0x83: {  	_ =	shalt  }
0x84: {  	_ =	shalt  }
0x85: {  	_ =	shalt  }
0x86: {  	_ =	shalt  }
0x87: {  	_ =	shalt  }
.Lfunc_end0:
.L_simem_size_0:
called_computation.3_lowered:
.L_overlay_start_0:
0x88: {  	s2 =	sld [smem:$0x3FD9]  }
0x89: {  	s3 =	sld [smem:$0x3FFE];
	_ =	sdelay $0x1  }
0x8a: {  	s1 =	srdreg.scid  }
0x8b: {  	s0 =	sand.u32 $0x1, s1  }
0x8c: {  	s16 =	sshll.u32 s0, $0xA;
	s2 =	sadd.s32 s3, s2  }
0x8d: {  	s2 =	sadd.s32 s2, s16  }
0x8e: {  	[smem:$0x3FBD] =	sst s2  }
0x8f: {  	_ = 	snop  }
0x90: {  	(tm) =	ssettm $0x1  }
0x91: {  	s17 =	sld [smem:$0x3FFB];
	_ =	sdelay $0x3  }
0x92: {  	_ =	strace s17  }
0x93: {  	s2 =	sld [smem:$0x3FFC];
	_ =	sdelay $0x3  }
0x94: {  	_ =	strace s2  }
0x95: {  	s2 =	sld [smem:$0x3FFD];
	_ =	sdelay $0x3  }
0x96: {  	_ =	strace s2  }
0x97: {  	_ =	strace $0x8FFFFFFF  }
0x98: {  	s18 =	sld [smem:$0x3FDB];
	_ =	sdelay $0x1  }
0x99: {  	s19 =	simm.s32 $_scs_section_size  }
0x9a: {  	s4 =	simm.s32 $_size__tile_overlayer_lowered;
	s5 =	simm.s32 $_tile_overlayer_lowered  }
0x9b: {  	s22 =	simm.s32 $0x1BFF;
	s21 =	sshll.u32 s5, $0x1;
	s2 =	sadd.s32 s19, s18  }
0x9c: {  	s6 =	simm.s32 $0x0;
	s20 =	sshll.u32 s4, $0x1;
	s4 =	sadd.s32 s21, s2  }
0x9d: {  	[timem:s6], [sflag:s22] =	dma.local [hbm:s4], s20  }
0x9e: {  	_ =	swait.ge [sflag:s22], s20  }
0x9f: {  	s3 =	ssub.s32 $0x0, s20;
	[sflag:s22] =	ssyncset.done $0x0  }
0xa0: {  	[sflag:s22] =	ssyncadd.s32 s3;
	_ =	sdelay $0x1  }
0xa1: {  	s23 =	simm.s32 $0x1B8B  }
0xa2: {  	_ =	swait.ge [sflag:s23], $0x1  }
0xa3: {  	[sflag:s23] =	ssyncset.done $0x0  }
0xa4: {  	s25 =	simm.s32 $0x1B8E;
	s24 =	sld [smem:$0x3FFE];
	[sflag:s23] =	ssyncadd.s32 $0xFFFFFFFF  }
0xa5: {  	s26 =	simm.s32 $execute0_lowered;
	[smem:$0x3FD2] =	sst s25  }
0xa6: {  	s4 =	sshll.u32 s26, $0x1;
	_ =	strace $0x8000004F;
	[dreg:$0x1] =	wrdreg $0xFFFFFFFF  }
0xa7: {  	s28 =	simm.s32 $_size_execute0_lowered;
	s2 =	sadd.s32 s2, s4;
	[dreg:$0x0] =	wrdreg $0x0  }
0xa8: {  	s4 =	sshll.u32 s28, $0x1;
	[dreg:$0x2] =	wrdreg s2  }
0xa9: {  	[dreg:$0x3] =	wrdreg s4  }
0xaa: {  	[dreg:$0x4] =	wrdreg $0xC0  }
0xab: {  	_ =	task [dreg:s6], $0x5FFFF  }
0xac: {  	[dreg:$0x1] =	wrdreg $0xFFFFFFFF  }
0xad: {  	[dreg:$0x0] =	wrdreg $0x60  }
0xae: {  	[dreg:$0x2] =	wrdreg s24  }
0xaf: {  	[dreg:$0x3] =	wrdreg $0xA8000  }
0xb0: {  	[dreg:$0x4] =	wrdreg $0x9  }
0xb1: {  	_ =	task.clear_ibuf [dreg:s6], $0x5FFFF;
	_ =	strace $0x9000004F  }
0xb2: {  	s29 =	simm.s32 $0x9;
	_ =	strace $0x80000051  }
0xb3: {  	_ =	swait.ge [sflag:s29], $0x1  }
0xb4: {  	[sflag:s29] =	ssyncadd.s32 $0xFFFFFFFF  }
0xb5: {  	_ =	strace $0x90000051  }
0xb6: {  	_ =	sfence  }
0xb7: {  	s30 =	sld [smem:$0x0];
	_ =	sdelay $0x2  }
0xb8: {  	s31 =	sshll.u32 s1, $0xD;
	s1 =	sshrl.u32 s1, $0x2  }
0xb9: {  	s3 =	sand.u32 $0x4000, s31;
	s1 =	sadd.s32 s1, s30  }
0xba: {  	s0 =	sor.u32 s3, s0;
	s1 =	sshll.u32 s1, $0x11  }
0xbb: {  	s0 =	sor.u32 s1, s0  }
0xbc: {  	s0 =	sadd.s32 $0x8F2B, s0  }
0xbd: {  	[sflag:s0] =	ssyncadd.remote.s32 $0x1  }
0xbe: {  	_ =	sfence.sel $0xFFFF  }
0xbf: {  	[dreg:$0x0] =	wrdreg $0xFFFFFFFF;
	(pc) =	sbr.abs _section_cstart, $3  }
0xc0: {  	[dreg:$0x1] =	wrdreg $0xFFFFFFFF  }
0xc1: {  	_ =	task.clear_ibuf [dreg:s6], $0x2FFFF;
	_ =	strace $0x9FFFFFFF  }
0xc2: {  	(tm) =	ssettm $0x7FFFFFFF  }
0xc3: {  	_ =	shalt  }
tec
execute0_lowered:
.L_overlay_start_1:
0x0: {  	(tag) =	ssettag $0x1  }
0x1: {  	s5 =	rddreg [dreg:$0x0]  }
0x2: {  	s2 =	rddreg [dreg:$0x1]  }
0x3: {  	s0 =	rddreg [dreg:$0x2]  }
0x4: {  	s1 =	stileid.u32;
	s4 =	srdreg.scid;
	s3 =	simm.s32 $0x0  }
0x5: {  	s15 =	simm.s32 $0x1400;
	s16 =	simm.s32 $0x80;
	s17 =	simm.s32 $0x2800  }
0x6: {  	s18 =	simm.s32 $0x1;
	s19 =	simm.s32 $0x6800;
	s20 =	simm.s32 $0x2  }
0x7: {  	s21 =	simm.s32 $0x1380;
	s22 =	simm.s32 $0x2700;
	s23 =	simm.s32 $0x2780  }
0x8: {  	s6 =	smul.u32 $0x14000, s1;
	s7 =	sand.u32 $0x1, s4;
	[smem:$0x7FF] =	sst s3  }
0x9: {  	s4 =	sadd.s32 $0x18000, s5;
	s11 =	sadd.s32 $0x4000, s5;
	s12 =	sadd.s32 $0xE000, s5  }
0xa: {  	s10 =	sshll.u32 s1, $0x1;
	s13 =	smul.u32 $0x50000, s1;
	s30 =	sshll.u32 s1, $0x6  }
0xb: {  	s8 =	smul.u32 $0x140000, s7;
	_ =	strace $0x80000050;
	s25 =	ssub.s32 $0x2, s7  }
0xc: {  	s28 =	sor.u32 s7, s10;
	s9 =	sshrl.u32 s6, $0x3;
	s26 =	sshrl.u32 s25, $0x1  }
0xd: {  	s29 =	sshrl.u32 s13, $0x2;
	s10 =	smul.u32 $0x2800, s28;
	s6 =	sadd.s32 s6, s8  }
0xe: {  	s24 =	sadd.s32 s9, s5;
	s9 =	ssub.s32 s25, s26;
	s13 =	sadd.s32 s29, s2  }
0xf: {  	s6 =	sshrl.u32 s6, $0x3;
	s10 =	sshrl.u32 s10, $0x3;
	s8 =	smax.u32 s9, $0x1  }
0x10: {  	s13 =	sshrl.u32 s13, $0x3;
	s14 =	sadd.s32 s6, s5;
	s5 =	sadd.s32 $0x40000, s24  }
0x11: {  	s6 =	sor.u32 $0x1C03, s30;
	s9 =	sadd.s32 s11, s10;
	s31 =	sadd.s32 $0x280, s10  }
0x12: {  	s10 =	sadd.s32 s12, s10;
	s24 =	simm.s32 $0x0;
	s7 =	sadd.s32 $0x68000, s14  }
0x13: {  	s11 =	sadd.s32 s11, s31;
	s12 =	sadd.s32 s12, s31;
	s14 =	simm.s32 $0x3  }
.LBB2_1:
0x14: {  	[spmem:s13], [sflag:s6] =	dma.local [hbm:s5], $0x2800  }
0x15: {  	_ =	swait.ge [sflag:s14], $0x2800  }
0x16: {  	[sflag:s14] =	ssyncset.done $0x0  }
0x17: {  	[sflag:s14] =	ssyncadd.s32 $0xFFFFD800  }
0x18: {  	[bflag:$0x0] =	sbarrier.arrive $0xFFFF  }
0x19: {  	[tilespmem:s3], [sflag:$0x3] =	stream.linear.gather [hbm4b:s9+s3], $0x1400, $0x38;
	[tilespmem:$0x1E800] =	vst v63  }
0x1a: {  	_ =	swait.ge [sflag:s14], $0x1400  }
0x1b: {  	[sflag:s14] =	ssyncset.done $0x0  }
0x1c: {  	[sflag:s14] =	ssyncadd.s32 $0xFFFFEC00  }
0x1d: {  	[tilespmem:s15], [sflag:$0x3] =	stream.linear.gather [hbm4b:s10+s3], $0x1400, $0x38;
	[tilespmem:$0x1E800] =	vst v63  }
0x1e: {  	_ =	swait.ge [sflag:s14], $0x1400  }
0x1f: {  	[sflag:s14] =	ssyncset.done $0x0  }
0x20: {  	[sflag:s14] =	ssyncadd.s32 $0xFFFFEC00  }
0x21: {  	[tilespmem:s17], [sflag:$0x1] =	stream.indirect.gather [hbm4b:s4+s16], $0x80, s3, s16, $0xb8;
	[tilespmem:$0x1E800] =	vst v63  }
0x22: {  	_ =	swait.ge [sflag:s18], $0x4000  }
0x23: {  	[sflag:s18] =	ssyncset.done $0x0  }
0x24: {  	s25 =	simm.s32 $0x80;
	[sflag:s18] =	ssyncadd.s32 $0xFFFFC000  }
0x25: {  	[tilespmem:s19], [sflag:$0x2] =	stream.indirect.gather [hbm4b:s4+s16], $0x80, s25, s16, $0xb8;
	[tilespmem:$0x1E800] =	vst v63  }
0x26: {  	s29 =	simm.s32 $0x1400  }
0x27: {  	[spmem:s2] =	stream.indirect.scatter.add.f32 [tilespmem:s17], [sflag:$0x3], $0x80, s29, s16, $0xb8;
	[tilespmem:$0x1E800] =	vst v63  }
0x28: {  	_ =	swait.ge [sflag:s14], $0x4000  }
0x29: {  	[sflag:s14] =	ssyncset.done $0x0  }
0x2a: {  	[sflag:s14] =	ssyncadd.s32 $0xFFFFC000  }
0x2b: {  	_ =	swait.ge [sflag:s20], $0x4000  }
0x2c: {  	[sflag:s20] =	ssyncset.done $0x0  }
0x2d: {  	s30 =	simm.s32 $0x100;
	[sflag:s20] =	ssyncadd.s32 $0xFFFFC000  }
0x2e: {  	[tilespmem:s17], [sflag:$0x1] =	stream.indirect.gather [hbm4b:s4+s16], $0x80, s30, s16, $0xb8;
	[tilespmem:$0x1E800] =	vst v63  }
0x2f: {  	s31 =	simm.s32 $0x1480  }
0x30: {  	[spmem:s2] =	stream.indirect.scatter.add.f32 [tilespmem:s19], [sflag:$0x3], $0x80, s31, s16, $0xb8;
	[tilespmem:$0x1E800] =	vst v63  }
0x31: {  	_ =	swait.ge [sflag:s14], $0x4000  }
0x32: {  	s25 =	simm.s32 $0x400;
	[sflag:s14] =	ssyncset.done $0x0  }
.LBB2_2:
0x33: {  	p0 =	sne.s32 s25, $0x4800  }
0x34: {  	[sflag:s14] =	ssyncadd.s32 $0xFFFFC000;
	s26 =	smov.u32 s25;
	s25 =	sadd.s32 $0x400, s25  }
0x35: {  	_ = 	snop  }
0x36: {  	_ =	swait.ge [sflag:s18], $0x4000  }
0x37: {  	s26 =	sshra.s32 s26, $0x2;
	[sflag:s18] =	ssyncset.done $0x0  }
0x38: {  	s28 =	sadd.s32 $0x80, s26;
	[sflag:s18] =	ssyncadd.s32 $0xFFFFC000  }
0x39: {  	[tilespmem:s19], [sflag:$0x2] =	stream.indirect.gather [hbm4b:s4+s16], $0x80, s28, s16, $0xb8;
	[tilespmem:$0x1E800] =	vst v63  }
0x3a: {  	s28 =	sadd.s32 $0x1400, s26  }
0x3b: {  	[spmem:s2] =	stream.indirect.scatter.add.f32 [tilespmem:s17], [sflag:$0x3], $0x80, s28, s16, $0xb8;
	[tilespmem:$0x1E800] =	vst v63  }
0x3c: {  	_ =	swait.ge [sflag:s14], $0x4000  }
0x3d: {  	[sflag:s14] =	ssyncset.done $0x0  }
0x3e: {  	[sflag:s14] =	ssyncadd.s32 $0xFFFFC000  }
0x3f: {  	_ =	swait.ge [sflag:s20], $0x4000  }
0x40: {  	[sflag:s20] =	ssyncset.done $0x0  }
0x41: {  	s28 =	sadd.s32 $0x100, s26;
	[sflag:s20] =	ssyncadd.s32 $0xFFFFC000  }
0x42: {  	[tilespmem:s17], [sflag:$0x1] =	stream.indirect.gather [hbm4b:s4+s16], $0x80, s28, s16, $0xb8;
	[tilespmem:$0x1E800] =	vst v63  }
.Ltmp0:
0x43: {  	_ = 	snop;
	(pc) =	sbr.rel @p0 .LBB2_2-.Ltmp0, $4  }
0x44: {  	s26 =	sadd.s32 $0x1480, s26  }
0x45: {  	[spmem:s2] =	stream.indirect.scatter.add.f32 [tilespmem:s19], [sflag:$0x3], $0x80, s26, s16, $0xb8;
	[tilespmem:$0x1E800] =	vst v63  }
0x46: {  	_ =	swait.ge [sflag:s14], $0x4000  }
0x47: {  	[sflag:s14] =	ssyncset.done $0x0  }
0x48: {  	[sflag:s14] =	ssyncadd.s32 $0xFFFFC000  }
0x49: {  	_ =	swait.ge [sflag:s18], $0x4000  }
0x4a: {  	[sflag:s18] =	ssyncset.done $0x0  }
0x4b: {  	[sflag:s18] =	ssyncadd.s32 $0xFFFFC000  }
0x4c: {  	[tilespmem:s19], [sflag:$0x2] =	stream.indirect.gather [hbm4b:s4+s16], $0x80, s21, s16, $0xb8;
	[tilespmem:$0x1E800] =	vst v63  }
0x4d: {  	_ = 	snop  }
0x4e: {  	[spmem:s2] =	stream.indirect.scatter.add.f32 [tilespmem:s17], [sflag:$0x3], $0x80, s22, s16, $0xb8;
	[tilespmem:$0x1E800] =	vst v63  }
0x4f: {  	_ =	swait.ge [sflag:s14], $0x4000  }
0x50: {  	[sflag:s14] =	ssyncset.done $0x0  }
0x51: {  	[sflag:s14] =	ssyncadd.s32 $0xFFFFC000  }
0x52: {  	_ =	swait.ge [sflag:s20], $0x4000  }
0x53: {  	[sflag:s20] =	ssyncset.done $0x0  }
0x54: {  	[sflag:s20] =	ssyncadd.s32 $0xFFFFC000  }
0x55: {  	[spmem:s2] =	stream.indirect.scatter.add.f32 [tilespmem:s19], [sflag:$0x3], $0x80, s23, s16, $0xb8;
	[tilespmem:$0x1E800] =	vst v63  }
0x56: {  	_ =	swait.ge [sflag:s14], $0x4000  }
0x57: {  	[sflag:s14] =	ssyncset.done $0x0  }
0x58: {  	s25 =	simm.s32 $0x0;
	[sflag:s14] =	ssyncadd.s32 $0xFFFFC000  }
0x59: {  	[tilespmem:s25], [sflag:$0x3] =	stream.linear.gather [hbm4b:s11+s25], $0x1400, $0x38;
	[tilespmem:$0x1E800] =	vst v63  }
0x5a: {  	_ =	swait.ge [sflag:s14], $0x1400  }
0x5b: {  	[sflag:s14] =	ssyncset.done $0x0  }
0x5c: {  	[sflag:s14] =	ssyncadd.s32 $0xFFFFEC00  }
0x5d: {  	[tilespmem:s15], [sflag:$0x3] =	stream.linear.gather [hbm4b:s12+s25], $0x1400, $0x38;
	[tilespmem:$0x1E800] =	vst v63  }
0x5e: {  	_ =	swait.ge [sflag:s14], $0x1400  }
0x5f: {  	[sflag:s14] =	ssyncset.done $0x0  }
0x60: {  	[sflag:s14] =	ssyncadd.s32 $0xFFFFEC00  }
0x61: {  	[tilespmem:s17], [sflag:$0x1] =	stream.indirect.gather [hbm4b:s4+s16], $0x80, s25, s16, $0xb8;
	[tilespmem:$0x1E800] =	vst v63  }
0x62: {  	_ =	swait.ge [sflag:s18], $0x4000  }
0x63: {  	[sflag:s18] =	ssyncset.done $0x0  }
0x64: {  	s28 =	simm.s32 $0x80;
	[sflag:s18] =	ssyncadd.s32 $0xFFFFC000  }
0x65: {  	[tilespmem:s19], [sflag:$0x2] =	stream.indirect.gather [hbm4b:s4+s16], $0x80, s28, s16, $0xb8;
	[tilespmem:$0x1E800] =	vst v63  }
0x66: {  	s29 =	simm.s32 $0x1400  }
0x67: {  	[spmem:s2] =	stream.indirect.scatter.add.f32 [tilespmem:s17], [sflag:$0x3], $0x80, s29, s16, $0xb8;
	[tilespmem:$0x1E800] =	vst v63  }
0x68: {  	_ =	swait.ge [sflag:s14], $0x4000  }
0x69: {  	[sflag:s14] =	ssyncset.done $0x0  }
0x6a: {  	[sflag:s14] =	ssyncadd.s32 $0xFFFFC000  }
0x6b: {  	_ =	swait.ge [sflag:s20], $0x4000  }
0x6c: {  	[sflag:s20] =	ssyncset.done $0x0  }
0x6d: {  	s30 =	simm.s32 $0x100;
	[sflag:s20] =	ssyncadd.s32 $0xFFFFC000  }
0x6e: {  	[tilespmem:s17], [sflag:$0x1] =	stream.indirect.gather [hbm4b:s4+s16], $0x80, s30, s16, $0xb8;
	[tilespmem:$0x1E800] =	vst v63  }
0x6f: {  	s31 =	simm.s32 $0x1480  }
0x70: {  	[spmem:s2] =	stream.indirect.scatter.add.f32 [tilespmem:s19], [sflag:$0x3], $0x80, s31, s16, $0xb8;
	[tilespmem:$0x1E800] =	vst v63  }
0x71: {  	_ =	swait.ge [sflag:s14], $0x4000  }
0x72: {  	s25 =	simm.s32 $0x400;
	[sflag:s14] =	ssyncset.done $0x0  }
.LBB2_4:
0x73: {  	p0 =	sne.s32 s25, $0x4800  }
0x74: {  	[sflag:s14] =	ssyncadd.s32 $0xFFFFC000;
	s26 =	smov.u32 s25;
	s25 =	sadd.s32 $0x400, s25  }
0x75: {  	_ = 	snop  }
0x76: {  	_ =	swait.ge [sflag:s18], $0x4000  }
0x77: {  	s26 =	sshra.s32 s26, $0x2;
	[sflag:s18] =	ssyncset.done $0x0  }
0x78: {  	s28 =	sadd.s32 $0x80, s26;
	[sflag:s18] =	ssyncadd.s32 $0xFFFFC000  }
0x79: {  	[tilespmem:s19], [sflag:$0x2] =	stream.indirect.gather [hbm4b:s4+s16], $0x80, s28, s16, $0xb8;
	[tilespmem:$0x1E800] =	vst v63  }
0x7a: {  	s28 =	sadd.s32 $0x1400, s26  }
0x7b: {  	[spmem:s2] =	stream.indirect.scatter.add.f32 [tilespmem:s17], [sflag:$0x3], $0x80, s28, s16, $0xb8;
	[tilespmem:$0x1E800] =	vst v63  }
0x7c: {  	_ =	swait.ge [sflag:s14], $0x4000  }
0x7d: {  	[sflag:s14] =	ssyncset.done $0x0  }
0x7e: {  	[sflag:s14] =	ssyncadd.s32 $0xFFFFC000  }
0x7f: {  	_ =	swait.ge [sflag:s20], $0x4000  }
0x80: {  	[sflag:s20] =	ssyncset.done $0x0  }
0x81: {  	s28 =	sadd.s32 $0x100, s26;
	[sflag:s20] =	ssyncadd.s32 $0xFFFFC000  }
0x82: {  	[tilespmem:s17], [sflag:$0x1] =	stream.indirect.gather [hbm4b:s4+s16], $0x80, s28, s16, $0xb8;
	[tilespmem:$0x1E800] =	vst v63  }
.Ltmp1:
0x83: {  	_ = 	snop;
	(pc) =	sbr.rel @p0 .LBB2_4-.Ltmp1, $4  }
0x84: {  	s26 =	sadd.s32 $0x1480, s26  }
0x85: {  	[spmem:s2] =	stream.indirect.scatter.add.f32 [tilespmem:s19], [sflag:$0x3], $0x80, s26, s16, $0xb8;
	[tilespmem:$0x1E800] =	vst v63  }
0x86: {  	_ =	swait.ge [sflag:s14], $0x4000  }
0x87: {  	[sflag:s14] =	ssyncset.done $0x0  }
0x88: {  	[sflag:s14] =	ssyncadd.s32 $0xFFFFC000  }
0x89: {  	_ =	swait.ge [sflag:s18], $0x4000  }
0x8a: {  	[sflag:s18] =	ssyncset.done $0x0  }
0x8b: {  	[sflag:s18] =	ssyncadd.s32 $0xFFFFC000  }
0x8c: {  	[tilespmem:s19], [sflag:$0x2] =	stream.indirect.gather [hbm4b:s4+s16], $0x80, s21, s16, $0xb8;
	[tilespmem:$0x1E800] =	vst v63  }
0x8d: {  	_ = 	snop  }
0x8e: {  	[spmem:s2] =	stream.indirect.scatter.add.f32 [tilespmem:s17], [sflag:$0x3], $0x80, s22, s16, $0xb8;
	[tilespmem:$0x1E800] =	vst v63  }
0x8f: {  	_ =	swait.ge [sflag:s14], $0x4000  }
0x90: {  	[sflag:s14] =	ssyncset.done $0x0  }
0x91: {  	[sflag:s14] =	ssyncadd.s32 $0xFFFFC000  }
0x92: {  	_ =	swait.ge [sflag:s20], $0x4000  }
0x93: {  	[sflag:s20] =	ssyncset.done $0x0  }
0x94: {  	[sflag:s20] =	ssyncadd.s32 $0xFFFFC000  }
0x95: {  	[spmem:s2] =	stream.indirect.scatter.add.f32 [tilespmem:s19], [sflag:$0x3], $0x80, s23, s16, $0xb8;
	[tilespmem:$0x1E800] =	vst v63  }
0x96: {  	_ =	swait.ge [sflag:s14], $0x4000  }
0x97: {  	s24 =	sadd.s32 $0x1, s24;
	[sflag:s14] =	ssyncset.done $0x0  }
0x98: {  	p0 =	sne.s32 s24, s8;
	[sflag:s14] =	ssyncadd.s32 $0xFFFFC000  }
.Ltmp2:
0x99: {  	[bflag:$0x0] =	sbarrier.arrive $0xFFFF;
	(pc) =	sbr.rel @p0 .LBB2_1-.Ltmp2, $4  }
0x9a: {  	[hbm:s7], [sflag:s6] =	dma.local [spmem:s13], $0x2800  }
0x9b: {  	_ =	swait.ge [sflag:s14], $0x2800  }
0x9c: {  	[sflag:s14] =	ssyncset.done $0x0  }
0x9d: {  	[sflag:s14] =	ssyncadd.s32 $0xFFFFD800  }
0x9e: {  	_ =	sfence.sel $0x180000  }
0x9f: {  	[bflag:$0x0] =	sbarrier.arrive $0xFFFF  }
0xa0: {  	p0 =	sne.s32 s1, $0x0;
	_ =	strace $0x90000050  }
0xa1: {  	s0 =	sadd.s32 @!p0 $0x100000, s0;
	[bflag:$0x2] =	sbarrier.arrive $0xFFFF  }
0xa2: {  	[sflag:s0] =	ssyncadd.tile.s32 @!p0 $0x1;
	_ =	shalt  }
.Lfunc_end2:
_tile_overlayer_lowered:
.L_overlay_start_2:
0xa3: {  	(tag) =	ssettag $0x2  }
0xa4: {  	s0 =	rddreg [dreg:$0x0];
	s2 =	stileid.u32  }
0xa5: {  	s1 =	rddreg [dreg:$0x1];
	p0 =	sne.s32 s2, $0x0  }
0xa6: {  	s3 =	rddreg [dreg:$0x2];
	[bflag:$0x3] =	sbarrier.arrive $0xFFFF;
	s2 =	simm.s32 @!p0 $0x1C03  }
0xa7: {  	[timem:s3], [sflag:s2] =	dma.local @!p0 [hbm:s0], s1  }
0xa8: {  	s0 =	simm.s32 @!p0 $0x3  }
0xa9: {  	_ =	swait.ge @!p0 [sflag:s0], s1  }
0xaa: {  	s1 =	ssub.s32 @!p0 $0x0, s1;
	[sflag:s0] =	ssyncset.done @!p0 $0x0  }
0xab: {  	[sflag:s0] =	ssyncadd.s32 @!p0 s1  }
0xac: {  	[bflag:$0x3] =	sbarrier.arrive $0xFFFF  }
0xad: {  	_ =	shalt  }

// kernel: kernel.27.cloned.1.call-start
scs
__scs_entry_jumppad:
0x0: {  	(pc) =	sbr.rel $0x88, $3  }
0x1: {  	(tag) =	ssettag $0x0;
	lr =	simm.s32 $0x1  }
0x2: {  	[smem:$0x3F96] =	sst lr;
	_ =	strace $0xD0000000  }
0x3: {  	_ = 	snop  }
0x4: {  	_ = 	snop  }
0x5: {  	_ = 	snop  }
0x6: {  	_ = 	snop  }
0x7: {  	_ = 	snop  }
__scs_overlays_trampoline_lowered:
0x8: {  	[smem:$0x3FA5] =	sst s0  }
0x9: {  	[smem:$0x3FA6] =	sst s1  }
0xa: {  	[smem:$0x3FA7] =	sst s2  }
0xb: {  	[smem:$0x3FA8] =	sst s3  }
0xc: {  	[smem:$0x3FA9] =	sst s4  }
0xd: {  	[smem:$0x3FAA] =	sst s5  }
0xe: {  	[smem:$0x3FAB] =	sst s6  }
0xf: {  	[smem:$0x3FAC] =	sst s7  }
0x10: {  	[smem:$0x3FAD] =	sst s8  }
0x11: {  	[smem:$0x3FAE] =	sst s9;
	s0 =	simm.s32 @!p0 $0x0  }
0x12: {  	s1 =	sld [smem:$0x3F94];
	s0 =	simm.s32 @p0 $0x1  }
0x13: {  	[smem:$0x3FAF] =	sst s0;
	s0 =	simm.s32 @!p1 $0x0  }
0x14: {  	s2 =	sld [smem:$0x3F93];
	s0 =	simm.s32 @p1 $0x1  }
0x15: {  	[smem:$0x3FB0] =	sst s0;
	s0 =	simm.s32 @!p2 $0x0  }
0x16: {  	s3 =	sld [smem:$0x3FDB];
	s0 =	simm.s32 @p2 $0x1  }
0x17: {  	s4 =	simm.s32 $0x1BF5;
	[smem:$0x3FB2] =	sst s0  }
0x18: {  	s0 =	sld [smem:$0x3F95];
	_ =	swait.ge [sflag:s4], $0x0  }
0x19: {  	s7 =	sld [smem:$0x3F96]  }
0x1a: {  	s8 =	sadd.s32 $0xFFFFE003, lr  }
0x1b: {  	s9 =	sadd.s32 $0xFFFFFEF7, lr;
	s5 =	simm.s32 $0xFFFFFFFF;
	p2 =	slt.u32 s8, $0xFFFFF086  }
0x1c: {  	p1 =	slt.u32 s9, $0xF7A;
	s5 =	simm.s32 @!p2 $0x0  }
0x1d: {  	s5 =	simm.s32 @p1 $0x1;
	p0 =	seq.s32 s7, s2  }
0x1e: {  	s7 =	smul.u32 @!p0 $0xF7A, s2;
	p2 =	seq.s32 @!p0 s5, $0x0  }
0x1f: {  	s9 =	smul.u32 $0xF7A, s1;
	s8 =	simm.s32 @!p0 $0x1BF5;
	p2 =	por !p2, p0  }
0x20: {  	[sflag:s8] =	ssyncset.s32 @!p0 $0xFFFFF086;
	s6 =	sadd.s32 @!p0 s3, s7;
	s7 =	simm.s32 @!p0 $0x108  }
0x21: {  	s3 =	sadd.s32 s3, s9;
	s6 =	sadd.s32 @!p0 $0x88, s6;
	s7 =	simm.s32 @p2 $0x1082  }
0x22: {  	[simem:s7], [sflag:s8] =	dma.local @!p0 [hbm:s6], $0xF7A  }
0x23: {  	s9 =	sor.u32 $0xD0000000, s2;
	s6 =	simm.s32 $0x108;
	_ =	swait.ge @!p0 [sflag:s8], $0x0  }
0x24: {  	s3 =	sadd.s32 $0x88, s3;
	s6 =	simm.s32 @!p1 $0x1082;
	[sflag:s4] =	ssyncset.s32 $0xFFFFF086  }
0x25: {  	[simem:s6], [sflag:s4] =	dma.local [hbm:s3], $0xF7A  }
0x26: {  	[smem:$0x3F96] =	sst s1;
	(tag) =	ssettag s2;
	_ =	strace s9  }
0x27: {  	s1 =	sld [smem:$0x3FA6]  }
0x28: {  	s2 =	sld [smem:$0x3FA7]  }
0x29: {  	s4 =	sld [smem:$0x3FA9]  }
0x2a: {  	p0 =	seq.s32 s5, $0x0;
	s5 =	sld [smem:$0x3FAA]  }
0x2b: {  	s6 =	sld [smem:$0x3FAB]  }
0x2c: {  	s7 =	sld [smem:$0x3FAC]  }
0x2d: {  	s3 =	simm.s32 $0x108;
	s8 =	sld [smem:$0x3FAD]  }
0x2e: {  	s3 =	simm.s32 @!p0 $0x1082;
	s9 =	sld [smem:$0x3FAE]  }
0x2f: {  	lr =	sadd.s32 s0, s3;
	s0 =	sld [smem:$0x3FA5]  }
0x30: {  	s3 =	sld [smem:$0x3FA8]  }
0x31: {  	[smem:$0x3FB1] =	sst s10  }
0x32: {  	s10 =	sld [smem:$0x3FAF];
	_ =	sdelay $0x3  }
0x33: {  	p0 =	seq.s32 s10, $0x1;
	s10 =	sld [smem:$0x3FB1];
	_ =	sdelay $0x3  }
0x34: {  	[smem:$0x3FB1] =	sst s10  }
0x35: {  	s10 =	sld [smem:$0x3FB0];
	_ =	sdelay $0x3  }
0x36: {  	p1 =	seq.s32 s10, $0x1;
	s10 =	sld [smem:$0x3FB1];
	_ =	sdelay $0x3  }
0x37: {  	[smem:$0x3FB1] =	sst s10  }
0x38: {  	s10 =	sld [smem:$0x3FB2]  }
0x39: {  	_ = 	snop;
	(pc) =	sbr.ind lr, $3  }
0x3a: {  	_ = 	snop  }
0x3b: {  	_ = 	snop  }
0x3c: {  	p2 =	seq.s32 s10, $0x1;
	s10 =	sld [smem:$0x3FB1]  }
0x3d: {  	_ =	shalt  }
0x3e: {  	_ =	shalt  }
0x3f: {  	_ =	shalt  }
0x40: {  	_ =	shalt  }
0x41: {  	_ =	shalt  }
0x42: {  	_ =	shalt  }
0x43: {  	_ =	shalt  }
0x44: {  	_ =	shalt  }
0x45: {  	_ =	shalt  }
0x46: {  	_ =	shalt  }
0x47: {  	_ =	shalt  }
0x48: {  	_ =	shalt  }
0x49: {  	_ =	shalt  }
0x4a: {  	_ =	shalt  }
0x4b: {  	_ =	shalt  }
0x4c: {  	_ =	shalt  }
0x4d: {  	_ =	shalt  }
0x4e: {  	_ =	shalt  }
0x4f: {  	_ =	shalt  }
0x50: {  	_ =	shalt  }
0x51: {  	_ =	shalt  }
0x52: {  	_ =	shalt  }
0x53: {  	_ =	shalt  }
0x54: {  	_ =	shalt  }
0x55: {  	_ =	shalt  }
0x56: {  	_ =	shalt  }
0x57: {  	_ =	shalt  }
0x58: {  	_ =	shalt  }
0x59: {  	_ =	shalt  }
0x5a: {  	_ =	shalt  }
0x5b: {  	_ =	shalt  }
0x5c: {  	_ =	shalt  }
0x5d: {  	_ =	shalt  }
0x5e: {  	_ =	shalt  }
0x5f: {  	_ =	shalt  }
0x60: {  	_ =	shalt  }
0x61: {  	_ =	shalt  }
0x62: {  	_ =	shalt  }
0x63: {  	_ =	shalt  }
0x64: {  	_ =	shalt  }
0x65: {  	_ =	shalt  }
0x66: {  	_ =	shalt  }
0x67: {  	_ =	shalt  }
0x68: {  	_ =	shalt  }
0x69: {  	_ =	shalt  }
0x6a: {  	_ =	shalt  }
0x6b: {  	_ =	shalt  }
0x6c: {  	_ =	shalt  }
0x6d: {  	_ =	shalt  }
0x6e: {  	_ =	shalt  }
0x6f: {  	_ =	shalt  }
0x70: {  	_ =	shalt  }
0x71: {  	_ =	shalt  }
0x72: {  	_ =	shalt  }
0x73: {  	_ =	shalt  }
0x74: {  	_ =	shalt  }
0x75: {  	_ =	shalt  }
0x76: {  	_ =	shalt  }
0x77: {  	_ =	shalt  }
0x78: {  	_ =	shalt  }
0x79: {  	_ =	shalt  }
0x7a: {  	_ =	shalt  }
0x7b: {  	_ =	shalt  }
0x7c: {  	_ =	shalt  }
0x7d: {  	_ =	shalt  }
0x7e: {  	_ =	shalt  }
0x7f: {  	_ =	shalt  }
0x80: {  	_ =	shalt  }
0x81: {  	_ =	shalt  }
0x82: {  	_ =	shalt  }
0x83: {  	_ =	shalt  }
0x84: {  	_ =	shalt  }
0x85: {  	_ =	shalt  }
0x86: {  	_ =	shalt  }
0x87: {  	_ =	shalt  }
.Lfunc_end0:
.L_simem_size_0:
called_computation.4_lowered:
.L_overlay_start_0:
0x88: {  	s2 =	sld [smem:$0x3FD9]  }
0x89: {  	s3 =	sld [smem:$0x3FFE];
	_ =	sdelay $0x1  }
0x8a: {  	s1 =	srdreg.scid  }
0x8b: {  	s0 =	sand.u32 $0x1, s1  }
0x8c: {  	s16 =	sshll.u32 s0, $0xA;
	s2 =	sadd.s32 s3, s2  }
0x8d: {  	s2 =	sadd.s32 s2, s16  }
0x8e: {  	[smem:$0x3FBD] =	sst s2  }
0x8f: {  	_ = 	snop  }
0x90: {  	(tm) =	ssettm $0x1  }
0x91: {  	s17 =	sld [smem:$0x3FFB];
	_ =	sdelay $0x3  }
0x92: {  	_ =	strace s17  }
0x93: {  	s2 =	sld [smem:$0x3FFC];
	_ =	sdelay $0x3  }
0x94: {  	_ =	strace s2  }
0x95: {  	s2 =	sld [smem:$0x3FFD];
	_ =	sdelay $0x3  }
0x96: {  	_ =	strace s2  }
0x97: {  	_ =	strace $0x8FFFFFFF  }
0x98: {  	s18 =	sld [smem:$0x3FDB];
	_ =	sdelay $0x1  }
0x99: {  	s19 =	simm.s32 $_scs_section_size  }
0x9a: {  	s4 =	simm.s32 $_size__tile_overlayer_lowered;
	s5 =	simm.s32 $_tile_overlayer_lowered  }
0x9b: {  	s22 =	simm.s32 $0x1BFF;
	s21 =	sshll.u32 s5, $0x1;
	s2 =	sadd.s32 s19, s18  }
0x9c: {  	s6 =	simm.s32 $0x0;
	s20 =	sshll.u32 s4, $0x1;
	s4 =	sadd.s32 s21, s2  }
0x9d: {  	[timem:s6], [sflag:s22] =	dma.local [hbm:s4], s20  }
0x9e: {  	_ =	swait.ge [sflag:s22], s20  }
0x9f: {  	s3 =	ssub.s32 $0x0, s20;
	[sflag:s22] =	ssyncset.done $0x0  }
0xa0: {  	[sflag:s22] =	ssyncadd.s32 s3;
	_ =	sdelay $0x1  }
0xa1: {  	s23 =	simm.s32 $0x1B8B  }
0xa2: {  	_ =	swait.ge [sflag:s23], $0x1  }
0xa3: {  	[sflag:s23] =	ssyncset.done $0x0  }
0xa4: {  	s25 =	simm.s32 $0x1B8E;
	s24 =	sld [smem:$0x3FFE];
	[sflag:s23] =	ssyncadd.s32 $0xFFFFFFFF  }
0xa5: {  	s26 =	simm.s32 $execute0_lowered;
	[smem:$0x3FD2] =	sst s25  }
0xa6: {  	s4 =	sshll.u32 s26, $0x1;
	_ =	strace $0x80000052;
	[dreg:$0x1] =	wrdreg $0xFFFFFFFF  }
0xa7: {  	s28 =	simm.s32 $_size_execute0_lowered;
	s2 =	sadd.s32 s2, s4;
	[dreg:$0x0] =	wrdreg $0x0  }
0xa8: {  	s4 =	sshll.u32 s28, $0x1;
	[dreg:$0x2] =	wrdreg s2  }
0xa9: {  	[dreg:$0x3] =	wrdreg s4  }
0xaa: {  	[dreg:$0x4] =	wrdreg $0xC0  }
0xab: {  	_ =	task [dreg:s6], $0x5FFFF  }
0xac: {  	[dreg:$0x1] =	wrdreg $0xFFFFFFFF  }
0xad: {  	[dreg:$0x0] =	wrdreg $0x60  }
0xae: {  	[dreg:$0x2] =	wrdreg s24  }
0xaf: {  	[dreg:$0x3] =	wrdreg $0xA8000  }
0xb0: {  	[dreg:$0x4] =	wrdreg $0x9  }
0xb1: {  	_ =	task.clear_ibuf [dreg:s6], $0x5FFFF;
	_ =	strace $0x90000052  }
0xb2: {  	s29 =	simm.s32 $0x9;
	_ =	strace $0x80000054  }
0xb3: {  	_ =	swait.ge [sflag:s29], $0x1  }
0xb4: {  	[sflag:s29] =	ssyncadd.s32 $0xFFFFFFFF  }
0xb5: {  	_ =	strace $0x90000054  }
0xb6: {  	_ =	sfence  }
0xb7: {  	s30 =	sld [smem:$0x0];
	_ =	sdelay $0x2  }
0xb8: {  	s31 =	sshll.u32 s1, $0xD;
	s1 =	sshrl.u32 s1, $0x2  }
0xb9: {  	s3 =	sand.u32 $0x4000, s31;
	s1 =	sadd.s32 s1, s30  }
0xba: {  	s0 =	sor.u32 s3, s0;
	s1 =	sshll.u32 s1, $0x11  }
0xbb: {  	s0 =	sor.u32 s1, s0  }
0xbc: {  	s0 =	sadd.s32 $0x8F2B, s0  }
0xbd: {  	[sflag:s0] =	ssyncadd.remote.s32 $0x1  }
0xbe: {  	_ =	sfence.sel $0xFFFF  }
0xbf: {  	[dreg:$0x0] =	wrdreg $0xFFFFFFFF;
	(pc) =	sbr.abs _section_cstart, $3  }
0xc0: {  	[dreg:$0x1] =	wrdreg $0xFFFFFFFF  }
0xc1: {  	_ =	task.clear_ibuf [dreg:s6], $0x2FFFF;
	_ =	strace $0x9FFFFFFF  }
0xc2: {  	(tm) =	ssettm $0x7FFFFFFF  }
0xc3: {  	_ =	shalt  }
tec
execute0_lowered:
.L_overlay_start_1:
0x0: {  	(tag) =	ssettag $0x1  }
0x1: {  	s5 =	rddreg [dreg:$0x0]  }
0x2: {  	s2 =	rddreg [dreg:$0x1]  }
0x3: {  	s0 =	rddreg [dreg:$0x2]  }
0x4: {  	s1 =	stileid.u32;
	s4 =	srdreg.scid;
	s3 =	simm.s32 $0x0  }
0x5: {  	s15 =	simm.s32 $0x1400;
	s16 =	simm.s32 $0x80;
	s17 =	simm.s32 $0x2800  }
0x6: {  	s18 =	simm.s32 $0x1;
	s19 =	simm.s32 $0x6800;
	s20 =	simm.s32 $0x2  }
0x7: {  	s21 =	simm.s32 $0x1380;
	s22 =	simm.s32 $0x2700;
	s23 =	simm.s32 $0x2780  }
0x8: {  	s6 =	smul.u32 $0x14000, s1;
	s7 =	sand.u32 $0x1, s4;
	[smem:$0x7FF] =	sst s3  }
0x9: {  	s4 =	sadd.s32 $0x18000, s5;
	s11 =	sadd.s32 $0x4000, s5;
	s12 =	sadd.s32 $0xE000, s5  }
0xa: {  	s10 =	sshll.u32 s1, $0x1;
	s13 =	smul.u32 $0x50000, s1;
	s30 =	sshll.u32 s1, $0x6  }
0xb: {  	s8 =	smul.u32 $0x140000, s7;
	_ =	strace $0x80000053;
	s25 =	ssub.s32 $0x2, s7  }
0xc: {  	s28 =	sor.u32 s7, s10;
	s9 =	sshrl.u32 s6, $0x3;
	s26 =	sshrl.u32 s25, $0x1  }
0xd: {  	s29 =	sshrl.u32 s13, $0x2;
	s10 =	smul.u32 $0x2800, s28;
	s6 =	sadd.s32 s6, s8  }
0xe: {  	s24 =	sadd.s32 s9, s5;
	s9 =	ssub.s32 s25, s26;
	s13 =	sadd.s32 s29, s2  }
0xf: {  	s6 =	sshrl.u32 s6, $0x3;
	s10 =	sshrl.u32 s10, $0x3;
	s8 =	smax.u32 s9, $0x1  }
0x10: {  	s13 =	sshrl.u32 s13, $0x3;
	s14 =	sadd.s32 s6, s5;
	s5 =	sadd.s32 $0x40000, s24  }
0x11: {  	s6 =	sor.u32 $0x1C03, s30;
	s9 =	sadd.s32 s11, s10;
	s31 =	sadd.s32 $0x280, s10  }
0x12: {  	s10 =	sadd.s32 s12, s10;
	s24 =	simm.s32 $0x0;
	s7 =	sadd.s32 $0x68000, s14  }
0x13: {  	s11 =	sadd.s32 s11, s31;
	s12 =	sadd.s32 s12, s31;
	s14 =	simm.s32 $0x3  }
.LBB2_1:
0x14: {  	[spmem:s13], [sflag:s6] =	dma.local [hbm:s5], $0x2800  }
0x15: {  	_ =	swait.ge [sflag:s14], $0x2800  }
0x16: {  	[sflag:s14] =	ssyncset.done $0x0  }
0x17: {  	[sflag:s14] =	ssyncadd.s32 $0xFFFFD800  }
0x18: {  	[bflag:$0x0] =	sbarrier.arrive $0xFFFF  }
0x19: {  	[tilespmem:s3], [sflag:$0x3] =	stream.linear.gather [hbm4b:s9+s3], $0x1400, $0x38;
	[tilespmem:$0x1E800] =	vst v63  }
0x1a: {  	_ =	swait.ge [sflag:s14], $0x1400  }
0x1b: {  	[sflag:s14] =	ssyncset.done $0x0  }
0x1c: {  	[sflag:s14] =	ssyncadd.s32 $0xFFFFEC00  }
0x1d: {  	[tilespmem:s15], [sflag:$0x3] =	stream.linear.gather [hbm4b:s10+s3], $0x1400, $0x38;
	[tilespmem:$0x1E800] =	vst v63  }
0x1e: {  	_ =	swait.ge [sflag:s14], $0x1400  }
0x1f: {  	[sflag:s14] =	ssyncset.done $0x0  }
0x20: {  	[sflag:s14] =	ssyncadd.s32 $0xFFFFEC00  }
0x21: {  	[tilespmem:s17], [sflag:$0x1] =	stream.indirect.gather [hbm4b:s4+s16], $0x80, s3, s16, $0xb8;
	[tilespmem:$0x1E800] =	vst v63  }
0x22: {  	_ =	swait.ge [sflag:s18], $0x4000  }
0x23: {  	[sflag:s18] =	ssyncset.done $0x0  }
0x24: {  	s25 =	simm.s32 $0x80;
	[sflag:s18] =	ssyncadd.s32 $0xFFFFC000  }
0x25: {  	[tilespmem:s19], [sflag:$0x2] =	stream.indirect.gather [hbm4b:s4+s16], $0x80, s25, s16, $0xb8;
	[tilespmem:$0x1E800] =	vst v63  }
0x26: {  	s29 =	simm.s32 $0x1400  }
0x27: {  	[spmem:s2] =	stream.indirect.scatter.add.f32 [tilespmem:s17], [sflag:$0x3], $0x80, s29, s16, $0xb8;
	[tilespmem:$0x1E800] =	vst v63  }
0x28: {  	_ =	swait.ge [sflag:s14], $0x4000  }
0x29: {  	[sflag:s14] =	ssyncset.done $0x0  }
0x2a: {  	[sflag:s14] =	ssyncadd.s32 $0xFFFFC000  }
0x2b: {  	_ =	swait.ge [sflag:s20], $0x4000  }
0x2c: {  	[sflag:s20] =	ssyncset.done $0x0  }
0x2d: {  	s30 =	simm.s32 $0x100;
	[sflag:s20] =	ssyncadd.s32 $0xFFFFC000  }
0x2e: {  	[tilespmem:s17], [sflag:$0x1] =	stream.indirect.gather [hbm4b:s4+s16], $0x80, s30, s16, $0xb8;
	[tilespmem:$0x1E800] =	vst v63  }
0x2f: {  	s31 =	simm.s32 $0x1480  }
0x30: {  	[spmem:s2] =	stream.indirect.scatter.add.f32 [tilespmem:s19], [sflag:$0x3], $0x80, s31, s16, $0xb8;
	[tilespmem:$0x1E800] =	vst v63  }
0x31: {  	_ =	swait.ge [sflag:s14], $0x4000  }
0x32: {  	s25 =	simm.s32 $0x400;
	[sflag:s14] =	ssyncset.done $0x0  }
.LBB2_2:
0x33: {  	p0 =	sne.s32 s25, $0x4800  }
0x34: {  	[sflag:s14] =	ssyncadd.s32 $0xFFFFC000;
	s26 =	smov.u32 s25;
	s25 =	sadd.s32 $0x400, s25  }
0x35: {  	_ = 	snop  }
0x36: {  	_ =	swait.ge [sflag:s18], $0x4000  }
0x37: {  	s26 =	sshra.s32 s26, $0x2;
	[sflag:s18] =	ssyncset.done $0x0  }
0x38: {  	s28 =	sadd.s32 $0x80, s26;
	[sflag:s18] =	ssyncadd.s32 $0xFFFFC000  }
0x39: {  	[tilespmem:s19], [sflag:$0x2] =	stream.indirect.gather [hbm4b:s4+s16], $0x80, s28, s16, $0xb8;
	[tilespmem:$0x1E800] =	vst v63  }
0x3a: {  	s28 =	sadd.s32 $0x1400, s26  }
0x3b: {  	[spmem:s2] =	stream.indirect.scatter.add.f32 [tilespmem:s17], [sflag:$0x3], $0x80, s28, s16, $0xb8;
	[tilespmem:$0x1E800] =	vst v63  }
0x3c: {  	_ =	swait.ge [sflag:s14], $0x4000  }
0x3d: {  	[sflag:s14] =	ssyncset.done $0x0  }
0x3e: {  	[sflag:s14] =	ssyncadd.s32 $0xFFFFC000  }
0x3f: {  	_ =	swait.ge [sflag:s20], $0x4000  }
0x40: {  	[sflag:s20] =	ssyncset.done $0x0  }
0x41: {  	s28 =	sadd.s32 $0x100, s26;
	[sflag:s20] =	ssyncadd.s32 $0xFFFFC000  }
0x42: {  	[tilespmem:s17], [sflag:$0x1] =	stream.indirect.gather [hbm4b:s4+s16], $0x80, s28, s16, $0xb8;
	[tilespmem:$0x1E800] =	vst v63  }
.Ltmp0:
0x43: {  	_ = 	snop;
	(pc) =	sbr.rel @p0 .LBB2_2-.Ltmp0, $4  }
0x44: {  	s26 =	sadd.s32 $0x1480, s26  }
0x45: {  	[spmem:s2] =	stream.indirect.scatter.add.f32 [tilespmem:s19], [sflag:$0x3], $0x80, s26, s16, $0xb8;
	[tilespmem:$0x1E800] =	vst v63  }
0x46: {  	_ =	swait.ge [sflag:s14], $0x4000  }
0x47: {  	[sflag:s14] =	ssyncset.done $0x0  }
0x48: {  	[sflag:s14] =	ssyncadd.s32 $0xFFFFC000  }
0x49: {  	_ =	swait.ge [sflag:s18], $0x4000  }
0x4a: {  	[sflag:s18] =	ssyncset.done $0x0  }
0x4b: {  	[sflag:s18] =	ssyncadd.s32 $0xFFFFC000  }
0x4c: {  	[tilespmem:s19], [sflag:$0x2] =	stream.indirect.gather [hbm4b:s4+s16], $0x80, s21, s16, $0xb8;
	[tilespmem:$0x1E800] =	vst v63  }
0x4d: {  	_ = 	snop  }
0x4e: {  	[spmem:s2] =	stream.indirect.scatter.add.f32 [tilespmem:s17], [sflag:$0x3], $0x80, s22, s16, $0xb8;
	[tilespmem:$0x1E800] =	vst v63  }
0x4f: {  	_ =	swait.ge [sflag:s14], $0x4000  }
0x50: {  	[sflag:s14] =	ssyncset.done $0x0  }
0x51: {  	[sflag:s14] =	ssyncadd.s32 $0xFFFFC000  }
0x52: {  	_ =	swait.ge [sflag:s20], $0x4000  }
0x53: {  	[sflag:s20] =	ssyncset.done $0x0  }
0x54: {  	[sflag:s20] =	ssyncadd.s32 $0xFFFFC000  }
0x55: {  	[spmem:s2] =	stream.indirect.scatter.add.f32 [tilespmem:s19], [sflag:$0x3], $0x80, s23, s16, $0xb8;
	[tilespmem:$0x1E800] =	vst v63  }
0x56: {  	_ =	swait.ge [sflag:s14], $0x4000  }
0x57: {  	[sflag:s14] =	ssyncset.done $0x0  }
0x58: {  	s25 =	simm.s32 $0x0;
	[sflag:s14] =	ssyncadd.s32 $0xFFFFC000  }
0x59: {  	[tilespmem:s25], [sflag:$0x3] =	stream.linear.gather [hbm4b:s11+s25], $0x1400, $0x38;
	[tilespmem:$0x1E800] =	vst v63  }
0x5a: {  	_ =	swait.ge [sflag:s14], $0x1400  }
0x5b: {  	[sflag:s14] =	ssyncset.done $0x0  }
0x5c: {  	[sflag:s14] =	ssyncadd.s32 $0xFFFFEC00  }
0x5d: {  	[tilespmem:s15], [sflag:$0x3] =	stream.linear.gather [hbm4b:s12+s25], $0x1400, $0x38;
	[tilespmem:$0x1E800] =	vst v63  }
0x5e: {  	_ =	swait.ge [sflag:s14], $0x1400  }
0x5f: {  	[sflag:s14] =	ssyncset.done $0x0  }
0x60: {  	[sflag:s14] =	ssyncadd.s32 $0xFFFFEC00  }
0x61: {  	[tilespmem:s17], [sflag:$0x1] =	stream.indirect.gather [hbm4b:s4+s16], $0x80, s25, s16, $0xb8;
	[tilespmem:$0x1E800] =	vst v63  }
0x62: {  	_ =	swait.ge [sflag:s18], $0x4000  }
0x63: {  	[sflag:s18] =	ssyncset.done $0x0  }
0x64: {  	s28 =	simm.s32 $0x80;
	[sflag:s18] =	ssyncadd.s32 $0xFFFFC000  }
0x65: {  	[tilespmem:s19], [sflag:$0x2] =	stream.indirect.gather [hbm4b:s4+s16], $0x80, s28, s16, $0xb8;
	[tilespmem:$0x1E800] =	vst v63  }
0x66: {  	s29 =	simm.s32 $0x1400  }
0x67: {  	[spmem:s2] =	stream.indirect.scatter.add.f32 [tilespmem:s17], [sflag:$0x3], $0x80, s29, s16, $0xb8;
	[tilespmem:$0x1E800] =	vst v63  }
0x68: {  	_ =	swait.ge [sflag:s14], $0x4000  }
0x69: {  	[sflag:s14] =	ssyncset.done $0x0  }
0x6a: {  	[sflag:s14] =	ssyncadd.s32 $0xFFFFC000  }
0x6b: {  	_ =	swait.ge [sflag:s20], $0x4000  }
0x6c: {  	[sflag:s20] =	ssyncset.done $0x0  }
0x6d: {  	s30 =	simm.s32 $0x100;
	[sflag:s20] =	ssyncadd.s32 $0xFFFFC000  }
0x6e: {  	[tilespmem:s17], [sflag:$0x1] =	stream.indirect.gather [hbm4b:s4+s16], $0x80, s30, s16, $0xb8;
	[tilespmem:$0x1E800] =	vst v63  }
0x6f: {  	s31 =	simm.s32 $0x1480  }
0x70: {  	[spmem:s2] =	stream.indirect.scatter.add.f32 [tilespmem:s19], [sflag:$0x3], $0x80, s31, s16, $0xb8;
	[tilespmem:$0x1E800] =	vst v63  }
0x71: {  	_ =	swait.ge [sflag:s14], $0x4000  }
0x72: {  	s25 =	simm.s32 $0x400;
	[sflag:s14] =	ssyncset.done $0x0  }
.LBB2_4:
0x73: {  	p0 =	sne.s32 s25, $0x4800  }
0x74: {  	[sflag:s14] =	ssyncadd.s32 $0xFFFFC000;
	s26 =	smov.u32 s25;
	s25 =	sadd.s32 $0x400, s25  }
0x75: {  	_ = 	snop  }
0x76: {  	_ =	swait.ge [sflag:s18], $0x4000  }
0x77: {  	s26 =	sshra.s32 s26, $0x2;
	[sflag:s18] =	ssyncset.done $0x0  }
0x78: {  	s28 =	sadd.s32 $0x80, s26;
	[sflag:s18] =	ssyncadd.s32 $0xFFFFC000  }
0x79: {  	[tilespmem:s19], [sflag:$0x2] =	stream.indirect.gather [hbm4b:s4+s16], $0x80, s28, s16, $0xb8;
	[tilespmem:$0x1E800] =	vst v63  }
0x7a: {  	s28 =	sadd.s32 $0x1400, s26  }
0x7b: {  	[spmem:s2] =	stream.indirect.scatter.add.f32 [tilespmem:s17], [sflag:$0x3], $0x80, s28, s16, $0xb8;
	[tilespmem:$0x1E800] =	vst v63  }
0x7c: {  	_ =	swait.ge [sflag:s14], $0x4000  }
0x7d: {  	[sflag:s14] =	ssyncset.done $0x0  }
0x7e: {  	[sflag:s14] =	ssyncadd.s32 $0xFFFFC000  }
0x7f: {  	_ =	swait.ge [sflag:s20], $0x4000  }
0x80: {  	[sflag:s20] =	ssyncset.done $0x0  }
0x81: {  	s28 =	sadd.s32 $0x100, s26;
	[sflag:s20] =	ssyncadd.s32 $0xFFFFC000  }
0x82: {  	[tilespmem:s17], [sflag:$0x1] =	stream.indirect.gather [hbm4b:s4+s16], $0x80, s28, s16, $0xb8;
	[tilespmem:$0x1E800] =	vst v63  }
.Ltmp1:
0x83: {  	_ = 	snop;
	(pc) =	sbr.rel @p0 .LBB2_4-.Ltmp1, $4  }
0x84: {  	s26 =	sadd.s32 $0x1480, s26  }
0x85: {  	[spmem:s2] =	stream.indirect.scatter.add.f32 [tilespmem:s19], [sflag:$0x3], $0x80, s26, s16, $0xb8;
	[tilespmem:$0x1E800] =	vst v63  }
0x86: {  	_ =	swait.ge [sflag:s14], $0x4000  }
0x87: {  	[sflag:s14] =	ssyncset.done $0x0  }
0x88: {  	[sflag:s14] =	ssyncadd.s32 $0xFFFFC000  }
0x89: {  	_ =	swait.ge [sflag:s18], $0x4000  }
0x8a: {  	[sflag:s18] =	ssyncset.done $0x0  }
0x8b: {  	[sflag:s18] =	ssyncadd.s32 $0xFFFFC000  }
0x8c: {  	[tilespmem:s19], [sflag:$0x2] =	stream.indirect.gather [hbm4b:s4+s16], $0x80, s21, s16, $0xb8;
	[tilespmem:$0x1E800] =	vst v63  }
0x8d: {  	_ = 	snop  }
0x8e: {  	[spmem:s2] =	stream.indirect.scatter.add.f32 [tilespmem:s17], [sflag:$0x3], $0x80, s22, s16, $0xb8;
	[tilespmem:$0x1E800] =	vst v63  }
0x8f: {  	_ =	swait.ge [sflag:s14], $0x4000  }
0x90: {  	[sflag:s14] =	ssyncset.done $0x0  }
0x91: {  	[sflag:s14] =	ssyncadd.s32 $0xFFFFC000  }
0x92: {  	_ =	swait.ge [sflag:s20], $0x4000  }
0x93: {  	[sflag:s20] =	ssyncset.done $0x0  }
0x94: {  	[sflag:s20] =	ssyncadd.s32 $0xFFFFC000  }
0x95: {  	[spmem:s2] =	stream.indirect.scatter.add.f32 [tilespmem:s19], [sflag:$0x3], $0x80, s23, s16, $0xb8;
	[tilespmem:$0x1E800] =	vst v63  }
0x96: {  	_ =	swait.ge [sflag:s14], $0x4000  }
0x97: {  	s24 =	sadd.s32 $0x1, s24;
	[sflag:s14] =	ssyncset.done $0x0  }
0x98: {  	p0 =	sne.s32 s24, s8;
	[sflag:s14] =	ssyncadd.s32 $0xFFFFC000  }
.Ltmp2:
0x99: {  	[bflag:$0x0] =	sbarrier.arrive $0xFFFF;
	(pc) =	sbr.rel @p0 .LBB2_1-.Ltmp2, $4  }
0x9a: {  	[hbm:s7], [sflag:s6] =	dma.local [spmem:s13], $0x2800  }
0x9b: {  	_ =	swait.ge [sflag:s14], $0x2800  }
0x9c: {  	[sflag:s14] =	ssyncset.done $0x0  }
0x9d: {  	[sflag:s14] =	ssyncadd.s32 $0xFFFFD800  }
0x9e: {  	_ =	sfence.sel $0x180000  }
0x9f: {  	[bflag:$0x0] =	sbarrier.arrive $0xFFFF  }
0xa0: {  	p0 =	sne.s32 s1, $0x0;
	_ =	strace $0x90000053  }
0xa1: {  	s0 =	sadd.s32 @!p0 $0x100000, s0;
	[bflag:$0x2] =	sbarrier.arrive $0xFFFF  }
0xa2: {  	[sflag:s0] =	ssyncadd.tile.s32 @!p0 $0x1;
	_ =	shalt  }
.Lfunc_end2:
_tile_overlayer_lowered:
.L_overlay_start_2:
0xa3: {  	(tag) =	ssettag $0x2  }
0xa4: {  	s0 =	rddreg [dreg:$0x0];
	s2 =	stileid.u32  }
0xa5: {  	s1 =	rddreg [dreg:$0x1];
	p0 =	sne.s32 s2, $0x0  }
0xa6: {  	s3 =	rddreg [dreg:$0x2];
	[bflag:$0x3] =	sbarrier.arrive $0xFFFF;
	s2 =	simm.s32 @!p0 $0x1C03  }
0xa7: {  	[timem:s3], [sflag:s2] =	dma.local @!p0 [hbm:s0], s1  }
0xa8: {  	s0 =	simm.s32 @!p0 $0x3  }
0xa9: {  	_ =	swait.ge @!p0 [sflag:s0], s1  }
0xaa: {  	s1 =	ssub.s32 @!p0 $0x0, s1;
	[sflag:s0] =	ssyncset.done @!p0 $0x0  }
0xab: {  	[sflag:s0] =	ssyncadd.s32 @!p0 s1  }
0xac: {  	[bflag:$0x3] =	sbarrier.arrive $0xFFFF  }
0xad: {  	_ =	shalt  }

// kernel: kernel.30.cloned.1.call-start
scs
__scs_entry_jumppad:
0x0: {  	(pc) =	sbr.rel $0x88, $3  }
0x1: {  	(tag) =	ssettag $0x0;
	lr =	simm.s32 $0x1  }
0x2: {  	[smem:$0x3F96] =	sst lr;
	_ =	strace $0xD0000000  }
0x3: {  	_ = 	snop  }
0x4: {  	_ = 	snop  }
0x5: {  	_ = 	snop  }
0x6: {  	_ = 	snop  }
0x7: {  	_ = 	snop  }
__scs_overlays_trampoline_lowered:
0x8: {  	[smem:$0x3FA5] =	sst s0  }
0x9: {  	[smem:$0x3FA6] =	sst s1  }
0xa: {  	[smem:$0x3FA7] =	sst s2  }
0xb: {  	[smem:$0x3FA8] =	sst s3  }
0xc: {  	[smem:$0x3FA9] =	sst s4  }
0xd: {  	[smem:$0x3FAA] =	sst s5  }
0xe: {  	[smem:$0x3FAB] =	sst s6  }
0xf: {  	[smem:$0x3FAC] =	sst s7  }
0x10: {  	[smem:$0x3FAD] =	sst s8  }
0x11: {  	[smem:$0x3FAE] =	sst s9;
	s0 =	simm.s32 @!p0 $0x0  }
0x12: {  	s1 =	sld [smem:$0x3F94];
	s0 =	simm.s32 @p0 $0x1  }
0x13: {  	[smem:$0x3FAF] =	sst s0;
	s0 =	simm.s32 @!p1 $0x0  }
0x14: {  	s2 =	sld [smem:$0x3F93];
	s0 =	simm.s32 @p1 $0x1  }
0x15: {  	[smem:$0x3FB0] =	sst s0;
	s0 =	simm.s32 @!p2 $0x0  }
0x16: {  	s3 =	sld [smem:$0x3FDB];
	s0 =	simm.s32 @p2 $0x1  }
0x17: {  	s4 =	simm.s32 $0x1BF5;
	[smem:$0x3FB2] =	sst s0  }
0x18: {  	s0 =	sld [smem:$0x3F95];
	_ =	swait.ge [sflag:s4], $0x0  }
0x19: {  	s7 =	sld [smem:$0x3F96]  }
0x1a: {  	s8 =	sadd.s32 $0xFFFFE003, lr  }
0x1b: {  	s9 =	sadd.s32 $0xFFFFFEF7, lr;
	s5 =	simm.s32 $0xFFFFFFFF;
	p2 =	slt.u32 s8, $0xFFFFF086  }
0x1c: {  	p1 =	slt.u32 s9, $0xF7A;
	s5 =	simm.s32 @!p2 $0x0  }
0x1d: {  	s5 =	simm.s32 @p1 $0x1;
	p0 =	seq.s32 s7, s2  }
0x1e: {  	s7 =	smul.u32 @!p0 $0xF7A, s2;
	p2 =	seq.s32 @!p0 s5, $0x0  }
0x1f: {  	s9 =	smul.u32 $0xF7A, s1;
	s8 =	simm.s32 @!p0 $0x1BF5;
	p2 =	por !p2, p0  }
0x20: {  	[sflag:s8] =	ssyncset.s32 @!p0 $0xFFFFF086;
	s6 =	sadd.s32 @!p0 s3, s7;
	s7 =	simm.s32 @!p0 $0x108  }
0x21: {  	s3 =	sadd.s32 s3, s9;
	s6 =	sadd.s32 @!p0 $0x88, s6;
	s7 =	simm.s32 @p2 $0x1082  }
0x22: {  	[simem:s7], [sflag:s8] =	dma.local @!p0 [hbm:s6], $0xF7A  }
0x23: {  	s9 =	sor.u32 $0xD0000000, s2;
	s6 =	simm.s32 $0x108;
	_ =	swait.ge @!p0 [sflag:s8], $0x0  }
0x24: {  	s3 =	sadd.s32 $0x88, s3;
	s6 =	simm.s32 @!p1 $0x1082;
	[sflag:s4] =	ssyncset.s32 $0xFFFFF086  }
0x25: {  	[simem:s6], [sflag:s4] =	dma.local [hbm:s3], $0xF7A  }
0x26: {  	[smem:$0x3F96] =	sst s1;
	(tag) =	ssettag s2;
	_ =	strace s9  }
0x27: {  	s1 =	sld [smem:$0x3FA6]  }
0x28: {  	s2 =	sld [smem:$0x3FA7]  }
0x29: {  	s4 =	sld [smem:$0x3FA9]  }
0x2a: {  	p0 =	seq.s32 s5, $0x0;
	s5 =	sld [smem:$0x3FAA]  }
0x2b: {  	s6 =	sld [smem:$0x3FAB]  }
0x2c: {  	s7 =	sld [smem:$0x3FAC]  }
0x2d: {  	s3 =	simm.s32 $0x108;
	s8 =	sld [smem:$0x3FAD]  }
0x2e: {  	s3 =	simm.s32 @!p0 $0x1082;
	s9 =	sld [smem:$0x3FAE]  }
0x2f: {  	lr =	sadd.s32 s0, s3;
	s0 =	sld [smem:$0x3FA5]  }
0x30: {  	s3 =	sld [smem:$0x3FA8]  }
0x31: {  	[smem:$0x3FB1] =	sst s10  }
0x32: {  	s10 =	sld [smem:$0x3FAF];
	_ =	sdelay $0x3  }
0x33: {  	p0 =	seq.s32 s10, $0x1;
	s10 =	sld [smem:$0x3FB1];
	_ =	sdelay $0x3  }
0x34: {  	[smem:$0x3FB1] =	sst s10  }
0x35: {  	s10 =	sld [smem:$0x3FB0];
	_ =	sdelay $0x3  }
0x36: {  	p1 =	seq.s32 s10, $0x1;
	s10 =	sld [smem:$0x3FB1];
	_ =	sdelay $0x3  }
0x37: {  	[smem:$0x3FB1] =	sst s10  }
0x38: {  	s10 =	sld [smem:$0x3FB2]  }
0x39: {  	_ = 	snop;
	(pc) =	sbr.ind lr, $3  }
0x3a: {  	_ = 	snop  }
0x3b: {  	_ = 	snop  }
0x3c: {  	p2 =	seq.s32 s10, $0x1;
	s10 =	sld [smem:$0x3FB1]  }
0x3d: {  	_ =	shalt  }
0x3e: {  	_ =	shalt  }
0x3f: {  	_ =	shalt  }
0x40: {  	_ =	shalt  }
0x41: {  	_ =	shalt  }
0x42: {  	_ =	shalt  }
0x43: {  	_ =	shalt  }
0x44: {  	_ =	shalt  }
0x45: {  	_ =	shalt  }
0x46: {  	_ =	shalt  }
0x47: {  	_ =	shalt  }
0x48: {  	_ =	shalt  }
0x49: {  	_ =	shalt  }
0x4a: {  	_ =	shalt  }
0x4b: {  	_ =	shalt  }
0x4c: {  	_ =	shalt  }
0x4d: {  	_ =	shalt  }
0x4e: {  	_ =	shalt  }
0x4f: {  	_ =	shalt  }
0x50: {  	_ =	shalt  }
0x51: {  	_ =	shalt  }
0x52: {  	_ =	shalt  }
0x53: {  	_ =	shalt  }
0x54: {  	_ =	shalt  }
0x55: {  	_ =	shalt  }
0x56: {  	_ =	shalt  }
0x57: {  	_ =	shalt  }
0x58: {  	_ =	shalt  }
0x59: {  	_ =	shalt  }
0x5a: {  	_ =	shalt  }
0x5b: {  	_ =	shalt  }
0x5c: {  	_ =	shalt  }
0x5d: {  	_ =	shalt  }
0x5e: {  	_ =	shalt  }
0x5f: {  	_ =	shalt  }
0x60: {  	_ =	shalt  }
0x61: {  	_ =	shalt  }
0x62: {  	_ =	shalt  }
0x63: {  	_ =	shalt  }
0x64: {  	_ =	shalt  }
0x65: {  	_ =	shalt  }
0x66: {  	_ =	shalt  }
0x67: {  	_ =	shalt  }
0x68: {  	_ =	shalt  }
0x69: {  	_ =	shalt  }
0x6a: {  	_ =	shalt  }
0x6b: {  	_ =	shalt  }
0x6c: {  	_ =	shalt  }
0x6d: {  	_ =	shalt  }
0x6e: {  	_ =	shalt  }
0x6f: {  	_ =	shalt  }
0x70: {  	_ =	shalt  }
0x71: {  	_ =	shalt  }
0x72: {  	_ =	shalt  }
0x73: {  	_ =	shalt  }
0x74: {  	_ =	shalt  }
0x75: {  	_ =	shalt  }
0x76: {  	_ =	shalt  }
0x77: {  	_ =	shalt  }
0x78: {  	_ =	shalt  }
0x79: {  	_ =	shalt  }
0x7a: {  	_ =	shalt  }
0x7b: {  	_ =	shalt  }
0x7c: {  	_ =	shalt  }
0x7d: {  	_ =	shalt  }
0x7e: {  	_ =	shalt  }
0x7f: {  	_ =	shalt  }
0x80: {  	_ =	shalt  }
0x81: {  	_ =	shalt  }
0x82: {  	_ =	shalt  }
0x83: {  	_ =	shalt  }
0x84: {  	_ =	shalt  }
0x85: {  	_ =	shalt  }
0x86: {  	_ =	shalt  }
0x87: {  	_ =	shalt  }
.Lfunc_end0:
.L_simem_size_0:
called_computation.5_lowered:
.L_overlay_start_0:
0x88: {  	s2 =	sld [smem:$0x3FD9]  }
0x89: {  	s3 =	sld [smem:$0x3FFE];
	_ =	sdelay $0x1  }
0x8a: {  	s1 =	srdreg.scid  }
0x8b: {  	s0 =	sand.u32 $0x1, s1  }
0x8c: {  	s16 =	sshll.u32 s0, $0xA;
	s2 =	sadd.s32 s3, s2  }
0x8d: {  	s2 =	sadd.s32 s2, s16  }
0x8e: {  	[smem:$0x3FBD] =	sst s2  }
0x8f: {  	_ = 	snop  }
0x90: {  	(tm) =	ssettm $0x1  }
0x91: {  	s17 =	sld [smem:$0x3FFB];
	_ =	sdelay $0x3  }
0x92: {  	_ =	strace s17  }
0x93: {  	s2 =	sld [smem:$0x3FFC];
	_ =	sdelay $0x3  }
0x94: {  	_ =	strace s2  }
0x95: {  	s2 =	sld [smem:$0x3FFD];
	_ =	sdelay $0x3  }
0x96: {  	_ =	strace s2  }
0x97: {  	_ =	strace $0x8FFFFFFF  }
0x98: {  	s18 =	sld [smem:$0x3FDB];
	_ =	sdelay $0x1  }
0x99: {  	s19 =	simm.s32 $_scs_section_size  }
0x9a: {  	s4 =	simm.s32 $_size__tile_overlayer_lowered;
	s5 =	simm.s32 $_tile_overlayer_lowered  }
0x9b: {  	s22 =	simm.s32 $0x1BFF;
	s21 =	sshll.u32 s5, $0x1;
	s2 =	sadd.s32 s19, s18  }
0x9c: {  	s6 =	simm.s32 $0x0;
	s20 =	sshll.u32 s4, $0x1;
	s4 =	sadd.s32 s21, s2  }
0x9d: {  	[timem:s6], [sflag:s22] =	dma.local [hbm:s4], s20  }
0x9e: {  	_ =	swait.ge [sflag:s22], s20  }
0x9f: {  	s3 =	ssub.s32 $0x0, s20;
	[sflag:s22] =	ssyncset.done $0x0  }
0xa0: {  	[sflag:s22] =	ssyncadd.s32 s3;
	_ =	sdelay $0x1  }
0xa1: {  	s23 =	simm.s32 $0x1B8B  }
0xa2: {  	_ =	swait.ge [sflag:s23], $0x1  }
0xa3: {  	[sflag:s23] =	ssyncset.done $0x0  }
0xa4: {  	s25 =	simm.s32 $0x1B8E;
	s24 =	sld [smem:$0x3FFE];
	[sflag:s23] =	ssyncadd.s32 $0xFFFFFFFF  }
0xa5: {  	s26 =	simm.s32 $execute0_lowered;
	[smem:$0x3FD2] =	sst s25  }
0xa6: {  	s4 =	sshll.u32 s26, $0x1;
	_ =	strace $0x80000055;
	[dreg:$0x1] =	wrdreg $0xFFFFFFFF  }
0xa7: {  	s28 =	simm.s32 $_size_execute0_lowered;
	s2 =	sadd.s32 s2, s4;
	[dreg:$0x0] =	wrdreg $0x0  }
0xa8: {  	s4 =	sshll.u32 s28, $0x1;
	[dreg:$0x2] =	wrdreg s2  }
0xa9: {  	[dreg:$0x3] =	wrdreg s4  }
0xaa: {  	[dreg:$0x4] =	wrdreg $0xC0  }
0xab: {  	_ =	task [dreg:s6], $0x5FFFF  }
0xac: {  	[dreg:$0x1] =	wrdreg $0xFFFFFFFF  }
0xad: {  	[dreg:$0x0] =	wrdreg $0x60  }
0xae: {  	[dreg:$0x2] =	wrdreg s24  }
0xaf: {  	[dreg:$0x3] =	wrdreg $0xA8000  }
0xb0: {  	[dreg:$0x4] =	wrdreg $0x9  }
0xb1: {  	_ =	task.clear_ibuf [dreg:s6], $0x5FFFF;
	_ =	strace $0x90000055  }
0xb2: {  	s29 =	simm.s32 $0x9;
	_ =	strace $0x80000057  }
0xb3: {  	_ =	swait.ge [sflag:s29], $0x1  }
0xb4: {  	[sflag:s29] =	ssyncadd.s32 $0xFFFFFFFF  }
0xb5: {  	_ =	strace $0x90000057  }
0xb6: {  	_ =	sfence  }
0xb7: {  	s30 =	sld [smem:$0x0];
	_ =	sdelay $0x2  }
0xb8: {  	s31 =	sshll.u32 s1, $0xD;
	s1 =	sshrl.u32 s1, $0x2  }
0xb9: {  	s3 =	sand.u32 $0x4000, s31;
	s1 =	sadd.s32 s1, s30  }
0xba: {  	s0 =	sor.u32 s3, s0;
	s1 =	sshll.u32 s1, $0x11  }
0xbb: {  	s0 =	sor.u32 s1, s0  }
0xbc: {  	s0 =	sadd.s32 $0x8F2B, s0  }
0xbd: {  	[sflag:s0] =	ssyncadd.remote.s32 $0x1  }
0xbe: {  	_ =	sfence.sel $0xFFFF  }
0xbf: {  	[dreg:$0x0] =	wrdreg $0xFFFFFFFF;
	(pc) =	sbr.abs _section_cstart, $3  }
0xc0: {  	[dreg:$0x1] =	wrdreg $0xFFFFFFFF  }
0xc1: {  	_ =	task.clear_ibuf [dreg:s6], $0x2FFFF;
	_ =	strace $0x9FFFFFFF  }
0xc2: {  	(tm) =	ssettm $0x7FFFFFFF  }
0xc3: {  	_ =	shalt  }
tec
execute0_lowered:
.L_overlay_start_1:
0x0: {  	(tag) =	ssettag $0x1  }
0x1: {  	s5 =	rddreg [dreg:$0x0]  }
0x2: {  	s2 =	rddreg [dreg:$0x1]  }
0x3: {  	s0 =	rddreg [dreg:$0x2]  }
0x4: {  	s1 =	stileid.u32;
	s4 =	srdreg.scid;
	s3 =	simm.s32 $0x0  }
0x5: {  	s15 =	simm.s32 $0x1400;
	s16 =	simm.s32 $0x80;
	s17 =	simm.s32 $0x2800  }
0x6: {  	s18 =	simm.s32 $0x1;
	s19 =	simm.s32 $0x6800;
	s20 =	simm.s32 $0x2  }
0x7: {  	s21 =	simm.s32 $0x1380;
	s22 =	simm.s32 $0x2700;
	s23 =	simm.s32 $0x2780  }
0x8: {  	s6 =	smul.u32 $0x14000, s1;
	s7 =	sand.u32 $0x1, s4;
	[smem:$0x7FF] =	sst s3  }
0x9: {  	s4 =	sadd.s32 $0x18000, s5;
	s11 =	sadd.s32 $0x4000, s5;
	s12 =	sadd.s32 $0xE000, s5  }
0xa: {  	s10 =	sshll.u32 s1, $0x1;
	s13 =	smul.u32 $0x50000, s1;
	s30 =	sshll.u32 s1, $0x6  }
0xb: {  	s8 =	smul.u32 $0x140000, s7;
	_ =	strace $0x80000056;
	s25 =	ssub.s32 $0x2, s7  }
0xc: {  	s28 =	sor.u32 s7, s10;
	s9 =	sshrl.u32 s6, $0x3;
	s26 =	sshrl.u32 s25, $0x1  }
0xd: {  	s29 =	sshrl.u32 s13, $0x2;
	s10 =	smul.u32 $0x2800, s28;
	s6 =	sadd.s32 s6, s8  }
0xe: {  	s24 =	sadd.s32 s9, s5;
	s9 =	ssub.s32 s25, s26;
	s13 =	sadd.s32 s29, s2  }
0xf: {  	s6 =	sshrl.u32 s6, $0x3;
	s10 =	sshrl.u32 s10, $0x3;
	s8 =	smax.u32 s9, $0x1  }
0x10: {  	s13 =	sshrl.u32 s13, $0x3;
	s14 =	sadd.s32 s6, s5;
	s5 =	sadd.s32 $0x40000, s24  }
0x11: {  	s6 =	sor.u32 $0x1C03, s30;
	s9 =	sadd.s32 s11, s10;
	s31 =	sadd.s32 $0x280, s10  }
0x12: {  	s10 =	sadd.s32 s12, s10;
	s24 =	simm.s32 $0x0;
	s7 =	sadd.s32 $0x68000, s14  }
0x13: {  	s11 =	sadd.s32 s11, s31;
	s12 =	sadd.s32 s12, s31;
	s14 =	simm.s32 $0x3  }
.LBB2_1:
0x14: {  	[spmem:s13], [sflag:s6] =	dma.local [hbm:s5], $0x2800  }
0x15: {  	_ =	swait.ge [sflag:s14], $0x2800  }
0x16: {  	[sflag:s14] =	ssyncset.done $0x0  }
0x17: {  	[sflag:s14] =	ssyncadd.s32 $0xFFFFD800  }
0x18: {  	[bflag:$0x0] =	sbarrier.arrive $0xFFFF  }
0x19: {  	[tilespmem:s3], [sflag:$0x3] =	stream.linear.gather [hbm4b:s9+s3], $0x1400, $0x38;
	[tilespmem:$0x1E800] =	vst v63  }
0x1a: {  	_ =	swait.ge [sflag:s14], $0x1400  }
0x1b: {  	[sflag:s14] =	ssyncset.done $0x0  }
0x1c: {  	[sflag:s14] =	ssyncadd.s32 $0xFFFFEC00  }
0x1d: {  	[tilespmem:s15], [sflag:$0x3] =	stream.linear.gather [hbm4b:s10+s3], $0x1400, $0x38;
	[tilespmem:$0x1E800] =	vst v63  }
0x1e: {  	_ =	swait.ge [sflag:s14], $0x1400  }
0x1f: {  	[sflag:s14] =	ssyncset.done $0x0  }
0x20: {  	[sflag:s14] =	ssyncadd.s32 $0xFFFFEC00  }
0x21: {  	[tilespmem:s17], [sflag:$0x1] =	stream.indirect.gather [hbm4b:s4+s16], $0x80, s3, s16, $0xb8;
	[tilespmem:$0x1E800] =	vst v63  }
0x22: {  	_ =	swait.ge [sflag:s18], $0x4000  }
0x23: {  	[sflag:s18] =	ssyncset.done $0x0  }
0x24: {  	s25 =	simm.s32 $0x80;
	[sflag:s18] =	ssyncadd.s32 $0xFFFFC000  }
0x25: {  	[tilespmem:s19], [sflag:$0x2] =	stream.indirect.gather [hbm4b:s4+s16], $0x80, s25, s16, $0xb8;
	[tilespmem:$0x1E800] =	vst v63  }
0x26: {  	s29 =	simm.s32 $0x1400  }
0x27: {  	[spmem:s2] =	stream.indirect.scatter.add.f32 [tilespmem:s17], [sflag:$0x3], $0x80, s29, s16, $0xb8;
	[tilespmem:$0x1E800] =	vst v63  }
0x28: {  	_ =	swait.ge [sflag:s14], $0x4000  }
0x29: {  	[sflag:s14] =	ssyncset.done $0x0  }
0x2a: {  	[sflag:s14] =	ssyncadd.s32 $0xFFFFC000  }
0x2b: {  	_ =	swait.ge [sflag:s20], $0x4000  }
0x2c: {  	[sflag:s20] =	ssyncset.done $0x0  }
0x2d: {  	s30 =	simm.s32 $0x100;
	[sflag:s20] =	ssyncadd.s32 $0xFFFFC000  }
0x2e: {  	[tilespmem:s17], [sflag:$0x1] =	stream.indirect.gather [hbm4b:s4+s16], $0x80, s30, s16, $0xb8;
	[tilespmem:$0x1E800] =	vst v63  }
0x2f: {  	s31 =	simm.s32 $0x1480  }
0x30: {  	[spmem:s2] =	stream.indirect.scatter.add.f32 [tilespmem:s19], [sflag:$0x3], $0x80, s31, s16, $0xb8;
	[tilespmem:$0x1E800] =	vst v63  }
0x31: {  	_ =	swait.ge [sflag:s14], $0x4000  }
0x32: {  	s25 =	simm.s32 $0x400;
	[sflag:s14] =	ssyncset.done $0x0  }
.LBB2_2:
0x33: {  	p0 =	sne.s32 s25, $0x4800  }
0x34: {  	[sflag:s14] =	ssyncadd.s32 $0xFFFFC000;
	s26 =	smov.u32 s25;
	s25 =	sadd.s32 $0x400, s25  }
0x35: {  	_ = 	snop  }
0x36: {  	_ =	swait.ge [sflag:s18], $0x4000  }
0x37: {  	s26 =	sshra.s32 s26, $0x2;
	[sflag:s18] =	ssyncset.done $0x0  }
0x38: {  	s28 =	sadd.s32 $0x80, s26;
	[sflag:s18] =	ssyncadd.s32 $0xFFFFC000  }
0x39: {  	[tilespmem:s19], [sflag:$0x2] =	stream.indirect.gather [hbm4b:s4+s16], $0x80, s28, s16, $0xb8;
	[tilespmem:$0x1E800] =	vst v63  }
0x3a: {  	s28 =	sadd.s32 $0x1400, s26  }
0x3b: {  	[spmem:s2] =	stream.indirect.scatter.add.f32 [tilespmem:s17], [sflag:$0x3], $0x80, s28, s16, $0xb8;
	[tilespmem:$0x1E800] =	vst v63  }
0x3c: {  	_ =	swait.ge [sflag:s14], $0x4000  }
0x3d: {  	[sflag:s14] =	ssyncset.done $0x0  }
0x3e: {  	[sflag:s14] =	ssyncadd.s32 $0xFFFFC000  }
0x3f: {  	_ =	swait.ge [sflag:s20], $0x4000  }
0x40: {  	[sflag:s20] =	ssyncset.done $0x0  }
0x41: {  	s28 =	sadd.s32 $0x100, s26;
	[sflag:s20] =	ssyncadd.s32 $0xFFFFC000  }
0x42: {  	[tilespmem:s17], [sflag:$0x1] =	stream.indirect.gather [hbm4b:s4+s16], $0x80, s28, s16, $0xb8;
	[tilespmem:$0x1E800] =	vst v63  }
.Ltmp0:
0x43: {  	_ = 	snop;
	(pc) =	sbr.rel @p0 .LBB2_2-.Ltmp0, $4  }
0x44: {  	s26 =	sadd.s32 $0x1480, s26  }
0x45: {  	[spmem:s2] =	stream.indirect.scatter.add.f32 [tilespmem:s19], [sflag:$0x3], $0x80, s26, s16, $0xb8;
	[tilespmem:$0x1E800] =	vst v63  }
0x46: {  	_ =	swait.ge [sflag:s14], $0x4000  }
0x47: {  	[sflag:s14] =	ssyncset.done $0x0  }
0x48: {  	[sflag:s14] =	ssyncadd.s32 $0xFFFFC000  }
0x49: {  	_ =	swait.ge [sflag:s18], $0x4000  }
0x4a: {  	[sflag:s18] =	ssyncset.done $0x0  }
0x4b: {  	[sflag:s18] =	ssyncadd.s32 $0xFFFFC000  }
0x4c: {  	[tilespmem:s19], [sflag:$0x2] =	stream.indirect.gather [hbm4b:s4+s16], $0x80, s21, s16, $0xb8;
	[tilespmem:$0x1E800] =	vst v63  }
0x4d: {  	_ = 	snop  }
0x4e: {  	[spmem:s2] =	stream.indirect.scatter.add.f32 [tilespmem:s17], [sflag:$0x3], $0x80, s22, s16, $0xb8;
	[tilespmem:$0x1E800] =	vst v63  }
0x4f: {  	_ =	swait.ge [sflag:s14], $0x4000  }
0x50: {  	[sflag:s14] =	ssyncset.done $0x0  }
0x51: {  	[sflag:s14] =	ssyncadd.s32 $0xFFFFC000  }
0x52: {  	_ =	swait.ge [sflag:s20], $0x4000  }
0x53: {  	[sflag:s20] =	ssyncset.done $0x0  }
0x54: {  	[sflag:s20] =	ssyncadd.s32 $0xFFFFC000  }
0x55: {  	[spmem:s2] =	stream.indirect.scatter.add.f32 [tilespmem:s19], [sflag:$0x3], $0x80, s23, s16, $0xb8;
	[tilespmem:$0x1E800] =	vst v63  }
0x56: {  	_ =	swait.ge [sflag:s14], $0x4000  }
0x57: {  	[sflag:s14] =	ssyncset.done $0x0  }
0x58: {  	s25 =	simm.s32 $0x0;
	[sflag:s14] =	ssyncadd.s32 $0xFFFFC000  }
0x59: {  	[tilespmem:s25], [sflag:$0x3] =	stream.linear.gather [hbm4b:s11+s25], $0x1400, $0x38;
	[tilespmem:$0x1E800] =	vst v63  }
0x5a: {  	_ =	swait.ge [sflag:s14], $0x1400  }
0x5b: {  	[sflag:s14] =	ssyncset.done $0x0  }
0x5c: {  	[sflag:s14] =	ssyncadd.s32 $0xFFFFEC00  }
0x5d: {  	[tilespmem:s15], [sflag:$0x3] =	stream.linear.gather [hbm4b:s12+s25], $0x1400, $0x38;
	[tilespmem:$0x1E800] =	vst v63  }
0x5e: {  	_ =	swait.ge [sflag:s14], $0x1400  }
0x5f: {  	[sflag:s14] =	ssyncset.done $0x0  }
0x60: {  	[sflag:s14] =	ssyncadd.s32 $0xFFFFEC00  }
0x61: {  	[tilespmem:s17], [sflag:$0x1] =	stream.indirect.gather [hbm4b:s4+s16], $0x80, s25, s16, $0xb8;
	[tilespmem:$0x1E800] =	vst v63  }
0x62: {  	_ =	swait.ge [sflag:s18], $0x4000  }
0x63: {  	[sflag:s18] =	ssyncset.done $0x0  }
0x64: {  	s28 =	simm.s32 $0x80;
	[sflag:s18] =	ssyncadd.s32 $0xFFFFC000  }
0x65: {  	[tilespmem:s19], [sflag:$0x2] =	stream.indirect.gather [hbm4b:s4+s16], $0x80, s28, s16, $0xb8;
	[tilespmem:$0x1E800] =	vst v63  }
0x66: {  	s29 =	simm.s32 $0x1400  }
0x67: {  	[spmem:s2] =	stream.indirect.scatter.add.f32 [tilespmem:s17], [sflag:$0x3], $0x80, s29, s16, $0xb8;
	[tilespmem:$0x1E800] =	vst v63  }
0x68: {  	_ =	swait.ge [sflag:s14], $0x4000  }
0x69: {  	[sflag:s14] =	ssyncset.done $0x0  }
0x6a: {  	[sflag:s14] =	ssyncadd.s32 $0xFFFFC000  }
0x6b: {  	_ =	swait.ge [sflag:s20], $0x4000  }
0x6c: {  	[sflag:s20] =	ssyncset.done $0x0  }
0x6d: {  	s30 =	simm.s32 $0x100;
	[sflag:s20] =	ssyncadd.s32 $0xFFFFC000  }
0x6e: {  	[tilespmem:s17], [sflag:$0x1] =	stream.indirect.gather [hbm4b:s4+s16], $0x80, s30, s16, $0xb8;
	[tilespmem:$0x1E800] =	vst v63  }
0x6f: {  	s31 =	simm.s32 $0x1480  }
0x70: {  	[spmem:s2] =	stream.indirect.scatter.add.f32 [tilespmem:s19], [sflag:$0x3], $0x80, s31, s16, $0xb8;
	[tilespmem:$0x1E800] =	vst v63  }
0x71: {  	_ =	swait.ge [sflag:s14], $0x4000  }
0x72: {  	s25 =	simm.s32 $0x400;
	[sflag:s14] =	ssyncset.done $0x0  }
.LBB2_4:
0x73: {  	p0 =	sne.s32 s25, $0x4800  }
0x74: {  	[sflag:s14] =	ssyncadd.s32 $0xFFFFC000;
	s26 =	smov.u32 s25;
	s25 =	sadd.s32 $0x400, s25  }
0x75: {  	_ = 	snop  }
0x76: {  	_ =	swait.ge [sflag:s18], $0x4000  }
0x77: {  	s26 =	sshra.s32 s26, $0x2;
	[sflag:s18] =	ssyncset.done $0x0  }
0x78: {  	s28 =	sadd.s32 $0x80, s26;
	[sflag:s18] =	ssyncadd.s32 $0xFFFFC000  }
0x79: {  	[tilespmem:s19], [sflag:$0x2] =	stream.indirect.gather [hbm4b:s4+s16], $0x80, s28, s16, $0xb8;
	[tilespmem:$0x1E800] =	vst v63  }
0x7a: {  	s28 =	sadd.s32 $0x1400, s26  }
0x7b: {  	[spmem:s2] =	stream.indirect.scatter.add.f32 [tilespmem:s17], [sflag:$0x3], $0x80, s28, s16, $0xb8;
	[tilespmem:$0x1E800] =	vst v63  }
0x7c: {  	_ =	swait.ge [sflag:s14], $0x4000  }
0x7d: {  	[sflag:s14] =	ssyncset.done $0x0  }
0x7e: {  	[sflag:s14] =	ssyncadd.s32 $0xFFFFC000  }
0x7f: {  	_ =	swait.ge [sflag:s20], $0x4000  }
0x80: {  	[sflag:s20] =	ssyncset.done $0x0  }
0x81: {  	s28 =	sadd.s32 $0x100, s26;
	[sflag:s20] =	ssyncadd.s32 $0xFFFFC000  }
0x82: {  	[tilespmem:s17], [sflag:$0x1] =	stream.indirect.gather [hbm4b:s4+s16], $0x80, s28, s16, $0xb8;
	[tilespmem:$0x1E800] =	vst v63  }
.Ltmp1:
0x83: {  	_ = 	snop;
	(pc) =	sbr.rel @p0 .LBB2_4-.Ltmp1, $4  }
0x84: {  	s26 =	sadd.s32 $0x1480, s26  }
0x85: {  	[spmem:s2] =	stream.indirect.scatter.add.f32 [tilespmem:s19], [sflag:$0x3], $0x80, s26, s16, $0xb8;
	[tilespmem:$0x1E800] =	vst v63  }
0x86: {  	_ =	swait.ge [sflag:s14], $0x4000  }
0x87: {  	[sflag:s14] =	ssyncset.done $0x0  }
0x88: {  	[sflag:s14] =	ssyncadd.s32 $0xFFFFC000  }
0x89: {  	_ =	swait.ge [sflag:s18], $0x4000  }
0x8a: {  	[sflag:s18] =	ssyncset.done $0x0  }
0x8b: {  	[sflag:s18] =	ssyncadd.s32 $0xFFFFC000  }
0x8c: {  	[tilespmem:s19], [sflag:$0x2] =	stream.indirect.gather [hbm4b:s4+s16], $0x80, s21, s16, $0xb8;
	[tilespmem:$0x1E800] =	vst v63  }
0x8d: {  	_ = 	snop  }
0x8e: {  	[spmem:s2] =	stream.indirect.scatter.add.f32 [tilespmem:s17], [sflag:$0x3], $0x80, s22, s16, $0xb8;
	[tilespmem:$0x1E800] =	vst v63  }
0x8f: {  	_ =	swait.ge [sflag:s14], $0x4000  }
0x90: {  	[sflag:s14] =	ssyncset.done $0x0  }
0x91: {  	[sflag:s14] =	ssyncadd.s32 $0xFFFFC000  }
0x92: {  	_ =	swait.ge [sflag:s20], $0x4000  }
0x93: {  	[sflag:s20] =	ssyncset.done $0x0  }
0x94: {  	[sflag:s20] =	ssyncadd.s32 $0xFFFFC000  }
0x95: {  	[spmem:s2] =	stream.indirect.scatter.add.f32 [tilespmem:s19], [sflag:$0x3], $0x80, s23, s16, $0xb8;
	[tilespmem:$0x1E800] =	vst v63  }
0x96: {  	_ =	swait.ge [sflag:s14], $0x4000  }
0x97: {  	s24 =	sadd.s32 $0x1, s24;
	[sflag:s14] =	ssyncset.done $0x0  }
0x98: {  	p0 =	sne.s32 s24, s8;
	[sflag:s14] =	ssyncadd.s32 $0xFFFFC000  }
.Ltmp2:
0x99: {  	[bflag:$0x0] =	sbarrier.arrive $0xFFFF;
	(pc) =	sbr.rel @p0 .LBB2_1-.Ltmp2, $4  }
0x9a: {  	[hbm:s7], [sflag:s6] =	dma.local [spmem:s13], $0x2800  }
0x9b: {  	_ =	swait.ge [sflag:s14], $0x2800  }
0x9c: {  	[sflag:s14] =	ssyncset.done $0x0  }
0x9d: {  	[sflag:s14] =	ssyncadd.s32 $0xFFFFD800  }
0x9e: {  	_ =	sfence.sel $0x180000  }
0x9f: {  	[bflag:$0x0] =	sbarrier.arrive $0xFFFF  }
0xa0: {  	p0 =	sne.s32 s1, $0x0;
	_ =	strace $0x90000056  }
0xa1: {  	s0 =	sadd.s32 @!p0 $0x100000, s0;
	[bflag:$0x2] =	sbarrier.arrive $0xFFFF  }
0xa2: {  	[sflag:s0] =	ssyncadd.tile.s32 @!p0 $0x1;
	_ =	shalt  }
.Lfunc_end2:
_tile_overlayer_lowered:
.L_overlay_start_2:
0xa3: {  	(tag) =	ssettag $0x2  }
0xa4: {  	s0 =	rddreg [dreg:$0x0];
	s2 =	stileid.u32  }
0xa5: {  	s1 =	rddreg [dreg:$0x1];
	p0 =	sne.s32 s2, $0x0  }
0xa6: {  	s3 =	rddreg [dreg:$0x2];
	[bflag:$0x3] =	sbarrier.arrive $0xFFFF;
	s2 =	simm.s32 @!p0 $0x1C03  }
0xa7: {  	[timem:s3], [sflag:s2] =	dma.local @!p0 [hbm:s0], s1  }
0xa8: {  	s0 =	simm.s32 @!p0 $0x3  }
0xa9: {  	_ =	swait.ge @!p0 [sflag:s0], s1  }
0xaa: {  	s1 =	ssub.s32 @!p0 $0x0, s1;
	[sflag:s0] =	ssyncset.done @!p0 $0x0  }
0xab: {  	[sflag:s0] =	ssyncadd.s32 @!p0 s1  }
0xac: {  	[bflag:$0x3] =	sbarrier.arrive $0xFFFF  }
0xad: {  	_ =	shalt  }

</sc_bundles>
